<compile_context>
chip_gen: v7x
topology: tpu7x:2x2x1
jax: 0.10.2.dev20260603
libtpu: 0.0.44.dev20260713+nightly
codegen_flags: <defaults>
</compile_context>

<pallas_src>
import functools

import jax
import jax.numpy as jnp
from jax import lax
from jax.experimental import pallas as pl
from jax.experimental.pallas import tpu as pltpu
from jax.experimental.pallas import tpu_sc as plsc

N = 1_000_000
D = 16
L = 16
NC, NS = 2, 16
NW = NC * NS

TILE_STRIDE = 31232
CHUNK_ROWS = 1408
GROUPS = CHUNK_ROWS // L
NBUF = 4
SUPERS = 6
CHUNKS = SUPERS * NBUF
MAX_OFF = 999936 - CHUNK_ROWS
TAIL = 128

_mesh = plsc.VectorSubcoreMesh(
    core_axis_name="c", subcore_axis_name="s", num_cores=NC, num_subcores=NS)

F32_INF = float("inf")
I32_MAX = 2**31 - 1


@functools.partial(
    pl.kernel,
    out_type=(
        jax.ShapeDtypeStruct((NW, L), jnp.float32),
        jax.ShapeDtypeStruct((NW, L), jnp.int32),
    ),
    mesh=_mesh,
    scratch_types=[
        pltpu.VMEM((D, CHUNK_ROWS), jnp.float32),
        pltpu.VMEM((D, CHUNK_ROWS), jnp.float32),
        pltpu.VMEM((D, CHUNK_ROWS), jnp.float32),
        pltpu.VMEM((D, CHUNK_ROWS), jnp.float32),
        pltpu.VMEM((L,), jnp.float32),
        pltpu.VMEM((L,), jnp.float32),
        pltpu.VMEM((L,), jnp.int32),
        pltpu.SemaphoreType.DMA,
        pltpu.SemaphoreType.DMA,
        pltpu.SemaphoreType.DMA,
        pltpu.SemaphoreType.DMA,
    ],
    compiler_params=pltpu.CompilerParams(needs_layout_passes=False),
)
def _scan_kernel(q_hbm, keyst_hbm, bd_hbm, bi_hbm, buf0, buf1, buf2, buf3,
                 q_v, od_v, oi_v, sem0, sem1, sem2, sem3):
    wid = lax.axis_index("c") * NS + lax.axis_index("s")
    sems = (sem0, sem1, sem2, sem3)
    bufs = (buf0, buf1, buf2, buf3)

    pltpu.sync_copy(q_hbm, q_v)
    q2 = q_v[...] * 2.0
    qb = [q2.at[jnp.full((L,), d, dtype=jnp.int32)]
          .get(mode="promise_in_bounds") for d in range(D)]
    lane = lax.iota(jnp.int32, L)

    def chunk_off(c):
        return jnp.minimum(wid * TILE_STRIDE + c * CHUNK_ROWS, MAX_OFF)

    def start(b, c):
        pltpu.async_copy(
            keyst_hbm.at[:, pl.ds(chunk_off(c), CHUNK_ROWS)],
            bufs[b], sems[b])

    def wait(b):
        pltpu.make_async_copy(
            keyst_hbm.at[:, pl.ds(0, CHUNK_ROWS)], bufs[b], sems[b]).wait()

    best_d = jnp.full((L,), F32_INF, dtype=jnp.float32)
    best_i = jnp.full((L,), I32_MAX, dtype=jnp.int32)

    for b in range(NBUF):
        start(b, b)

    def super_body(sidx, carry):
        bd, bi = carry
        for b in range(NBUF):
            cn = sidx * NBUF + b
            wait(b)
            off = chunk_off(cn)
            cbuf = bufs[b]

            def gbody(g, carry, cbuf=cbuf):
                bd, bi, row = carry
                j0 = g * (2 * L)
                for u in range(2):
                    j = j0 + u * L
                    ts = [None] * D
                    for d in range(D):
                        v = cbuf[d, pl.ds(j, L)]
                        ts[d] = v * (v - qb[d])
                    while len(ts) > 1:
                        ts = [a + b_ for a, b_ in zip(ts[0::2], ts[1::2])]
                    acc = ts[0]
                    lt = acc < bd
                    bd = jnp.where(lt, acc, bd)
                    bi = jnp.where(lt, row, bi)
                    row = row + L
                return bd, bi, row

            bd, bi, _ = lax.fori_loop(
                0, GROUPS // 2, gbody, (bd, bi, lane + off))

            @pl.when(sidx < SUPERS - 1)
            def _(b=b, cn=cn):
                start(b, cn + NBUF)

        return bd, bi

    best_d, best_i = lax.fori_loop(0, SUPERS, super_body, (best_d, best_i))

    od_v[...] = best_d
    oi_v[...] = best_i
    pltpu.sync_copy(od_v, bd_hbm.at[wid])
    pltpu.sync_copy(oi_v, bi_hbm.at[wid])


def _merge_tc_body(bd_ref, bi_ref, q_ref, tail_ref, valuest_hbm, out_ref,
                   blk_v, sem):
    bd = bd_ref[...]
    bi = bi_ref[...]
    m1 = jnp.min(bd)
    win1 = jnp.min(jnp.where(bd == m1, bi, I32_MAX))
    q_col = q_ref[0].reshape(D, 1)
    tail = tail_ref[...]
    td = jnp.sum(tail * (tail - 2.0 * q_col), axis=0, keepdims=True)
    m2 = jnp.min(td)
    jidx = lax.broadcasted_iota(jnp.int32, (1, TAIL), 1) + (N - TAIL)
    win2 = jnp.min(jnp.where(td == m2, jidx, I32_MAX))
    take2 = (m2 < m1) | ((m2 == m1) & (win2 < win1))
    win = jnp.where(take2, win2, win1)
    base = jnp.minimum((win // 128) * 128, N - 128)
    base = pl.multiple_of(base, 128)
    copy = pltpu.make_async_copy(
        valuest_hbm.at[:, pl.ds(base, 128)], blk_v, sem)
    copy.start()
    copy.wait()
    sel = lax.broadcasted_iota(jnp.int32, (1, 128), 1) == (win - base)
    row = jnp.sum(jnp.where(sel, blk_v[...], 0.0), axis=1)
    out_ref[0, 0] = jnp.sum(row * q_ref[0])


_merge_tc = pl.pallas_call(
    _merge_tc_body,
    out_shape=jax.ShapeDtypeStruct((1, 1), jnp.float32),
    in_specs=[
        pl.BlockSpec(memory_space=pltpu.VMEM),
        pl.BlockSpec(memory_space=pltpu.VMEM),
        pl.BlockSpec(memory_space=pltpu.VMEM),
        pl.BlockSpec(memory_space=pltpu.VMEM),
        pl.BlockSpec(memory_space=pltpu.HBM),
    ],
    out_specs=pl.BlockSpec(memory_space=pltpu.SMEM),
    scratch_shapes=[
        pltpu.VMEM((D, 128), jnp.float32),
        pltpu.SemaphoreType.DMA,
    ],
)


def kernel(query, keys, values):
    keys_t = keys.T
    bd, bi = _scan_kernel(query, keys_t)
    out = _merge_tc(bd, bi, query.reshape(1, D), keys_t[:, N - TAIL:],
                    values.T)
    return out[0]

# --- scband reference (transcript-rebuilt; emitter-appended) ---
"""Pipeline reference for scband-neural-dictionary-v7-19430432047763 (READ-ONLY COPY).

The authoritative reference and input builder live on the scoring server;
editing this copy changes nothing except your own understanding.
"""

import jax, jax.numpy as jnp
import numpy as np


def setup_inputs(seed: int = 0) -> dict:
    key = jax.random.key(seed)
    k1, k2, k3 = jax.random.split(key, 3)
    query = jax.random.normal(k1, (16,), dtype=jnp.float32)
    # State accumulated via update(): faiss IndexFlatL2 keys and the values Parameter
    keys = jax.random.normal(k2, (1000000, 16), dtype=jnp.float32)
    values = jax.random.normal(k3, (1000000, 16), dtype=jnp.float32)
    return {"query": query, "keys": keys, "values": values}


def reference(query, keys, values):
    # faiss IndexFlatL2.search(q, 1): exact L2 nearest neighbor over all stored keys
    # ||k - q||^2 = ||k||^2 - 2 k.q + ||q||^2
    dists = jnp.sum(keys * keys, axis=1) - 2.0 * (keys @ query) + jnp.sum(query * query)
    _, ids = jax.lax.top_k(-dists, 1)  # top-1 nearest neighbor -> ids shape (1,)
    # torch: values[id] has shape (1, d); matmul((1, d), (d,)) -> (1,)
    out = jnp.matmul(values[ids], query)
    return out

if __name__ == "__main__":
    import jax
    _d = setup_inputs()
    print(jax.jit(kernel)(*tuple(_d.values())))

</pallas_src>

<mosaic_0001>
#map = affine_map<(d0, d1) -> (0)>
#map1 = affine_map<(d0, d1) -> (0, 0)>
module attributes {stable_mosaic.version = 14 : i64} {
  func.func @_scan_kernel(%arg0: i32, %arg1: i32, %arg2: memref<16xf32, #tpu.memory_space<hbm>>, %arg3: memref<16x1000000xf32, #tpu.memory_space<hbm>>, %arg4: memref<32x16xf32, #tpu.memory_space<hbm>>, %arg5: memref<32x16xi32, #tpu.memory_space<hbm>>, %arg6: memref<16x1408xf32, #tpu.memory_space<vmem>>, %arg7: memref<16x1408xf32, #tpu.memory_space<vmem>>, %arg8: memref<16x1408xf32, #tpu.memory_space<vmem>>, %arg9: memref<16x1408xf32, #tpu.memory_space<vmem>>, %arg10: memref<16xf32, #tpu.memory_space<vmem>>, %arg11: memref<16xf32, #tpu.memory_space<vmem>>, %arg12: memref<16xi32, #tpu.memory_space<vmem>>, %arg13: memref<!tpu.dma_semaphore, #tpu.memory_space<semaphore_mem>>, %arg14: memref<!tpu.dma_semaphore, #tpu.memory_space<semaphore_mem>>, %arg15: memref<!tpu.dma_semaphore, #tpu.memory_space<semaphore_mem>>, %arg16: memref<!tpu.dma_semaphore, #tpu.memory_space<semaphore_mem>>) attributes {dimension_semantics = [#tpu.dimension_semantics<core_parallel>, #tpu.dimension_semantics<subcore_parallel>], iteration_bounds = array<i64: 2, 16>, scalar_prefetch = 0 : i64, scratch_operands = 11 : i64, tpu.core_type = #tpu.core_type<sc_vector_subcore>, window_params = [{transform_indices = #map}, {transform_indices = #map1}, {transform_indices = #map1}, {transform_indices = #map1}]} {
    %mul3A = arith.constant 16 : i32
    %mul3A_0 = arith.muli %arg0, %mul3A : i32
    %add3A = arith.addi %mul3A_0, %arg1 : i32
    "tpu.region"() ({
      %run_scoped3A = tpu.sem_alloc : memref<!tpu.dma_semaphore, #tpu.memory_space<semaphore_mem>>
      tpu.enqueue_dma source(%arg2 : memref<16xf32, #tpu.memory_space<hbm>>) target(%arg10 : memref<16xf32, #tpu.memory_space<vmem>>) target_semaphore(%run_scoped3A : memref<!tpu.dma_semaphore, #tpu.memory_space<semaphore_mem>>)
      tpu.wait_dma2 semaphore(%run_scoped3A : memref<!tpu.dma_semaphore, #tpu.memory_space<semaphore_mem>>) src(%arg2 : memref<16xf32, #tpu.memory_space<hbm>>) dst(%arg10 : memref<16xf32, #tpu.memory_space<vmem>>)
      tpu.yield
    }) : () -> ()
    %get3A = arith.constant 0 : index
    %get3A_1 = tpu.vector_load %arg10[%get3A] {strides = array<i32>} : memref<16xf32, #tpu.memory_space<vmem>>, vector<16xf32>,
    %mul3A_2 = arith.constant 2.000000e+00 : f32
    %mul3A_3 = vector.broadcast %mul3A_2 : f32 to vector<16xf32>
    %mul3A_4 = arith.mulf %get3A_1, %mul3A_3 : vector<16xf32>
    %broadcast_in_dim3A = arith.constant 0 : i32
    %broadcast_in_dim3A_5 = vector.broadcast %broadcast_in_dim3A : i32 to vector<16xi32>
    %lt3A = arith.constant 0 : i32
    %lt3A_6 = vector.broadcast %lt3A : i32 to vector<16xi32>
    %lt3A_7 = arith.cmpi slt, %broadcast_in_dim3A_5, %lt3A_6 : vector<16xi32>
    %add3A_8 = arith.constant 16 : i32
    %add3A_9 = vector.broadcast %add3A_8 : i32 to vector<16xi32>
    %add3A_10 = arith.addi %broadcast_in_dim3A_5, %add3A_9 : vector<16xi32>
    %select_n3A = arith.select %lt3A_7, %add3A_10, %broadcast_in_dim3A_5 : vector<16xi1>, vector<16xi32>
    %broadcast_in_dim3A_11 = vector.shape_cast %select_n3A : vector<16xi32> to vector<16x1xi32>
    %gather3A = vector.shape_cast %broadcast_in_dim3A_11 : vector<16x1xi32> to vector<16xi32>
    %gather3A_12 = tpu.dynamic_gather %mul3A_4[%gather3A] in [0] : vector<16xf32>, vector<16xi32> -> vector<16xf32>
    %broadcast_in_dim3A_13 = arith.constant 1 : i32
    %broadcast_in_dim3A_14 = vector.broadcast %broadcast_in_dim3A_13 : i32 to vector<16xi32>
    %lt3A_15 = arith.constant 0 : i32
    %lt3A_16 = vector.broadcast %lt3A_15 : i32 to vector<16xi32>
    %lt3A_17 = arith.cmpi slt, %broadcast_in_dim3A_14, %lt3A_16 : vector<16xi32>
    %add3A_18 = arith.constant 16 : i32
    %add3A_19 = vector.broadcast %add3A_18 : i32 to vector<16xi32>
    %add3A_20 = arith.addi %broadcast_in_dim3A_14, %add3A_19 : vector<16xi32>
    %select_n3A_21 = arith.select %lt3A_17, %add3A_20, %broadcast_in_dim3A_14 : vector<16xi1>, vector<16xi32>
    %broadcast_in_dim3A_22 = vector.shape_cast %select_n3A_21 : vector<16xi32> to vector<16x1xi32>
    %gather3A_23 = vector.shape_cast %broadcast_in_dim3A_22 : vector<16x1xi32> to vector<16xi32>
    %gather3A_24 = tpu.dynamic_gather %mul3A_4[%gather3A_23] in [0] : vector<16xf32>, vector<16xi32> -> vector<16xf32>
    %broadcast_in_dim3A_25 = arith.constant 2 : i32
    %broadcast_in_dim3A_26 = vector.broadcast %broadcast_in_dim3A_25 : i32 to vector<16xi32>
    %lt3A_27 = arith.constant 0 : i32
    %lt3A_28 = vector.broadcast %lt3A_27 : i32 to vector<16xi32>
    %lt3A_29 = arith.cmpi slt, %broadcast_in_dim3A_26, %lt3A_28 : vector<16xi32>
    %add3A_30 = arith.constant 16 : i32
    %add3A_31 = vector.broadcast %add3A_30 : i32 to vector<16xi32>
    %add3A_32 = arith.addi %broadcast_in_dim3A_26, %add3A_31 : vector<16xi32>
    %select_n3A_33 = arith.select %lt3A_29, %add3A_32, %broadcast_in_dim3A_26 : vector<16xi1>, vector<16xi32>
    %broadcast_in_dim3A_34 = vector.shape_cast %select_n3A_33 : vector<16xi32> to vector<16x1xi32>
    %gather3A_35 = vector.shape_cast %broadcast_in_dim3A_34 : vector<16x1xi32> to vector<16xi32>
    %gather3A_36 = tpu.dynamic_gather %mul3A_4[%gather3A_35] in [0] : vector<16xf32>, vector<16xi32> -> vector<16xf32>
    %broadcast_in_dim3A_37 = arith.constant 3 : i32
    %broadcast_in_dim3A_38 = vector.broadcast %broadcast_in_dim3A_37 : i32 to vector<16xi32>
    %lt3A_39 = arith.constant 0 : i32
    %lt3A_40 = vector.broadcast %lt3A_39 : i32 to vector<16xi32>
    %lt3A_41 = arith.cmpi slt, %broadcast_in_dim3A_38, %lt3A_40 : vector<16xi32>
    %add3A_42 = arith.constant 16 : i32
    %add3A_43 = vector.broadcast %add3A_42 : i32 to vector<16xi32>
    %add3A_44 = arith.addi %broadcast_in_dim3A_38, %add3A_43 : vector<16xi32>
    %select_n3A_45 = arith.select %lt3A_41, %add3A_44, %broadcast_in_dim3A_38 : vector<16xi1>, vector<16xi32>
    %broadcast_in_dim3A_46 = vector.shape_cast %select_n3A_45 : vector<16xi32> to vector<16x1xi32>
    %gather3A_47 = vector.shape_cast %broadcast_in_dim3A_46 : vector<16x1xi32> to vector<16xi32>
    %gather3A_48 = tpu.dynamic_gather %mul3A_4[%gather3A_47] in [0] : vector<16xf32>, vector<16xi32> -> vector<16xf32>
    %broadcast_in_dim3A_49 = arith.constant 4 : i32
    %broadcast_in_dim3A_50 = vector.broadcast %broadcast_in_dim3A_49 : i32 to vector<16xi32>
    %lt3A_51 = arith.constant 0 : i32
    %lt3A_52 = vector.broadcast %lt3A_51 : i32 to vector<16xi32>
    %lt3A_53 = arith.cmpi slt, %broadcast_in_dim3A_50, %lt3A_52 : vector<16xi32>
    %add3A_54 = arith.constant 16 : i32
    %add3A_55 = vector.broadcast %add3A_54 : i32 to vector<16xi32>
    %add3A_56 = arith.addi %broadcast_in_dim3A_50, %add3A_55 : vector<16xi32>
    %select_n3A_57 = arith.select %lt3A_53, %add3A_56, %broadcast_in_dim3A_50 : vector<16xi1>, vector<16xi32>
    %broadcast_in_dim3A_58 = vector.shape_cast %select_n3A_57 : vector<16xi32> to vector<16x1xi32>
    %gather3A_59 = vector.shape_cast %broadcast_in_dim3A_58 : vector<16x1xi32> to vector<16xi32>
    %gather3A_60 = tpu.dynamic_gather %mul3A_4[%gather3A_59] in [0] : vector<16xf32>, vector<16xi32> -> vector<16xf32>
    %broadcast_in_dim3A_61 = arith.constant 5 : i32
    %broadcast_in_dim3A_62 = vector.broadcast %broadcast_in_dim3A_61 : i32 to vector<16xi32>
    %lt3A_63 = arith.constant 0 : i32
    %lt3A_64 = vector.broadcast %lt3A_63 : i32 to vector<16xi32>
    %lt3A_65 = arith.cmpi slt, %broadcast_in_dim3A_62, %lt3A_64 : vector<16xi32>
    %add3A_66 = arith.constant 16 : i32
    %add3A_67 = vector.broadcast %add3A_66 : i32 to vector<16xi32>
    %add3A_68 = arith.addi %broadcast_in_dim3A_62, %add3A_67 : vector<16xi32>
    %select_n3A_69 = arith.select %lt3A_65, %add3A_68, %broadcast_in_dim3A_62 : vector<16xi1>, vector<16xi32>
    %broadcast_in_dim3A_70 = vector.shape_cast %select_n3A_69 : vector<16xi32> to vector<16x1xi32>
    %gather3A_71 = vector.shape_cast %broadcast_in_dim3A_70 : vector<16x1xi32> to vector<16xi32>
    %gather3A_72 = tpu.dynamic_gather %mul3A_4[%gather3A_71] in [0] : vector<16xf32>, vector<16xi32> -> vector<16xf32>
    %broadcast_in_dim3A_73 = arith.constant 6 : i32
    %broadcast_in_dim3A_74 = vector.broadcast %broadcast_in_dim3A_73 : i32 to vector<16xi32>
    %lt3A_75 = arith.constant 0 : i32
    %lt3A_76 = vector.broadcast %lt3A_75 : i32 to vector<16xi32>
    %lt3A_77 = arith.cmpi slt, %broadcast_in_dim3A_74, %lt3A_76 : vector<16xi32>
    %add3A_78 = arith.constant 16 : i32
    %add3A_79 = vector.broadcast %add3A_78 : i32 to vector<16xi32>
    %add3A_80 = arith.addi %broadcast_in_dim3A_74, %add3A_79 : vector<16xi32>
    %select_n3A_81 = arith.select %lt3A_77, %add3A_80, %broadcast_in_dim3A_74 : vector<16xi1>, vector<16xi32>
    %broadcast_in_dim3A_82 = vector.shape_cast %select_n3A_81 : vector<16xi32> to vector<16x1xi32>
    %gather3A_83 = vector.shape_cast %broadcast_in_dim3A_82 : vector<16x1xi32> to vector<16xi32>
    %gather3A_84 = tpu.dynamic_gather %mul3A_4[%gather3A_83] in [0] : vector<16xf32>, vector<16xi32> -> vector<16xf32>
    %broadcast_in_dim3A_85 = arith.constant 7 : i32
    %broadcast_in_dim3A_86 = vector.broadcast %broadcast_in_dim3A_85 : i32 to vector<16xi32>
    %lt3A_87 = arith.constant 0 : i32
    %lt3A_88 = vector.broadcast %lt3A_87 : i32 to vector<16xi32>
    %lt3A_89 = arith.cmpi slt, %broadcast_in_dim3A_86, %lt3A_88 : vector<16xi32>
    %add3A_90 = arith.constant 16 : i32
    %add3A_91 = vector.broadcast %add3A_90 : i32 to vector<16xi32>
    %add3A_92 = arith.addi %broadcast_in_dim3A_86, %add3A_91 : vector<16xi32>
    %select_n3A_93 = arith.select %lt3A_89, %add3A_92, %broadcast_in_dim3A_86 : vector<16xi1>, vector<16xi32>
    %broadcast_in_dim3A_94 = vector.shape_cast %select_n3A_93 : vector<16xi32> to vector<16x1xi32>
    %gather3A_95 = vector.shape_cast %broadcast_in_dim3A_94 : vector<16x1xi32> to vector<16xi32>
    %gather3A_96 = tpu.dynamic_gather %mul3A_4[%gather3A_95] in [0] : vector<16xf32>, vector<16xi32> -> vector<16xf32>
    %broadcast_in_dim3A_97 = arith.constant 8 : i32
    %broadcast_in_dim3A_98 = vector.broadcast %broadcast_in_dim3A_97 : i32 to vector<16xi32>
    %lt3A_99 = arith.constant 0 : i32
    %lt3A_100 = vector.broadcast %lt3A_99 : i32 to vector<16xi32>
    %lt3A_101 = arith.cmpi slt, %broadcast_in_dim3A_98, %lt3A_100 : vector<16xi32>
    %add3A_102 = arith.constant 16 : i32
    %add3A_103 = vector.broadcast %add3A_102 : i32 to vector<16xi32>
    %add3A_104 = arith.addi %broadcast_in_dim3A_98, %add3A_103 : vector<16xi32>
    %select_n3A_105 = arith.select %lt3A_101, %add3A_104, %broadcast_in_dim3A_98 : vector<16xi1>, vector<16xi32>
    %broadcast_in_dim3A_106 = vector.shape_cast %select_n3A_105 : vector<16xi32> to vector<16x1xi32>
    %gather3A_107 = vector.shape_cast %broadcast_in_dim3A_106 : vector<16x1xi32> to vector<16xi32>
    %gather3A_108 = tpu.dynamic_gather %mul3A_4[%gather3A_107] in [0] : vector<16xf32>, vector<16xi32> -> vector<16xf32>
    %broadcast_in_dim3A_109 = arith.constant 9 : i32
    %broadcast_in_dim3A_110 = vector.broadcast %broadcast_in_dim3A_109 : i32 to vector<16xi32>
    %lt3A_111 = arith.constant 0 : i32
    %lt3A_112 = vector.broadcast %lt3A_111 : i32 to vector<16xi32>
    %lt3A_113 = arith.cmpi slt, %broadcast_in_dim3A_110, %lt3A_112 : vector<16xi32>
    %add3A_114 = arith.constant 16 : i32
    %add3A_115 = vector.broadcast %add3A_114 : i32 to vector<16xi32>
    %add3A_116 = arith.addi %broadcast_in_dim3A_110, %add3A_115 : vector<16xi32>
    %select_n3A_117 = arith.select %lt3A_113, %add3A_116, %broadcast_in_dim3A_110 : vector<16xi1>, vector<16xi32>
    %broadcast_in_dim3A_118 = vector.shape_cast %select_n3A_117 : vector<16xi32> to vector<16x1xi32>
    %gather3A_119 = vector.shape_cast %broadcast_in_dim3A_118 : vector<16x1xi32> to vector<16xi32>
    %gather3A_120 = tpu.dynamic_gather %mul3A_4[%gather3A_119] in [0] : vector<16xf32>, vector<16xi32> -> vector<16xf32>
    %broadcast_in_dim3A_121 = arith.constant 10 : i32
    %broadcast_in_dim3A_122 = vector.broadcast %broadcast_in_dim3A_121 : i32 to vector<16xi32>
    %lt3A_123 = arith.constant 0 : i32
    %lt3A_124 = vector.broadcast %lt3A_123 : i32 to vector<16xi32>
    %lt3A_125 = arith.cmpi slt, %broadcast_in_dim3A_122, %lt3A_124 : vector<16xi32>
    %add3A_126 = arith.constant 16 : i32
    %add3A_127 = vector.broadcast %add3A_126 : i32 to vector<16xi32>
    %add3A_128 = arith.addi %broadcast_in_dim3A_122, %add3A_127 : vector<16xi32>
    %select_n3A_129 = arith.select %lt3A_125, %add3A_128, %broadcast_in_dim3A_122 : vector<16xi1>, vector<16xi32>
    %broadcast_in_dim3A_130 = vector.shape_cast %select_n3A_129 : vector<16xi32> to vector<16x1xi32>
    %gather3A_131 = vector.shape_cast %broadcast_in_dim3A_130 : vector<16x1xi32> to vector<16xi32>
    %gather3A_132 = tpu.dynamic_gather %mul3A_4[%gather3A_131] in [0] : vector<16xf32>, vector<16xi32> -> vector<16xf32>
    %broadcast_in_dim3A_133 = arith.constant 11 : i32
    %broadcast_in_dim3A_134 = vector.broadcast %broadcast_in_dim3A_133 : i32 to vector<16xi32>
    %lt3A_135 = arith.constant 0 : i32
    %lt3A_136 = vector.broadcast %lt3A_135 : i32 to vector<16xi32>
    %lt3A_137 = arith.cmpi slt, %broadcast_in_dim3A_134, %lt3A_136 : vector<16xi32>
    %add3A_138 = arith.constant 16 : i32
    %add3A_139 = vector.broadcast %add3A_138 : i32 to vector<16xi32>
    %add3A_140 = arith.addi %broadcast_in_dim3A_134, %add3A_139 : vector<16xi32>
    %select_n3A_141 = arith.select %lt3A_137, %add3A_140, %broadcast_in_dim3A_134 : vector<16xi1>, vector<16xi32>
    %broadcast_in_dim3A_142 = vector.shape_cast %select_n3A_141 : vector<16xi32> to vector<16x1xi32>
    %gather3A_143 = vector.shape_cast %broadcast_in_dim3A_142 : vector<16x1xi32> to vector<16xi32>
    %gather3A_144 = tpu.dynamic_gather %mul3A_4[%gather3A_143] in [0] : vector<16xf32>, vector<16xi32> -> vector<16xf32>
    %broadcast_in_dim3A_145 = arith.constant 12 : i32
    %broadcast_in_dim3A_146 = vector.broadcast %broadcast_in_dim3A_145 : i32 to vector<16xi32>
    %lt3A_147 = arith.constant 0 : i32
    %lt3A_148 = vector.broadcast %lt3A_147 : i32 to vector<16xi32>
    %lt3A_149 = arith.cmpi slt, %broadcast_in_dim3A_146, %lt3A_148 : vector<16xi32>
    %add3A_150 = arith.constant 16 : i32
    %add3A_151 = vector.broadcast %add3A_150 : i32 to vector<16xi32>
    %add3A_152 = arith.addi %broadcast_in_dim3A_146, %add3A_151 : vector<16xi32>
    %select_n3A_153 = arith.select %lt3A_149, %add3A_152, %broadcast_in_dim3A_146 : vector<16xi1>, vector<16xi32>
    %broadcast_in_dim3A_154 = vector.shape_cast %select_n3A_153 : vector<16xi32> to vector<16x1xi32>
    %gather3A_155 = vector.shape_cast %broadcast_in_dim3A_154 : vector<16x1xi32> to vector<16xi32>
    %gather3A_156 = tpu.dynamic_gather %mul3A_4[%gather3A_155] in [0] : vector<16xf32>, vector<16xi32> -> vector<16xf32>
    %broadcast_in_dim3A_157 = arith.constant 13 : i32
    %broadcast_in_dim3A_158 = vector.broadcast %broadcast_in_dim3A_157 : i32 to vector<16xi32>
    %lt3A_159 = arith.constant 0 : i32
    %lt3A_160 = vector.broadcast %lt3A_159 : i32 to vector<16xi32>
    %lt3A_161 = arith.cmpi slt, %broadcast_in_dim3A_158, %lt3A_160 : vector<16xi32>
    %add3A_162 = arith.constant 16 : i32
    %add3A_163 = vector.broadcast %add3A_162 : i32 to vector<16xi32>
    %add3A_164 = arith.addi %broadcast_in_dim3A_158, %add3A_163 : vector<16xi32>
    %select_n3A_165 = arith.select %lt3A_161, %add3A_164, %broadcast_in_dim3A_158 : vector<16xi1>, vector<16xi32>
    %broadcast_in_dim3A_166 = vector.shape_cast %select_n3A_165 : vector<16xi32> to vector<16x1xi32>
    %gather3A_167 = vector.shape_cast %broadcast_in_dim3A_166 : vector<16x1xi32> to vector<16xi32>
    %gather3A_168 = tpu.dynamic_gather %mul3A_4[%gather3A_167] in [0] : vector<16xf32>, vector<16xi32> -> vector<16xf32>
    %broadcast_in_dim3A_169 = arith.constant 14 : i32
    %broadcast_in_dim3A_170 = vector.broadcast %broadcast_in_dim3A_169 : i32 to vector<16xi32>
    %lt3A_171 = arith.constant 0 : i32
    %lt3A_172 = vector.broadcast %lt3A_171 : i32 to vector<16xi32>
    %lt3A_173 = arith.cmpi slt, %broadcast_in_dim3A_170, %lt3A_172 : vector<16xi32>
    %add3A_174 = arith.constant 16 : i32
    %add3A_175 = vector.broadcast %add3A_174 : i32 to vector<16xi32>
    %add3A_176 = arith.addi %broadcast_in_dim3A_170, %add3A_175 : vector<16xi32>
    %select_n3A_177 = arith.select %lt3A_173, %add3A_176, %broadcast_in_dim3A_170 : vector<16xi1>, vector<16xi32>
    %broadcast_in_dim3A_178 = vector.shape_cast %select_n3A_177 : vector<16xi32> to vector<16x1xi32>
    %gather3A_179 = vector.shape_cast %broadcast_in_dim3A_178 : vector<16x1xi32> to vector<16xi32>
    %gather3A_180 = tpu.dynamic_gather %mul3A_4[%gather3A_179] in [0] : vector<16xf32>, vector<16xi32> -> vector<16xf32>
    %broadcast_in_dim3A_181 = arith.constant 15 : i32
    %broadcast_in_dim3A_182 = vector.broadcast %broadcast_in_dim3A_181 : i32 to vector<16xi32>
    %lt3A_183 = arith.constant 0 : i32
    %lt3A_184 = vector.broadcast %lt3A_183 : i32 to vector<16xi32>
    %lt3A_185 = arith.cmpi slt, %broadcast_in_dim3A_182, %lt3A_184 : vector<16xi32>
    %add3A_186 = arith.constant 16 : i32
    %add3A_187 = vector.broadcast %add3A_186 : i32 to vector<16xi32>
    %add3A_188 = arith.addi %broadcast_in_dim3A_182, %add3A_187 : vector<16xi32>
    %select_n3A_189 = arith.select %lt3A_185, %add3A_188, %broadcast_in_dim3A_182 : vector<16xi1>, vector<16xi32>
    %broadcast_in_dim3A_190 = vector.shape_cast %select_n3A_189 : vector<16xi32> to vector<16x1xi32>
    %gather3A_191 = vector.shape_cast %broadcast_in_dim3A_190 : vector<16x1xi32> to vector<16xi32>
    %gather3A_192 = tpu.dynamic_gather %mul3A_4[%gather3A_191] in [0] : vector<16xf32>, vector<16xi32> -> vector<16xf32>
    %iota3A = tpu.iota {dimensions = array<i32: 0>} : vector<16xi32>
    %broadcast_in_dim3A_193 = arith.constant 0x7F800000 : f32
    %broadcast_in_dim3A_194 = vector.broadcast %broadcast_in_dim3A_193 : f32 to vector<16xf32>
    %broadcast_in_dim3A_195 = arith.constant 2147483647 : i32
    %broadcast_in_dim3A_196 = vector.broadcast %broadcast_in_dim3A_195 : i32 to vector<16xi32>
    %mul3A_197 = arith.constant 31232 : i32
    %mul3A_198 = arith.muli %add3A, %mul3A_197 : i32
    %add3A_199 = arith.constant 0 : i32
    %add3A_200 = arith.addi %mul3A_198, %add3A_199 : i32
    %min3A = arith.constant 998528 : i32
    %min3A_201 = arith.minsi %add3A_200, %min3A : i32
    %dma_start3A = arith.constant 0 : i32
    %dma_start3A_202 = tpu.memref_slice %arg3[%dma_start3A, %min3A_201] : memref<16x1000000xf32, #tpu.memory_space<hbm>> -> memref<16x1408xf32, #tpu.memory_space<hbm>>
    %dma_start3A_203 = arith.constant 0 : i32
    %dma_start3A_204 = tpu.memref_slice %arg3[%dma_start3A_203, %min3A_201] : memref<16x1000000xf32, #tpu.memory_space<hbm>> -> memref<16x1408xf32, #tpu.memory_space<hbm>>
    tpu.enqueue_dma source(%dma_start3A_204 : memref<16x1408xf32, #tpu.memory_space<hbm>>) target(%arg6 : memref<16x1408xf32, #tpu.memory_space<vmem>>) target_semaphore(%arg13 : memref<!tpu.dma_semaphore, #tpu.memory_space<semaphore_mem>>)
    %mul3A_205 = arith.constant 31232 : i32
    %mul3A_206 = arith.muli %add3A, %mul3A_205 : i32
    %add3A_207 = arith.constant 1408 : i32
    %add3A_208 = arith.addi %mul3A_206, %add3A_207 : i32
    %min3A_209 = arith.constant 998528 : i32
    %min3A_210 = arith.minsi %add3A_208, %min3A_209 : i32
    %dma_start3A_211 = arith.constant 0 : i32
    %dma_start3A_212 = tpu.memref_slice %arg3[%dma_start3A_211, %min3A_210] : memref<16x1000000xf32, #tpu.memory_space<hbm>> -> memref<16x1408xf32, #tpu.memory_space<hbm>>
    %dma_start3A_213 = arith.constant 0 : i32
    %dma_start3A_214 = tpu.memref_slice %arg3[%dma_start3A_213, %min3A_210] : memref<16x1000000xf32, #tpu.memory_space<hbm>> -> memref<16x1408xf32, #tpu.memory_space<hbm>>
    tpu.enqueue_dma source(%dma_start3A_214 : memref<16x1408xf32, #tpu.memory_space<hbm>>) target(%arg7 : memref<16x1408xf32, #tpu.memory_space<vmem>>) target_semaphore(%arg14 : memref<!tpu.dma_semaphore, #tpu.memory_space<semaphore_mem>>)
    %mul3A_215 = arith.constant 31232 : i32
    %mul3A_216 = arith.muli %add3A, %mul3A_215 : i32
    %add3A_217 = arith.constant 2816 : i32
    %add3A_218 = arith.addi %mul3A_216, %add3A_217 : i32
    %min3A_219 = arith.constant 998528 : i32
    %min3A_220 = arith.minsi %add3A_218, %min3A_219 : i32
    %dma_start3A_221 = arith.constant 0 : i32
    %dma_start3A_222 = tpu.memref_slice %arg3[%dma_start3A_221, %min3A_220] : memref<16x1000000xf32, #tpu.memory_space<hbm>> -> memref<16x1408xf32, #tpu.memory_space<hbm>>
    %dma_start3A_223 = arith.constant 0 : i32
    %dma_start3A_224 = tpu.memref_slice %arg3[%dma_start3A_223, %min3A_220] : memref<16x1000000xf32, #tpu.memory_space<hbm>> -> memref<16x1408xf32, #tpu.memory_space<hbm>>
    tpu.enqueue_dma source(%dma_start3A_224 : memref<16x1408xf32, #tpu.memory_space<hbm>>) target(%arg8 : memref<16x1408xf32, #tpu.memory_space<vmem>>) target_semaphore(%arg15 : memref<!tpu.dma_semaphore, #tpu.memory_space<semaphore_mem>>)
    %mul3A_225 = arith.constant 31232 : i32
    %mul3A_226 = arith.muli %add3A, %mul3A_225 : i32
    %add3A_227 = arith.constant 4224 : i32
    %add3A_228 = arith.addi %mul3A_226, %add3A_227 : i32
    %min3A_229 = arith.constant 998528 : i32
    %min3A_230 = arith.minsi %add3A_228, %min3A_229 : i32
    %dma_start3A_231 = arith.constant 0 : i32
    %dma_start3A_232 = tpu.memref_slice %arg3[%dma_start3A_231, %min3A_230] : memref<16x1000000xf32, #tpu.memory_space<hbm>> -> memref<16x1408xf32, #tpu.memory_space<hbm>>
    %dma_start3A_233 = arith.constant 0 : i32
    %dma_start3A_234 = tpu.memref_slice %arg3[%dma_start3A_233, %min3A_230] : memref<16x1000000xf32, #tpu.memory_space<hbm>> -> memref<16x1408xf32, #tpu.memory_space<hbm>>
    tpu.enqueue_dma source(%dma_start3A_234 : memref<16x1408xf32, #tpu.memory_space<hbm>>) target(%arg9 : memref<16x1408xf32, #tpu.memory_space<vmem>>) target_semaphore(%arg16 : memref<!tpu.dma_semaphore, #tpu.memory_space<semaphore_mem>>)
    %scan3A = arith.constant 0 : i32
    %scan3A_235 = arith.constant 6 : i32
    %scan3A_236 = arith.addi %scan3A, %scan3A_235 : i32
    %scan3A_237 = arith.constant 1 : i32
    %scan3A_238:2 = scf.for %scan3A_243 = %scan3A to %scan3A_236 step %scan3A_237 iter_args(%scan3A_244 = %broadcast_in_dim3A_194, %scan3A_245 = %broadcast_in_dim3A_196) -> (vector<16xf32>, vector<16xi32>)  : i32 {
      %mul3A_246 = arith.constant 4 : i32
      %mul3A_247 = arith.muli %scan3A_243, %mul3A_246 : i32
      %add3A_248 = arith.constant 0 : i32
      %add3A_249 = arith.addi %mul3A_247, %add3A_248 : i32
      %dma_wait3A = arith.constant 0 : i32
      %dma_wait3A_250 = arith.constant 0 : i32
      %dma_wait3A_251 = tpu.memref_slice %arg3[%dma_wait3A, %dma_wait3A_250] : memref<16x1000000xf32, #tpu.memory_space<hbm>> -> memref<16x1408xf32, #tpu.memory_space<hbm>>
      %dma_wait3A_252 = arith.constant 0 : i32
      %dma_wait3A_253 = arith.constant 0 : i32
      %dma_wait3A_254 = tpu.memref_slice %arg3[%dma_wait3A_252, %dma_wait3A_253] : memref<16x1000000xf32, #tpu.memory_space<hbm>> -> memref<16x1408xf32, #tpu.memory_space<hbm>>
      tpu.wait_dma2 semaphore(%arg13 : memref<!tpu.dma_semaphore, #tpu.memory_space<semaphore_mem>>) src(%dma_wait3A_254 : memref<16x1408xf32, #tpu.memory_space<hbm>>) dst(%arg6 : memref<16x1408xf32, #tpu.memory_space<vmem>>)
      %mul3A_255 = arith.constant 31232 : i32
      %mul3A_256 = arith.muli %add3A, %mul3A_255 : i32
      %mul3A_257 = arith.constant 1408 : i32
      %mul3A_258 = arith.muli %add3A_249, %mul3A_257 : i32
      %add3A_259 = arith.addi %mul3A_256, %mul3A_258 : i32
      %min3A_260 = arith.constant 998528 : i32
      %min3A_261 = arith.minsi %add3A_259, %min3A_260 : i32
      %add3A_262 = vector.broadcast %min3A_261 : i32 to vector<16xi32>
      %add3A_263 = arith.addi %iota3A, %add3A_262 : vector<16xi32>
      %scan3A_264 = arith.constant 0 : i32
      %scan3A_265 = arith.constant 44 : i32
      %scan3A_266 = arith.addi %scan3A_264, %scan3A_265 : i32
      %scan3A_267 = arith.constant 1 : i32
      %scan3A_268:3 = scf.for %scan3A_363 = %scan3A_264 to %scan3A_266 step %scan3A_267 iter_args(%scan3A_364 = %scan3A_244, %scan3A_365 = %scan3A_245, %scan3A_366 = %add3A_263) -> (vector<16xf32>, vector<16xi32>, vector<16xi32>)  : i32 {
        %mul3A_367 = arith.constant 32 : i32
        %mul3A_368 = arith.muli %scan3A_363, %mul3A_367 : i32
        %add3A_369 = arith.constant 0 : i32
        %add3A_370 = arith.addi %mul3A_368, %add3A_369 : i32
        %get3A_371 = arith.constant 0 : i32
        %get3A_372 = arith.index_cast %get3A_371 : i32 to index
        %get3A_373 = arith.index_cast %add3A_370 : i32 to index
        %get3A_374 = tpu.vector_load %arg6[%get3A_372, %get3A_373] {strides = array<i32>} : memref<16x1408xf32, #tpu.memory_space<vmem>>, vector<16xf32>,
        %sub3A = arith.subf %get3A_374, %gather3A_12 : vector<16xf32>
        %mul3A_375 = arith.mulf %get3A_374, %sub3A : vector<16xf32>
        %get3A_376 = arith.constant 1 : i32
        %get3A_377 = arith.index_cast %get3A_376 : i32 to index
        %get3A_378 = arith.index_cast %add3A_370 : i32 to index
        %get3A_379 = tpu.vector_load %arg6[%get3A_377, %get3A_378] {strides = array<i32>} : memref<16x1408xf32, #tpu.memory_space<vmem>>, vector<16xf32>,
        %sub3A_380 = arith.subf %get3A_379, %gather3A_24 : vector<16xf32>
        %mul3A_381 = arith.mulf %get3A_379, %sub3A_380 : vector<16xf32>
        %get3A_382 = arith.constant 2 : i32
        %get3A_383 = arith.index_cast %get3A_382 : i32 to index
        %get3A_384 = arith.index_cast %add3A_370 : i32 to index
        %get3A_385 = tpu.vector_load %arg6[%get3A_383, %get3A_384] {strides = array<i32>} : memref<16x1408xf32, #tpu.memory_space<vmem>>, vector<16xf32>,
        %sub3A_386 = arith.subf %get3A_385, %gather3A_36 : vector<16xf32>
        %mul3A_387 = arith.mulf %get3A_385, %sub3A_386 : vector<16xf32>
        %get3A_388 = arith.constant 3 : i32
        %get3A_389 = arith.index_cast %get3A_388 : i32 to index
        %get3A_390 = arith.index_cast %add3A_370 : i32 to index
        %get3A_391 = tpu.vector_load %arg6[%get3A_389, %get3A_390] {strides = array<i32>} : memref<16x1408xf32, #tpu.memory_space<vmem>>, vector<16xf32>,
        %sub3A_392 = arith.subf %get3A_391, %gather3A_48 : vector<16xf32>
        %mul3A_393 = arith.mulf %get3A_391, %sub3A_392 : vector<16xf32>
        %get3A_394 = arith.constant 4 : i32
        %get3A_395 = arith.index_cast %get3A_394 : i32 to index
        %get3A_396 = arith.index_cast %add3A_370 : i32 to index
        %get3A_397 = tpu.vector_load %arg6[%get3A_395, %get3A_396] {strides = array<i32>} : memref<16x1408xf32, #tpu.memory_space<vmem>>, vector<16xf32>,
        %sub3A_398 = arith.subf %get3A_397, %gather3A_60 : vector<16xf32>
        %mul3A_399 = arith.mulf %get3A_397, %sub3A_398 : vector<16xf32>
        %get3A_400 = arith.constant 5 : i32
        %get3A_401 = arith.index_cast %get3A_400 : i32 to index
        %get3A_402 = arith.index_cast %add3A_370 : i32 to index
        %get3A_403 = tpu.vector_load %arg6[%get3A_401, %get3A_402] {strides = array<i32>} : memref<16x1408xf32, #tpu.memory_space<vmem>>, vector<16xf32>,
        %sub3A_404 = arith.subf %get3A_403, %gather3A_72 : vector<16xf32>
        %mul3A_405 = arith.mulf %get3A_403, %sub3A_404 : vector<16xf32>
        %get3A_406 = arith.constant 6 : i32
        %get3A_407 = arith.index_cast %get3A_406 : i32 to index
        %get3A_408 = arith.index_cast %add3A_370 : i32 to index
        %get3A_409 = tpu.vector_load %arg6[%get3A_407, %get3A_408] {strides = array<i32>} : memref<16x1408xf32, #tpu.memory_space<vmem>>, vector<16xf32>,
        %sub3A_410 = arith.subf %get3A_409, %gather3A_84 : vector<16xf32>
        %mul3A_411 = arith.mulf %get3A_409, %sub3A_410 : vector<16xf32>
        %get3A_412 = arith.constant 7 : i32
        %get3A_413 = arith.index_cast %get3A_412 : i32 to index
        %get3A_414 = arith.index_cast %add3A_370 : i32 to index
        %get3A_415 = tpu.vector_load %arg6[%get3A_413, %get3A_414] {strides = array<i32>} : memref<16x1408xf32, #tpu.memory_space<vmem>>, vector<16xf32>,
        %sub3A_416 = arith.subf %get3A_415, %gather3A_96 : vector<16xf32>
        %mul3A_417 = arith.mulf %get3A_415, %sub3A_416 : vector<16xf32>
        %get3A_418 = arith.constant 8 : i32
        %get3A_419 = arith.index_cast %get3A_418 : i32 to index
        %get3A_420 = arith.index_cast %add3A_370 : i32 to index
        %get3A_421 = tpu.vector_load %arg6[%get3A_419, %get3A_420] {strides = array<i32>} : memref<16x1408xf32, #tpu.memory_space<vmem>>, vector<16xf32>,
        %sub3A_422 = arith.subf %get3A_421, %gather3A_108 : vector<16xf32>
        %mul3A_423 = arith.mulf %get3A_421, %sub3A_422 : vector<16xf32>
        %get3A_424 = arith.constant 9 : i32
        %get3A_425 = arith.index_cast %get3A_424 : i32 to index
        %get3A_426 = arith.index_cast %add3A_370 : i32 to index
        %get3A_427 = tpu.vector_load %arg6[%get3A_425, %get3A_426] {strides = array<i32>} : memref<16x1408xf32, #tpu.memory_space<vmem>>, vector<16xf32>,
        %sub3A_428 = arith.subf %get3A_427, %gather3A_120 : vector<16xf32>
        %mul3A_429 = arith.mulf %get3A_427, %sub3A_428 : vector<16xf32>
        %get3A_430 = arith.constant 10 : i32
        %get3A_431 = arith.index_cast %get3A_430 : i32 to index
        %get3A_432 = arith.index_cast %add3A_370 : i32 to index
        %get3A_433 = tpu.vector_load %arg6[%get3A_431, %get3A_432] {strides = array<i32>} : memref<16x1408xf32, #tpu.memory_space<vmem>>, vector<16xf32>,
        %sub3A_434 = arith.subf %get3A_433, %gather3A_132 : vector<16xf32>
        %mul3A_435 = arith.mulf %get3A_433, %sub3A_434 : vector<16xf32>
        %get3A_436 = arith.constant 11 : i32
        %get3A_437 = arith.index_cast %get3A_436 : i32 to index
        %get3A_438 = arith.index_cast %add3A_370 : i32 to index
        %get3A_439 = tpu.vector_load %arg6[%get3A_437, %get3A_438] {strides = array<i32>} : memref<16x1408xf32, #tpu.memory_space<vmem>>, vector<16xf32>,
        %sub3A_440 = arith.subf %get3A_439, %gather3A_144 : vector<16xf32>
        %mul3A_441 = arith.mulf %get3A_439, %sub3A_440 : vector<16xf32>
        %get3A_442 = arith.constant 12 : i32
        %get3A_443 = arith.index_cast %get3A_442 : i32 to index
        %get3A_444 = arith.index_cast %add3A_370 : i32 to index
        %get3A_445 = tpu.vector_load %arg6[%get3A_443, %get3A_444] {strides = array<i32>} : memref<16x1408xf32, #tpu.memory_space<vmem>>, vector<16xf32>,
        %sub3A_446 = arith.subf %get3A_445, %gather3A_156 : vector<16xf32>
        %mul3A_447 = arith.mulf %get3A_445, %sub3A_446 : vector<16xf32>
        %get3A_448 = arith.constant 13 : i32
        %get3A_449 = arith.index_cast %get3A_448 : i32 to index
        %get3A_450 = arith.index_cast %add3A_370 : i32 to index
        %get3A_451 = tpu.vector_load %arg6[%get3A_449, %get3A_450] {strides = array<i32>} : memref<16x1408xf32, #tpu.memory_space<vmem>>, vector<16xf32>,
        %sub3A_452 = arith.subf %get3A_451, %gather3A_168 : vector<16xf32>
        %mul3A_453 = arith.mulf %get3A_451, %sub3A_452 : vector<16xf32>
        %get3A_454 = arith.constant 14 : i32
        %get3A_455 = arith.index_cast %get3A_454 : i32 to index
        %get3A_456 = arith.index_cast %add3A_370 : i32 to index
        %get3A_457 = tpu.vector_load %arg6[%get3A_455, %get3A_456] {strides = array<i32>} : memref<16x1408xf32, #tpu.memory_space<vmem>>, vector<16xf32>,
        %sub3A_458 = arith.subf %get3A_457, %gather3A_180 : vector<16xf32>
        %mul3A_459 = arith.mulf %get3A_457, %sub3A_458 : vector<16xf32>
        %get3A_460 = arith.constant 15 : i32
        %get3A_461 = arith.index_cast %get3A_460 : i32 to index
        %get3A_462 = arith.index_cast %add3A_370 : i32 to index
        %get3A_463 = tpu.vector_load %arg6[%get3A_461, %get3A_462] {strides = array<i32>} : memref<16x1408xf32, #tpu.memory_space<vmem>>, vector<16xf32>,
        %sub3A_464 = arith.subf %get3A_463, %gather3A_192 : vector<16xf32>
        %mul3A_465 = arith.mulf %get3A_463, %sub3A_464 : vector<16xf32>
        %add3A_466 = arith.addf %mul3A_375, %mul3A_381 : vector<16xf32>
        %add3A_467 = arith.addf %mul3A_387, %mul3A_393 : vector<16xf32>
        %add3A_468 = arith.addf %mul3A_399, %mul3A_405 : vector<16xf32>
        %add3A_469 = arith.addf %mul3A_411, %mul3A_417 : vector<16xf32>
        %add3A_470 = arith.addf %mul3A_423, %mul3A_429 : vector<16xf32>
        %add3A_471 = arith.addf %mul3A_435, %mul3A_441 : vector<16xf32>
        %add3A_472 = arith.addf %mul3A_447, %mul3A_453 : vector<16xf32>
        %add3A_473 = arith.addf %mul3A_459, %mul3A_465 : vector<16xf32>
        %add3A_474 = arith.addf %add3A_466, %add3A_467 : vector<16xf32>
        %add3A_475 = arith.addf %add3A_468, %add3A_469 : vector<16xf32>
        %add3A_476 = arith.addf %add3A_470, %add3A_471 : vector<16xf32>
        %add3A_477 = arith.addf %add3A_472, %add3A_473 : vector<16xf32>
        %add3A_478 = arith.addf %add3A_474, %add3A_475 : vector<16xf32>
        %add3A_479 = arith.addf %add3A_476, %add3A_477 : vector<16xf32>
        %add3A_480 = arith.addf %add3A_478, %add3A_479 : vector<16xf32>
        %lt3A_481 = arith.cmpf olt, %add3A_480, %scan3A_364 : vector<16xf32>
        %select_n3A_482 = arith.select %lt3A_481, %add3A_480, %scan3A_364 : vector<16xi1>, vector<16xf32>
        %select_n3A_483 = arith.select %lt3A_481, %scan3A_366, %scan3A_365 : vector<16xi1>, vector<16xi32>
        %add3A_484 = arith.constant 16 : i32
        %add3A_485 = vector.broadcast %add3A_484 : i32 to vector<16xi32>
        %add3A_486 = arith.addi %scan3A_366, %add3A_485 : vector<16xi32>
        %add3A_487 = arith.constant 16 : i32
        %add3A_488 = arith.addi %mul3A_368, %add3A_487 : i32
        %get3A_489 = arith.constant 0 : i32
        %get3A_490 = arith.index_cast %get3A_489 : i32 to index
        %get3A_491 = arith.index_cast %add3A_488 : i32 to index
        %get3A_492 = tpu.vector_load %arg6[%get3A_490, %get3A_491] {strides = array<i32>} : memref<16x1408xf32, #tpu.memory_space<vmem>>, vector<16xf32>,
        %sub3A_493 = arith.subf %get3A_492, %gather3A_12 : vector<16xf32>
        %mul3A_494 = arith.mulf %get3A_492, %sub3A_493 : vector<16xf32>
        %get3A_495 = arith.constant 1 : i32
        %get3A_496 = arith.index_cast %get3A_495 : i32 to index
        %get3A_497 = arith.index_cast %add3A_488 : i32 to index
        %get3A_498 = tpu.vector_load %arg6[%get3A_496, %get3A_497] {strides = array<i32>} : memref<16x1408xf32, #tpu.memory_space<vmem>>, vector<16xf32>,
        %sub3A_499 = arith.subf %get3A_498, %gather3A_24 : vector<16xf32>
        %mul3A_500 = arith.mulf %get3A_498, %sub3A_499 : vector<16xf32>
        %get3A_501 = arith.constant 2 : i32
        %get3A_502 = arith.index_cast %get3A_501 : i32 to index
        %get3A_503 = arith.index_cast %add3A_488 : i32 to index
        %get3A_504 = tpu.vector_load %arg6[%get3A_502, %get3A_503] {strides = array<i32>} : memref<16x1408xf32, #tpu.memory_space<vmem>>, vector<16xf32>,
        %sub3A_505 = arith.subf %get3A_504, %gather3A_36 : vector<16xf32>
        %mul3A_506 = arith.mulf %get3A_504, %sub3A_505 : vector<16xf32>
        %get3A_507 = arith.constant 3 : i32
        %get3A_508 = arith.index_cast %get3A_507 : i32 to index
        %get3A_509 = arith.index_cast %add3A_488 : i32 to index
        %get3A_510 = tpu.vector_load %arg6[%get3A_508, %get3A_509] {strides = array<i32>} : memref<16x1408xf32, #tpu.memory_space<vmem>>, vector<16xf32>,
        %sub3A_511 = arith.subf %get3A_510, %gather3A_48 : vector<16xf32>
        %mul3A_512 = arith.mulf %get3A_510, %sub3A_511 : vector<16xf32>
        %get3A_513 = arith.constant 4 : i32
        %get3A_514 = arith.index_cast %get3A_513 : i32 to index
        %get3A_515 = arith.index_cast %add3A_488 : i32 to index
        %get3A_516 = tpu.vector_load %arg6[%get3A_514, %get3A_515] {strides = array<i32>} : memref<16x1408xf32, #tpu.memory_space<vmem>>, vector<16xf32>,
        %sub3A_517 = arith.subf %get3A_516, %gather3A_60 : vector<16xf32>
        %mul3A_518 = arith.mulf %get3A_516, %sub3A_517 : vector<16xf32>
        %get3A_519 = arith.constant 5 : i32
        %get3A_520 = arith.index_cast %get3A_519 : i32 to index
        %get3A_521 = arith.index_cast %add3A_488 : i32 to index
        %get3A_522 = tpu.vector_load %arg6[%get3A_520, %get3A_521] {strides = array<i32>} : memref<16x1408xf32, #tpu.memory_space<vmem>>, vector<16xf32>,
        %sub3A_523 = arith.subf %get3A_522, %gather3A_72 : vector<16xf32>
        %mul3A_524 = arith.mulf %get3A_522, %sub3A_523 : vector<16xf32>
        %get3A_525 = arith.constant 6 : i32
        %get3A_526 = arith.index_cast %get3A_525 : i32 to index
        %get3A_527 = arith.index_cast %add3A_488 : i32 to index
        %get3A_528 = tpu.vector_load %arg6[%get3A_526, %get3A_527] {strides = array<i32>} : memref<16x1408xf32, #tpu.memory_space<vmem>>, vector<16xf32>,
        %sub3A_529 = arith.subf %get3A_528, %gather3A_84 : vector<16xf32>
        %mul3A_530 = arith.mulf %get3A_528, %sub3A_529 : vector<16xf32>
        %get3A_531 = arith.constant 7 : i32
        %get3A_532 = arith.index_cast %get3A_531 : i32 to index
        %get3A_533 = arith.index_cast %add3A_488 : i32 to index
        %get3A_534 = tpu.vector_load %arg6[%get3A_532, %get3A_533] {strides = array<i32>} : memref<16x1408xf32, #tpu.memory_space<vmem>>, vector<16xf32>,
        %sub3A_535 = arith.subf %get3A_534, %gather3A_96 : vector<16xf32>
        %mul3A_536 = arith.mulf %get3A_534, %sub3A_535 : vector<16xf32>
        %get3A_537 = arith.constant 8 : i32
        %get3A_538 = arith.index_cast %get3A_537 : i32 to index
        %get3A_539 = arith.index_cast %add3A_488 : i32 to index
        %get3A_540 = tpu.vector_load %arg6[%get3A_538, %get3A_539] {strides = array<i32>} : memref<16x1408xf32, #tpu.memory_space<vmem>>, vector<16xf32>,
        %sub3A_541 = arith.subf %get3A_540, %gather3A_108 : vector<16xf32>
        %mul3A_542 = arith.mulf %get3A_540, %sub3A_541 : vector<16xf32>
        %get3A_543 = arith.constant 9 : i32
        %get3A_544 = arith.index_cast %get3A_543 : i32 to index
        %get3A_545 = arith.index_cast %add3A_488 : i32 to index
        %get3A_546 = tpu.vector_load %arg6[%get3A_544, %get3A_545] {strides = array<i32>} : memref<16x1408xf32, #tpu.memory_space<vmem>>, vector<16xf32>,
        %sub3A_547 = arith.subf %get3A_546, %gather3A_120 : vector<16xf32>
        %mul3A_548 = arith.mulf %get3A_546, %sub3A_547 : vector<16xf32>
        %get3A_549 = arith.constant 10 : i32
        %get3A_550 = arith.index_cast %get3A_549 : i32 to index
        %get3A_551 = arith.index_cast %add3A_488 : i32 to index
        %get3A_552 = tpu.vector_load %arg6[%get3A_550, %get3A_551] {strides = array<i32>} : memref<16x1408xf32, #tpu.memory_space<vmem>>, vector<16xf32>,
        %sub3A_553 = arith.subf %get3A_552, %gather3A_132 : vector<16xf32>
        %mul3A_554 = arith.mulf %get3A_552, %sub3A_553 : vector<16xf32>
        %get3A_555 = arith.constant 11 : i32
        %get3A_556 = arith.index_cast %get3A_555 : i32 to index
        %get3A_557 = arith.index_cast %add3A_488 : i32 to index
        %get3A_558 = tpu.vector_load %arg6[%get3A_556, %get3A_557] {strides = array<i32>} : memref<16x1408xf32, #tpu.memory_space<vmem>>, vector<16xf32>,
        %sub3A_559 = arith.subf %get3A_558, %gather3A_144 : vector<16xf32>
        %mul3A_560 = arith.mulf %get3A_558, %sub3A_559 : vector<16xf32>
        %get3A_561 = arith.constant 12 : i32
        %get3A_562 = arith.index_cast %get3A_561 : i32 to index
        %get3A_563 = arith.index_cast %add3A_488 : i32 to index
        %get3A_564 = tpu.vector_load %arg6[%get3A_562, %get3A_563] {strides = array<i32>} : memref<16x1408xf32, #tpu.memory_space<vmem>>, vector<16xf32>,
        %sub3A_565 = arith.subf %get3A_564, %gather3A_156 : vector<16xf32>
        %mul3A_566 = arith.mulf %get3A_564, %sub3A_565 : vector<16xf32>
        %get3A_567 = arith.constant 13 : i32
        %get3A_568 = arith.index_cast %get3A_567 : i32 to index
        %get3A_569 = arith.index_cast %add3A_488 : i32 to index
        %get3A_570 = tpu.vector_load %arg6[%get3A_568, %get3A_569] {strides = array<i32>} : memref<16x1408xf32, #tpu.memory_space<vmem>>, vector<16xf32>,
        %sub3A_571 = arith.subf %get3A_570, %gather3A_168 : vector<16xf32>
        %mul3A_572 = arith.mulf %get3A_570, %sub3A_571 : vector<16xf32>
        %get3A_573 = arith.constant 14 : i32
        %get3A_574 = arith.index_cast %get3A_573 : i32 to index
        %get3A_575 = arith.index_cast %add3A_488 : i32 to index
        %get3A_576 = tpu.vector_load %arg6[%get3A_574, %get3A_575] {strides = array<i32>} : memref<16x1408xf32, #tpu.memory_space<vmem>>, vector<16xf32>,
        %sub3A_577 = arith.subf %get3A_576, %gather3A_180 : vector<16xf32>
        %mul3A_578 = arith.mulf %get3A_576, %sub3A_577 : vector<16xf32>
        %get3A_579 = arith.constant 15 : i32
        %get3A_580 = arith.index_cast %get3A_579 : i32 to index
        %get3A_581 = arith.index_cast %add3A_488 : i32 to index
        %get3A_582 = tpu.vector_load %arg6[%get3A_580, %get3A_581] {strides = array<i32>} : memref<16x1408xf32, #tpu.memory_space<vmem>>, vector<16xf32>,
        %sub3A_583 = arith.subf %get3A_582, %gather3A_192 : vector<16xf32>
        %mul3A_584 = arith.mulf %get3A_582, %sub3A_583 : vector<16xf32>
        %add3A_585 = arith.addf %mul3A_494, %mul3A_500 : vector<16xf32>
        %add3A_586 = arith.addf %mul3A_506, %mul3A_512 : vector<16xf32>
        %add3A_587 = arith.addf %mul3A_518, %mul3A_524 : vector<16xf32>
        %add3A_588 = arith.addf %mul3A_530, %mul3A_536 : vector<16xf32>
        %add3A_589 = arith.addf %mul3A_542, %mul3A_548 : vector<16xf32>
        %add3A_590 = arith.addf %mul3A_554, %mul3A_560 : vector<16xf32>
        %add3A_591 = arith.addf %mul3A_566, %mul3A_572 : vector<16xf32>
        %add3A_592 = arith.addf %mul3A_578, %mul3A_584 : vector<16xf32>
        %add3A_593 = arith.addf %add3A_585, %add3A_586 : vector<16xf32>
        %add3A_594 = arith.addf %add3A_587, %add3A_588 : vector<16xf32>
        %add3A_595 = arith.addf %add3A_589, %add3A_590 : vector<16xf32>
        %add3A_596 = arith.addf %add3A_591, %add3A_592 : vector<16xf32>
        %add3A_597 = arith.addf %add3A_593, %add3A_594 : vector<16xf32>
        %add3A_598 = arith.addf %add3A_595, %add3A_596 : vector<16xf32>
        %add3A_599 = arith.addf %add3A_597, %add3A_598 : vector<16xf32>
        %lt3A_600 = arith.cmpf olt, %add3A_599, %select_n3A_482 : vector<16xf32>
        %select_n3A_601 = arith.select %lt3A_600, %add3A_599, %select_n3A_482 : vector<16xi1>, vector<16xf32>
        %select_n3A_602 = arith.select %lt3A_600, %add3A_486, %select_n3A_483 : vector<16xi1>, vector<16xi32>
        %add3A_603 = arith.constant 16 : i32
        %add3A_604 = vector.broadcast %add3A_603 : i32 to vector<16xi32>
        %add3A_605 = arith.addi %add3A_486, %add3A_604 : vector<16xi32>
        scf.yield %select_n3A_601, %select_n3A_602, %add3A_605 : vector<16xf32>, vector<16xi32>, vector<16xi32>
      }
      %scan3A_269 = arith.constant 44 : i32
      %lt3A_270 = arith.constant 5 : i32
      %lt3A_271 = arith.cmpi slt, %scan3A_243, %lt3A_270 : i32
      %convert_element_type3A = arith.extui %lt3A_271 : i1 to i32
      %cond3A = arith.constant 0 : i32
      %cond3A_272 = arith.cmpi ne, %convert_element_type3A, %cond3A : i32
      scf.if %cond3A_272 {
        %add3A_363 = arith.constant 4 : i32
        %add3A_364 = arith.addi %add3A_249, %add3A_363 : i32
        %mul3A_365 = arith.constant 31232 : i32
        %mul3A_366 = arith.muli %add3A, %mul3A_365 : i32
        %mul3A_367 = arith.constant 1408 : i32
        %mul3A_368 = arith.muli %add3A_364, %mul3A_367 : i32
        %add3A_369 = arith.addi %mul3A_366, %mul3A_368 : i32
        %min3A_370 = arith.constant 998528 : i32
        %min3A_371 = arith.minsi %add3A_369, %min3A_370 : i32
        %dma_start3A_372 = arith.constant 0 : i32
        %dma_start3A_373 = tpu.memref_slice %arg3[%dma_start3A_372, %min3A_371] : memref<16x1000000xf32, #tpu.memory_space<hbm>> -> memref<16x1408xf32, #tpu.memory_space<hbm>>
        %dma_start3A_374 = arith.constant 0 : i32
        %dma_start3A_375 = tpu.memref_slice %arg3[%dma_start3A_374, %min3A_371] : memref<16x1000000xf32, #tpu.memory_space<hbm>> -> memref<16x1408xf32, #tpu.memory_space<hbm>>
        tpu.enqueue_dma source(%dma_start3A_375 : memref<16x1408xf32, #tpu.memory_space<hbm>>) target(%arg6 : memref<16x1408xf32, #tpu.memory_space<vmem>>) target_semaphore(%arg13 : memref<!tpu.dma_semaphore, #tpu.memory_space<semaphore_mem>>)
      } else {
      }
      %mul3A_273 = arith.constant 4 : i32
      %mul3A_274 = arith.muli %scan3A_243, %mul3A_273 : i32
      %add3A_275 = arith.constant 1 : i32
      %add3A_276 = arith.addi %mul3A_274, %add3A_275 : i32
      %dma_wait3A_277 = arith.constant 0 : i32
      %dma_wait3A_278 = arith.constant 0 : i32
      %dma_wait3A_279 = tpu.memref_slice %arg3[%dma_wait3A_277, %dma_wait3A_278] : memref<16x1000000xf32, #tpu.memory_space<hbm>> -> memref<16x1408xf32, #tpu.memory_space<hbm>>
      %dma_wait3A_280 = arith.constant 0 : i32
      %dma_wait3A_281 = arith.constant 0 : i32
      %dma_wait3A_282 = tpu.memref_slice %arg3[%dma_wait3A_280, %dma_wait3A_281] : memref<16x1000000xf32, #tpu.memory_space<hbm>> -> memref<16x1408xf32, #tpu.memory_space<hbm>>
      tpu.wait_dma2 semaphore(%arg14 : memref<!tpu.dma_semaphore, #tpu.memory_space<semaphore_mem>>) src(%dma_wait3A_282 : memref<16x1408xf32, #tpu.memory_space<hbm>>) dst(%arg7 : memref<16x1408xf32, #tpu.memory_space<vmem>>)
      %mul3A_283 = arith.constant 31232 : i32
      %mul3A_284 = arith.muli %add3A, %mul3A_283 : i32
      %mul3A_285 = arith.constant 1408 : i32
      %mul3A_286 = arith.muli %add3A_276, %mul3A_285 : i32
      %add3A_287 = arith.addi %mul3A_284, %mul3A_286 : i32
      %min3A_288 = arith.constant 998528 : i32
      %min3A_289 = arith.minsi %add3A_287, %min3A_288 : i32
      %add3A_290 = vector.broadcast %min3A_289 : i32 to vector<16xi32>
      %add3A_291 = arith.addi %iota3A, %add3A_290 : vector<16xi32>
      %scan3A_292 = arith.constant 0 : i32
      %scan3A_293 = arith.constant 44 : i32
      %scan3A_294 = arith.addi %scan3A_292, %scan3A_293 : i32
      %scan3A_295 = arith.constant 1 : i32
      %scan3A_296:3 = scf.for %scan3A_363 = %scan3A_292 to %scan3A_294 step %scan3A_295 iter_args(%scan3A_364 = %scan3A_268#0, %scan3A_365 = %scan3A_268#1, %scan3A_366 = %add3A_291) -> (vector<16xf32>, vector<16xi32>, vector<16xi32>)  : i32 {
        %mul3A_367 = arith.constant 32 : i32
        %mul3A_368 = arith.muli %scan3A_363, %mul3A_367 : i32
        %add3A_369 = arith.constant 0 : i32
        %add3A_370 = arith.addi %mul3A_368, %add3A_369 : i32
        %get3A_371 = arith.constant 0 : i32
        %get3A_372 = arith.index_cast %get3A_371 : i32 to index
        %get3A_373 = arith.index_cast %add3A_370 : i32 to index
        %get3A_374 = tpu.vector_load %arg7[%get3A_372, %get3A_373] {strides = array<i32>} : memref<16x1408xf32, #tpu.memory_space<vmem>>, vector<16xf32>,
        %sub3A = arith.subf %get3A_374, %gather3A_12 : vector<16xf32>
        %mul3A_375 = arith.mulf %get3A_374, %sub3A : vector<16xf32>
        %get3A_376 = arith.constant 1 : i32
        %get3A_377 = arith.index_cast %get3A_376 : i32 to index
        %get3A_378 = arith.index_cast %add3A_370 : i32 to index
        %get3A_379 = tpu.vector_load %arg7[%get3A_377, %get3A_378] {strides = array<i32>} : memref<16x1408xf32, #tpu.memory_space<vmem>>, vector<16xf32>,
        %sub3A_380 = arith.subf %get3A_379, %gather3A_24 : vector<16xf32>
        %mul3A_381 = arith.mulf %get3A_379, %sub3A_380 : vector<16xf32>
        %get3A_382 = arith.constant 2 : i32
        %get3A_383 = arith.index_cast %get3A_382 : i32 to index
        %get3A_384 = arith.index_cast %add3A_370 : i32 to index
        %get3A_385 = tpu.vector_load %arg7[%get3A_383, %get3A_384] {strides = array<i32>} : memref<16x1408xf32, #tpu.memory_space<vmem>>, vector<16xf32>,
        %sub3A_386 = arith.subf %get3A_385, %gather3A_36 : vector<16xf32>
        %mul3A_387 = arith.mulf %get3A_385, %sub3A_386 : vector<16xf32>
        %get3A_388 = arith.constant 3 : i32
        %get3A_389 = arith.index_cast %get3A_388 : i32 to index
        %get3A_390 = arith.index_cast %add3A_370 : i32 to index
        %get3A_391 = tpu.vector_load %arg7[%get3A_389, %get3A_390] {strides = array<i32>} : memref<16x1408xf32, #tpu.memory_space<vmem>>, vector<16xf32>,
        %sub3A_392 = arith.subf %get3A_391, %gather3A_48 : vector<16xf32>
        %mul3A_393 = arith.mulf %get3A_391, %sub3A_392 : vector<16xf32>
        %get3A_394 = arith.constant 4 : i32
        %get3A_395 = arith.index_cast %get3A_394 : i32 to index
        %get3A_396 = arith.index_cast %add3A_370 : i32 to index
        %get3A_397 = tpu.vector_load %arg7[%get3A_395, %get3A_396] {strides = array<i32>} : memref<16x1408xf32, #tpu.memory_space<vmem>>, vector<16xf32>,
        %sub3A_398 = arith.subf %get3A_397, %gather3A_60 : vector<16xf32>
        %mul3A_399 = arith.mulf %get3A_397, %sub3A_398 : vector<16xf32>
        %get3A_400 = arith.constant 5 : i32
        %get3A_401 = arith.index_cast %get3A_400 : i32 to index
        %get3A_402 = arith.index_cast %add3A_370 : i32 to index
        %get3A_403 = tpu.vector_load %arg7[%get3A_401, %get3A_402] {strides = array<i32>} : memref<16x1408xf32, #tpu.memory_space<vmem>>, vector<16xf32>,
        %sub3A_404 = arith.subf %get3A_403, %gather3A_72 : vector<16xf32>
        %mul3A_405 = arith.mulf %get3A_403, %sub3A_404 : vector<16xf32>
        %get3A_406 = arith.constant 6 : i32
        %get3A_407 = arith.index_cast %get3A_406 : i32 to index
        %get3A_408 = arith.index_cast %add3A_370 : i32 to index
        %get3A_409 = tpu.vector_load %arg7[%get3A_407, %get3A_408] {strides = array<i32>} : memref<16x1408xf32, #tpu.memory_space<vmem>>, vector<16xf32>,
        %sub3A_410 = arith.subf %get3A_409, %gather3A_84 : vector<16xf32>
        %mul3A_411 = arith.mulf %get3A_409, %sub3A_410 : vector<16xf32>
        %get3A_412 = arith.constant 7 : i32
        %get3A_413 = arith.index_cast %get3A_412 : i32 to index
        %get3A_414 = arith.index_cast %add3A_370 : i32 to index
        %get3A_415 = tpu.vector_load %arg7[%get3A_413, %get3A_414] {strides = array<i32>} : memref<16x1408xf32, #tpu.memory_space<vmem>>, vector<16xf32>,
        %sub3A_416 = arith.subf %get3A_415, %gather3A_96 : vector<16xf32>
        %mul3A_417 = arith.mulf %get3A_415, %sub3A_416 : vector<16xf32>
        %get3A_418 = arith.constant 8 : i32
        %get3A_419 = arith.index_cast %get3A_418 : i32 to index
        %get3A_420 = arith.index_cast %add3A_370 : i32 to index
        %get3A_421 = tpu.vector_load %arg7[%get3A_419, %get3A_420] {strides = array<i32>} : memref<16x1408xf32, #tpu.memory_space<vmem>>, vector<16xf32>,
        %sub3A_422 = arith.subf %get3A_421, %gather3A_108 : vector<16xf32>
        %mul3A_423 = arith.mulf %get3A_421, %sub3A_422 : vector<16xf32>
        %get3A_424 = arith.constant 9 : i32
        %get3A_425 = arith.index_cast %get3A_424 : i32 to index
        %get3A_426 = arith.index_cast %add3A_370 : i32 to index
        %get3A_427 = tpu.vector_load %arg7[%get3A_425, %get3A_426] {strides = array<i32>} : memref<16x1408xf32, #tpu.memory_space<vmem>>, vector<16xf32>,
        %sub3A_428 = arith.subf %get3A_427, %gather3A_120 : vector<16xf32>
        %mul3A_429 = arith.mulf %get3A_427, %sub3A_428 : vector<16xf32>
        %get3A_430 = arith.constant 10 : i32
        %get3A_431 = arith.index_cast %get3A_430 : i32 to index
        %get3A_432 = arith.index_cast %add3A_370 : i32 to index
        %get3A_433 = tpu.vector_load %arg7[%get3A_431, %get3A_432] {strides = array<i32>} : memref<16x1408xf32, #tpu.memory_space<vmem>>, vector<16xf32>,
        %sub3A_434 = arith.subf %get3A_433, %gather3A_132 : vector<16xf32>
        %mul3A_435 = arith.mulf %get3A_433, %sub3A_434 : vector<16xf32>
        %get3A_436 = arith.constant 11 : i32
        %get3A_437 = arith.index_cast %get3A_436 : i32 to index
        %get3A_438 = arith.index_cast %add3A_370 : i32 to index
        %get3A_439 = tpu.vector_load %arg7[%get3A_437, %get3A_438] {strides = array<i32>} : memref<16x1408xf32, #tpu.memory_space<vmem>>, vector<16xf32>,
        %sub3A_440 = arith.subf %get3A_439, %gather3A_144 : vector<16xf32>
        %mul3A_441 = arith.mulf %get3A_439, %sub3A_440 : vector<16xf32>
        %get3A_442 = arith.constant 12 : i32
        %get3A_443 = arith.index_cast %get3A_442 : i32 to index
        %get3A_444 = arith.index_cast %add3A_370 : i32 to index
        %get3A_445 = tpu.vector_load %arg7[%get3A_443, %get3A_444] {strides = array<i32>} : memref<16x1408xf32, #tpu.memory_space<vmem>>, vector<16xf32>,
        %sub3A_446 = arith.subf %get3A_445, %gather3A_156 : vector<16xf32>
        %mul3A_447 = arith.mulf %get3A_445, %sub3A_446 : vector<16xf32>
        %get3A_448 = arith.constant 13 : i32
        %get3A_449 = arith.index_cast %get3A_448 : i32 to index
        %get3A_450 = arith.index_cast %add3A_370 : i32 to index
        %get3A_451 = tpu.vector_load %arg7[%get3A_449, %get3A_450] {strides = array<i32>} : memref<16x1408xf32, #tpu.memory_space<vmem>>, vector<16xf32>,
        %sub3A_452 = arith.subf %get3A_451, %gather3A_168 : vector<16xf32>
        %mul3A_453 = arith.mulf %get3A_451, %sub3A_452 : vector<16xf32>
        %get3A_454 = arith.constant 14 : i32
        %get3A_455 = arith.index_cast %get3A_454 : i32 to index
        %get3A_456 = arith.index_cast %add3A_370 : i32 to index
        %get3A_457 = tpu.vector_load %arg7[%get3A_455, %get3A_456] {strides = array<i32>} : memref<16x1408xf32, #tpu.memory_space<vmem>>, vector<16xf32>,
        %sub3A_458 = arith.subf %get3A_457, %gather3A_180 : vector<16xf32>
        %mul3A_459 = arith.mulf %get3A_457, %sub3A_458 : vector<16xf32>
        %get3A_460 = arith.constant 15 : i32
        %get3A_461 = arith.index_cast %get3A_460 : i32 to index
        %get3A_462 = arith.index_cast %add3A_370 : i32 to index
        %get3A_463 = tpu.vector_load %arg7[%get3A_461, %get3A_462] {strides = array<i32>} : memref<16x1408xf32, #tpu.memory_space<vmem>>, vector<16xf32>,
        %sub3A_464 = arith.subf %get3A_463, %gather3A_192 : vector<16xf32>
        %mul3A_465 = arith.mulf %get3A_463, %sub3A_464 : vector<16xf32>
        %add3A_466 = arith.addf %mul3A_375, %mul3A_381 : vector<16xf32>
        %add3A_467 = arith.addf %mul3A_387, %mul3A_393 : vector<16xf32>
        %add3A_468 = arith.addf %mul3A_399, %mul3A_405 : vector<16xf32>
        %add3A_469 = arith.addf %mul3A_411, %mul3A_417 : vector<16xf32>
        %add3A_470 = arith.addf %mul3A_423, %mul3A_429 : vector<16xf32>
        %add3A_471 = arith.addf %mul3A_435, %mul3A_441 : vector<16xf32>
        %add3A_472 = arith.addf %mul3A_447, %mul3A_453 : vector<16xf32>
        %add3A_473 = arith.addf %mul3A_459, %mul3A_465 : vector<16xf32>
        %add3A_474 = arith.addf %add3A_466, %add3A_467 : vector<16xf32>
        %add3A_475 = arith.addf %add3A_468, %add3A_469 : vector<16xf32>
        %add3A_476 = arith.addf %add3A_470, %add3A_471 : vector<16xf32>
        %add3A_477 = arith.addf %add3A_472, %add3A_473 : vector<16xf32>
        %add3A_478 = arith.addf %add3A_474, %add3A_475 : vector<16xf32>
        %add3A_479 = arith.addf %add3A_476, %add3A_477 : vector<16xf32>
        %add3A_480 = arith.addf %add3A_478, %add3A_479 : vector<16xf32>
        %lt3A_481 = arith.cmpf olt, %add3A_480, %scan3A_364 : vector<16xf32>
        %select_n3A_482 = arith.select %lt3A_481, %add3A_480, %scan3A_364 : vector<16xi1>, vector<16xf32>
        %select_n3A_483 = arith.select %lt3A_481, %scan3A_366, %scan3A_365 : vector<16xi1>, vector<16xi32>
        %add3A_484 = arith.constant 16 : i32
        %add3A_485 = vector.broadcast %add3A_484 : i32 to vector<16xi32>
        %add3A_486 = arith.addi %scan3A_366, %add3A_485 : vector<16xi32>
        %add3A_487 = arith.constant 16 : i32
        %add3A_488 = arith.addi %mul3A_368, %add3A_487 : i32
        %get3A_489 = arith.constant 0 : i32
        %get3A_490 = arith.index_cast %get3A_489 : i32 to index
        %get3A_491 = arith.index_cast %add3A_488 : i32 to index
        %get3A_492 = tpu.vector_load %arg7[%get3A_490, %get3A_491] {strides = array<i32>} : memref<16x1408xf32, #tpu.memory_space<vmem>>, vector<16xf32>,
        %sub3A_493 = arith.subf %get3A_492, %gather3A_12 : vector<16xf32>
        %mul3A_494 = arith.mulf %get3A_492, %sub3A_493 : vector<16xf32>
        %get3A_495 = arith.constant 1 : i32
        %get3A_496 = arith.index_cast %get3A_495 : i32 to index
        %get3A_497 = arith.index_cast %add3A_488 : i32 to index
        %get3A_498 = tpu.vector_load %arg7[%get3A_496, %get3A_497] {strides = array<i32>} : memref<16x1408xf32, #tpu.memory_space<vmem>>, vector<16xf32>,
        %sub3A_499 = arith.subf %get3A_498, %gather3A_24 : vector<16xf32>
        %mul3A_500 = arith.mulf %get3A_498, %sub3A_499 : vector<16xf32>
        %get3A_501 = arith.constant 2 : i32
        %get3A_502 = arith.index_cast %get3A_501 : i32 to index
        %get3A_503 = arith.index_cast %add3A_488 : i32 to index
        %get3A_504 = tpu.vector_load %arg7[%get3A_502, %get3A_503] {strides = array<i32>} : memref<16x1408xf32, #tpu.memory_space<vmem>>, vector<16xf32>,
        %sub3A_505 = arith.subf %get3A_504, %gather3A_36 : vector<16xf32>
        %mul3A_506 = arith.mulf %get3A_504, %sub3A_505 : vector<16xf32>
        %get3A_507 = arith.constant 3 : i32
        %get3A_508 = arith.index_cast %get3A_507 : i32 to index
        %get3A_509 = arith.index_cast %add3A_488 : i32 to index
        %get3A_510 = tpu.vector_load %arg7[%get3A_508, %get3A_509] {strides = array<i32>} : memref<16x1408xf32, #tpu.memory_space<vmem>>, vector<16xf32>,
        %sub3A_511 = arith.subf %get3A_510, %gather3A_48 : vector<16xf32>
        %mul3A_512 = arith.mulf %get3A_510, %sub3A_511 : vector<16xf32>
        %get3A_513 = arith.constant 4 : i32
        %get3A_514 = arith.index_cast %get3A_513 : i32 to index
        %get3A_515 = arith.index_cast %add3A_488 : i32 to index
        %get3A_516 = tpu.vector_load %arg7[%get3A_514, %get3A_515] {strides = array<i32>} : memref<16x1408xf32, #tpu.memory_space<vmem>>, vector<16xf32>,
        %sub3A_517 = arith.subf %get3A_516, %gather3A_60 : vector<16xf32>
        %mul3A_518 = arith.mulf %get3A_516, %sub3A_517 : vector<16xf32>
        %get3A_519 = arith.constant 5 : i32
        %get3A_520 = arith.index_cast %get3A_519 : i32 to index
        %get3A_521 = arith.index_cast %add3A_488 : i32 to index
        %get3A_522 = tpu.vector_load %arg7[%get3A_520, %get3A_521] {strides = array<i32>} : memref<16x1408xf32, #tpu.memory_space<vmem>>, vector<16xf32>,
        %sub3A_523 = arith.subf %get3A_522, %gather3A_72 : vector<16xf32>
        %mul3A_524 = arith.mulf %get3A_522, %sub3A_523 : vector<16xf32>
        %get3A_525 = arith.constant 6 : i32
        %get3A_526 = arith.index_cast %get3A_525 : i32 to index
        %get3A_527 = arith.index_cast %add3A_488 : i32 to index
        %get3A_528 = tpu.vector_load %arg7[%get3A_526, %get3A_527] {strides = array<i32>} : memref<16x1408xf32, #tpu.memory_space<vmem>>, vector<16xf32>,
        %sub3A_529 = arith.subf %get3A_528, %gather3A_84 : vector<16xf32>
        %mul3A_530 = arith.mulf %get3A_528, %sub3A_529 : vector<16xf32>
        %get3A_531 = arith.constant 7 : i32
        %get3A_532 = arith.index_cast %get3A_531 : i32 to index
        %get3A_533 = arith.index_cast %add3A_488 : i32 to index
        %get3A_534 = tpu.vector_load %arg7[%get3A_532, %get3A_533] {strides = array<i32>} : memref<16x1408xf32, #tpu.memory_space<vmem>>, vector<16xf32>,
        %sub3A_535 = arith.subf %get3A_534, %gather3A_96 : vector<16xf32>
        %mul3A_536 = arith.mulf %get3A_534, %sub3A_535 : vector<16xf32>
        %get3A_537 = arith.constant 8 : i32
        %get3A_538 = arith.index_cast %get3A_537 : i32 to index
        %get3A_539 = arith.index_cast %add3A_488 : i32 to index
        %get3A_540 = tpu.vector_load %arg7[%get3A_538, %get3A_539] {strides = array<i32>} : memref<16x1408xf32, #tpu.memory_space<vmem>>, vector<16xf32>,
        %sub3A_541 = arith.subf %get3A_540, %gather3A_108 : vector<16xf32>
        %mul3A_542 = arith.mulf %get3A_540, %sub3A_541 : vector<16xf32>
        %get3A_543 = arith.constant 9 : i32
        %get3A_544 = arith.index_cast %get3A_543 : i32 to index
        %get3A_545 = arith.index_cast %add3A_488 : i32 to index
        %get3A_546 = tpu.vector_load %arg7[%get3A_544, %get3A_545] {strides = array<i32>} : memref<16x1408xf32, #tpu.memory_space<vmem>>, vector<16xf32>,
        %sub3A_547 = arith.subf %get3A_546, %gather3A_120 : vector<16xf32>
        %mul3A_548 = arith.mulf %get3A_546, %sub3A_547 : vector<16xf32>
        %get3A_549 = arith.constant 10 : i32
        %get3A_550 = arith.index_cast %get3A_549 : i32 to index
        %get3A_551 = arith.index_cast %add3A_488 : i32 to index
        %get3A_552 = tpu.vector_load %arg7[%get3A_550, %get3A_551] {strides = array<i32>} : memref<16x1408xf32, #tpu.memory_space<vmem>>, vector<16xf32>,
        %sub3A_553 = arith.subf %get3A_552, %gather3A_132 : vector<16xf32>
        %mul3A_554 = arith.mulf %get3A_552, %sub3A_553 : vector<16xf32>
        %get3A_555 = arith.constant 11 : i32
        %get3A_556 = arith.index_cast %get3A_555 : i32 to index
        %get3A_557 = arith.index_cast %add3A_488 : i32 to index
        %get3A_558 = tpu.vector_load %arg7[%get3A_556, %get3A_557] {strides = array<i32>} : memref<16x1408xf32, #tpu.memory_space<vmem>>, vector<16xf32>,
        %sub3A_559 = arith.subf %get3A_558, %gather3A_144 : vector<16xf32>
        %mul3A_560 = arith.mulf %get3A_558, %sub3A_559 : vector<16xf32>
        %get3A_561 = arith.constant 12 : i32
        %get3A_562 = arith.index_cast %get3A_561 : i32 to index
        %get3A_563 = arith.index_cast %add3A_488 : i32 to index
        %get3A_564 = tpu.vector_load %arg7[%get3A_562, %get3A_563] {strides = array<i32>} : memref<16x1408xf32, #tpu.memory_space<vmem>>, vector<16xf32>,
        %sub3A_565 = arith.subf %get3A_564, %gather3A_156 : vector<16xf32>
        %mul3A_566 = arith.mulf %get3A_564, %sub3A_565 : vector<16xf32>
        %get3A_567 = arith.constant 13 : i32
        %get3A_568 = arith.index_cast %get3A_567 : i32 to index
        %get3A_569 = arith.index_cast %add3A_488 : i32 to index
        %get3A_570 = tpu.vector_load %arg7[%get3A_568, %get3A_569] {strides = array<i32>} : memref<16x1408xf32, #tpu.memory_space<vmem>>, vector<16xf32>,
        %sub3A_571 = arith.subf %get3A_570, %gather3A_168 : vector<16xf32>
        %mul3A_572 = arith.mulf %get3A_570, %sub3A_571 : vector<16xf32>
        %get3A_573 = arith.constant 14 : i32
        %get3A_574 = arith.index_cast %get3A_573 : i32 to index
        %get3A_575 = arith.index_cast %add3A_488 : i32 to index
        %get3A_576 = tpu.vector_load %arg7[%get3A_574, %get3A_575] {strides = array<i32>} : memref<16x1408xf32, #tpu.memory_space<vmem>>, vector<16xf32>,
        %sub3A_577 = arith.subf %get3A_576, %gather3A_180 : vector<16xf32>
        %mul3A_578 = arith.mulf %get3A_576, %sub3A_577 : vector<16xf32>
        %get3A_579 = arith.constant 15 : i32
        %get3A_580 = arith.index_cast %get3A_579 : i32 to index
        %get3A_581 = arith.index_cast %add3A_488 : i32 to index
        %get3A_582 = tpu.vector_load %arg7[%get3A_580, %get3A_581] {strides = array<i32>} : memref<16x1408xf32, #tpu.memory_space<vmem>>, vector<16xf32>,
        %sub3A_583 = arith.subf %get3A_582, %gather3A_192 : vector<16xf32>
        %mul3A_584 = arith.mulf %get3A_582, %sub3A_583 : vector<16xf32>
        %add3A_585 = arith.addf %mul3A_494, %mul3A_500 : vector<16xf32>
        %add3A_586 = arith.addf %mul3A_506, %mul3A_512 : vector<16xf32>
        %add3A_587 = arith.addf %mul3A_518, %mul3A_524 : vector<16xf32>
        %add3A_588 = arith.addf %mul3A_530, %mul3A_536 : vector<16xf32>
        %add3A_589 = arith.addf %mul3A_542, %mul3A_548 : vector<16xf32>
        %add3A_590 = arith.addf %mul3A_554, %mul3A_560 : vector<16xf32>
        %add3A_591 = arith.addf %mul3A_566, %mul3A_572 : vector<16xf32>
        %add3A_592 = arith.addf %mul3A_578, %mul3A_584 : vector<16xf32>
        %add3A_593 = arith.addf %add3A_585, %add3A_586 : vector<16xf32>
        %add3A_594 = arith.addf %add3A_587, %add3A_588 : vector<16xf32>
        %add3A_595 = arith.addf %add3A_589, %add3A_590 : vector<16xf32>
        %add3A_596 = arith.addf %add3A_591, %add3A_592 : vector<16xf32>
        %add3A_597 = arith.addf %add3A_593, %add3A_594 : vector<16xf32>
        %add3A_598 = arith.addf %add3A_595, %add3A_596 : vector<16xf32>
        %add3A_599 = arith.addf %add3A_597, %add3A_598 : vector<16xf32>
        %lt3A_600 = arith.cmpf olt, %add3A_599, %select_n3A_482 : vector<16xf32>
        %select_n3A_601 = arith.select %lt3A_600, %add3A_599, %select_n3A_482 : vector<16xi1>, vector<16xf32>
        %select_n3A_602 = arith.select %lt3A_600, %add3A_486, %select_n3A_483 : vector<16xi1>, vector<16xi32>
        %add3A_603 = arith.constant 16 : i32
        %add3A_604 = vector.broadcast %add3A_603 : i32 to vector<16xi32>
        %add3A_605 = arith.addi %add3A_486, %add3A_604 : vector<16xi32>
        scf.yield %select_n3A_601, %select_n3A_602, %add3A_605 : vector<16xf32>, vector<16xi32>, vector<16xi32>
      }
      %scan3A_297 = arith.constant 44 : i32
      %lt3A_298 = arith.constant 5 : i32
      %lt3A_299 = arith.cmpi slt, %scan3A_243, %lt3A_298 : i32
      %convert_element_type3A_300 = arith.extui %lt3A_299 : i1 to i32
      %cond3A_301 = arith.constant 0 : i32
      %cond3A_302 = arith.cmpi ne, %convert_element_type3A_300, %cond3A_301 : i32
      scf.if %cond3A_302 {
        %add3A_363 = arith.constant 4 : i32
        %add3A_364 = arith.addi %add3A_276, %add3A_363 : i32
        %mul3A_365 = arith.constant 31232 : i32
        %mul3A_366 = arith.muli %add3A, %mul3A_365 : i32
        %mul3A_367 = arith.constant 1408 : i32
        %mul3A_368 = arith.muli %add3A_364, %mul3A_367 : i32
        %add3A_369 = arith.addi %mul3A_366, %mul3A_368 : i32
        %min3A_370 = arith.constant 998528 : i32
        %min3A_371 = arith.minsi %add3A_369, %min3A_370 : i32
        %dma_start3A_372 = arith.constant 0 : i32
        %dma_start3A_373 = tpu.memref_slice %arg3[%dma_start3A_372, %min3A_371] : memref<16x1000000xf32, #tpu.memory_space<hbm>> -> memref<16x1408xf32, #tpu.memory_space<hbm>>
        %dma_start3A_374 = arith.constant 0 : i32
        %dma_start3A_375 = tpu.memref_slice %arg3[%dma_start3A_374, %min3A_371] : memref<16x1000000xf32, #tpu.memory_space<hbm>> -> memref<16x1408xf32, #tpu.memory_space<hbm>>
        tpu.enqueue_dma source(%dma_start3A_375 : memref<16x1408xf32, #tpu.memory_space<hbm>>) target(%arg7 : memref<16x1408xf32, #tpu.memory_space<vmem>>) target_semaphore(%arg14 : memref<!tpu.dma_semaphore, #tpu.memory_space<semaphore_mem>>)
      } else {
      }
      %mul3A_303 = arith.constant 4 : i32
      %mul3A_304 = arith.muli %scan3A_243, %mul3A_303 : i32
      %add3A_305 = arith.constant 2 : i32
      %add3A_306 = arith.addi %mul3A_304, %add3A_305 : i32
      %dma_wait3A_307 = arith.constant 0 : i32
      %dma_wait3A_308 = arith.constant 0 : i32
      %dma_wait3A_309 = tpu.memref_slice %arg3[%dma_wait3A_307, %dma_wait3A_308] : memref<16x1000000xf32, #tpu.memory_space<hbm>> -> memref<16x1408xf32, #tpu.memory_space<hbm>>
      %dma_wait3A_310 = arith.constant 0 : i32
      %dma_wait3A_311 = arith.constant 0 : i32
      %dma_wait3A_312 = tpu.memref_slice %arg3[%dma_wait3A_310, %dma_wait3A_311] : memref<16x1000000xf32, #tpu.memory_space<hbm>> -> memref<16x1408xf32, #tpu.memory_space<hbm>>
      tpu.wait_dma2 semaphore(%arg15 : memref<!tpu.dma_semaphore, #tpu.memory_space<semaphore_mem>>) src(%dma_wait3A_312 : memref<16x1408xf32, #tpu.memory_space<hbm>>) dst(%arg8 : memref<16x1408xf32, #tpu.memory_space<vmem>>)
      %mul3A_313 = arith.constant 31232 : i32
      %mul3A_314 = arith.muli %add3A, %mul3A_313 : i32
      %mul3A_315 = arith.constant 1408 : i32
      %mul3A_316 = arith.muli %add3A_306, %mul3A_315 : i32
      %add3A_317 = arith.addi %mul3A_314, %mul3A_316 : i32
      %min3A_318 = arith.constant 998528 : i32
      %min3A_319 = arith.minsi %add3A_317, %min3A_318 : i32
      %add3A_320 = vector.broadcast %min3A_319 : i32 to vector<16xi32>
      %add3A_321 = arith.addi %iota3A, %add3A_320 : vector<16xi32>
      %scan3A_322 = arith.constant 0 : i32
      %scan3A_323 = arith.constant 44 : i32
      %scan3A_324 = arith.addi %scan3A_322, %scan3A_323 : i32
      %scan3A_325 = arith.constant 1 : i32
      %scan3A_326:3 = scf.for %scan3A_363 = %scan3A_322 to %scan3A_324 step %scan3A_325 iter_args(%scan3A_364 = %scan3A_296#0, %scan3A_365 = %scan3A_296#1, %scan3A_366 = %add3A_321) -> (vector<16xf32>, vector<16xi32>, vector<16xi32>)  : i32 {
        %mul3A_367 = arith.constant 32 : i32
        %mul3A_368 = arith.muli %scan3A_363, %mul3A_367 : i32
        %add3A_369 = arith.constant 0 : i32
        %add3A_370 = arith.addi %mul3A_368, %add3A_369 : i32
        %get3A_371 = arith.constant 0 : i32
        %get3A_372 = arith.index_cast %get3A_371 : i32 to index
        %get3A_373 = arith.index_cast %add3A_370 : i32 to index
        %get3A_374 = tpu.vector_load %arg8[%get3A_372, %get3A_373] {strides = array<i32>} : memref<16x1408xf32, #tpu.memory_space<vmem>>, vector<16xf32>,
        %sub3A = arith.subf %get3A_374, %gather3A_12 : vector<16xf32>
        %mul3A_375 = arith.mulf %get3A_374, %sub3A : vector<16xf32>
        %get3A_376 = arith.constant 1 : i32
        %get3A_377 = arith.index_cast %get3A_376 : i32 to index
        %get3A_378 = arith.index_cast %add3A_370 : i32 to index
        %get3A_379 = tpu.vector_load %arg8[%get3A_377, %get3A_378] {strides = array<i32>} : memref<16x1408xf32, #tpu.memory_space<vmem>>, vector<16xf32>,
        %sub3A_380 = arith.subf %get3A_379, %gather3A_24 : vector<16xf32>
        %mul3A_381 = arith.mulf %get3A_379, %sub3A_380 : vector<16xf32>
        %get3A_382 = arith.constant 2 : i32
        %get3A_383 = arith.index_cast %get3A_382 : i32 to index
        %get3A_384 = arith.index_cast %add3A_370 : i32 to index
        %get3A_385 = tpu.vector_load %arg8[%get3A_383, %get3A_384] {strides = array<i32>} : memref<16x1408xf32, #tpu.memory_space<vmem>>, vector<16xf32>,
        %sub3A_386 = arith.subf %get3A_385, %gather3A_36 : vector<16xf32>
        %mul3A_387 = arith.mulf %get3A_385, %sub3A_386 : vector<16xf32>
        %get3A_388 = arith.constant 3 : i32
        %get3A_389 = arith.index_cast %get3A_388 : i32 to index
        %get3A_390 = arith.index_cast %add3A_370 : i32 to index
        %get3A_391 = tpu.vector_load %arg8[%get3A_389, %get3A_390] {strides = array<i32>} : memref<16x1408xf32, #tpu.memory_space<vmem>>, vector<16xf32>,
        %sub3A_392 = arith.subf %get3A_391, %gather3A_48 : vector<16xf32>
        %mul3A_393 = arith.mulf %get3A_391, %sub3A_392 : vector<16xf32>
        %get3A_394 = arith.constant 4 : i32
        %get3A_395 = arith.index_cast %get3A_394 : i32 to index
        %get3A_396 = arith.index_cast %add3A_370 : i32 to index
        %get3A_397 = tpu.vector_load %arg8[%get3A_395, %get3A_396] {strides = array<i32>} : memref<16x1408xf32, #tpu.memory_space<vmem>>, vector<16xf32>,
        %sub3A_398 = arith.subf %get3A_397, %gather3A_60 : vector<16xf32>
        %mul3A_399 = arith.mulf %get3A_397, %sub3A_398 : vector<16xf32>
        %get3A_400 = arith.constant 5 : i32
        %get3A_401 = arith.index_cast %get3A_400 : i32 to index
        %get3A_402 = arith.index_cast %add3A_370 : i32 to index
        %get3A_403 = tpu.vector_load %arg8[%get3A_401, %get3A_402] {strides = array<i32>} : memref<16x1408xf32, #tpu.memory_space<vmem>>, vector<16xf32>,
        %sub3A_404 = arith.subf %get3A_403, %gather3A_72 : vector<16xf32>
        %mul3A_405 = arith.mulf %get3A_403, %sub3A_404 : vector<16xf32>
        %get3A_406 = arith.constant 6 : i32
        %get3A_407 = arith.index_cast %get3A_406 : i32 to index
        %get3A_408 = arith.index_cast %add3A_370 : i32 to index
        %get3A_409 = tpu.vector_load %arg8[%get3A_407, %get3A_408] {strides = array<i32>} : memref<16x1408xf32, #tpu.memory_space<vmem>>, vector<16xf32>,
        %sub3A_410 = arith.subf %get3A_409, %gather3A_84 : vector<16xf32>
        %mul3A_411 = arith.mulf %get3A_409, %sub3A_410 : vector<16xf32>
        %get3A_412 = arith.constant 7 : i32
        %get3A_413 = arith.index_cast %get3A_412 : i32 to index
        %get3A_414 = arith.index_cast %add3A_370 : i32 to index
        %get3A_415 = tpu.vector_load %arg8[%get3A_413, %get3A_414] {strides = array<i32>} : memref<16x1408xf32, #tpu.memory_space<vmem>>, vector<16xf32>,
        %sub3A_416 = arith.subf %get3A_415, %gather3A_96 : vector<16xf32>
        %mul3A_417 = arith.mulf %get3A_415, %sub3A_416 : vector<16xf32>
        %get3A_418 = arith.constant 8 : i32
        %get3A_419 = arith.index_cast %get3A_418 : i32 to index
        %get3A_420 = arith.index_cast %add3A_370 : i32 to index
        %get3A_421 = tpu.vector_load %arg8[%get3A_419, %get3A_420] {strides = array<i32>} : memref<16x1408xf32, #tpu.memory_space<vmem>>, vector<16xf32>,
        %sub3A_422 = arith.subf %get3A_421, %gather3A_108 : vector<16xf32>
        %mul3A_423 = arith.mulf %get3A_421, %sub3A_422 : vector<16xf32>
        %get3A_424 = arith.constant 9 : i32
        %get3A_425 = arith.index_cast %get3A_424 : i32 to index
        %get3A_426 = arith.index_cast %add3A_370 : i32 to index
        %get3A_427 = tpu.vector_load %arg8[%get3A_425, %get3A_426] {strides = array<i32>} : memref<16x1408xf32, #tpu.memory_space<vmem>>, vector<16xf32>,
        %sub3A_428 = arith.subf %get3A_427, %gather3A_120 : vector<16xf32>
        %mul3A_429 = arith.mulf %get3A_427, %sub3A_428 : vector<16xf32>
        %get3A_430 = arith.constant 10 : i32
        %get3A_431 = arith.index_cast %get3A_430 : i32 to index
        %get3A_432 = arith.index_cast %add3A_370 : i32 to index
        %get3A_433 = tpu.vector_load %arg8[%get3A_431, %get3A_432] {strides = array<i32>} : memref<16x1408xf32, #tpu.memory_space<vmem>>, vector<16xf32>,
        %sub3A_434 = arith.subf %get3A_433, %gather3A_132 : vector<16xf32>
        %mul3A_435 = arith.mulf %get3A_433, %sub3A_434 : vector<16xf32>
        %get3A_436 = arith.constant 11 : i32
        %get3A_437 = arith.index_cast %get3A_436 : i32 to index
        %get3A_438 = arith.index_cast %add3A_370 : i32 to index
        %get3A_439 = tpu.vector_load %arg8[%get3A_437, %get3A_438] {strides = array<i32>} : memref<16x1408xf32, #tpu.memory_space<vmem>>, vector<16xf32>,
        %sub3A_440 = arith.subf %get3A_439, %gather3A_144 : vector<16xf32>
        %mul3A_441 = arith.mulf %get3A_439, %sub3A_440 : vector<16xf32>
        %get3A_442 = arith.constant 12 : i32
        %get3A_443 = arith.index_cast %get3A_442 : i32 to index
        %get3A_444 = arith.index_cast %add3A_370 : i32 to index
        %get3A_445 = tpu.vector_load %arg8[%get3A_443, %get3A_444] {strides = array<i32>} : memref<16x1408xf32, #tpu.memory_space<vmem>>, vector<16xf32>,
        %sub3A_446 = arith.subf %get3A_445, %gather3A_156 : vector<16xf32>
        %mul3A_447 = arith.mulf %get3A_445, %sub3A_446 : vector<16xf32>
        %get3A_448 = arith.constant 13 : i32
        %get3A_449 = arith.index_cast %get3A_448 : i32 to index
        %get3A_450 = arith.index_cast %add3A_370 : i32 to index
        %get3A_451 = tpu.vector_load %arg8[%get3A_449, %get3A_450] {strides = array<i32>} : memref<16x1408xf32, #tpu.memory_space<vmem>>, vector<16xf32>,
        %sub3A_452 = arith.subf %get3A_451, %gather3A_168 : vector<16xf32>
        %mul3A_453 = arith.mulf %get3A_451, %sub3A_452 : vector<16xf32>
        %get3A_454 = arith.constant 14 : i32
        %get3A_455 = arith.index_cast %get3A_454 : i32 to index
        %get3A_456 = arith.index_cast %add3A_370 : i32 to index
        %get3A_457 = tpu.vector_load %arg8[%get3A_455, %get3A_456] {strides = array<i32>} : memref<16x1408xf32, #tpu.memory_space<vmem>>, vector<16xf32>,
        %sub3A_458 = arith.subf %get3A_457, %gather3A_180 : vector<16xf32>
        %mul3A_459 = arith.mulf %get3A_457, %sub3A_458 : vector<16xf32>
        %get3A_460 = arith.constant 15 : i32
        %get3A_461 = arith.index_cast %get3A_460 : i32 to index
        %get3A_462 = arith.index_cast %add3A_370 : i32 to index
        %get3A_463 = tpu.vector_load %arg8[%get3A_461, %get3A_462] {strides = array<i32>} : memref<16x1408xf32, #tpu.memory_space<vmem>>, vector<16xf32>,
        %sub3A_464 = arith.subf %get3A_463, %gather3A_192 : vector<16xf32>
        %mul3A_465 = arith.mulf %get3A_463, %sub3A_464 : vector<16xf32>
        %add3A_466 = arith.addf %mul3A_375, %mul3A_381 : vector<16xf32>
        %add3A_467 = arith.addf %mul3A_387, %mul3A_393 : vector<16xf32>
        %add3A_468 = arith.addf %mul3A_399, %mul3A_405 : vector<16xf32>
        %add3A_469 = arith.addf %mul3A_411, %mul3A_417 : vector<16xf32>
        %add3A_470 = arith.addf %mul3A_423, %mul3A_429 : vector<16xf32>
        %add3A_471 = arith.addf %mul3A_435, %mul3A_441 : vector<16xf32>
        %add3A_472 = arith.addf %mul3A_447, %mul3A_453 : vector<16xf32>
        %add3A_473 = arith.addf %mul3A_459, %mul3A_465 : vector<16xf32>
        %add3A_474 = arith.addf %add3A_466, %add3A_467 : vector<16xf32>
        %add3A_475 = arith.addf %add3A_468, %add3A_469 : vector<16xf32>
        %add3A_476 = arith.addf %add3A_470, %add3A_471 : vector<16xf32>
        %add3A_477 = arith.addf %add3A_472, %add3A_473 : vector<16xf32>
        %add3A_478 = arith.addf %add3A_474, %add3A_475 : vector<16xf32>
        %add3A_479 = arith.addf %add3A_476, %add3A_477 : vector<16xf32>
        %add3A_480 = arith.addf %add3A_478, %add3A_479 : vector<16xf32>
        %lt3A_481 = arith.cmpf olt, %add3A_480, %scan3A_364 : vector<16xf32>
        %select_n3A_482 = arith.select %lt3A_481, %add3A_480, %scan3A_364 : vector<16xi1>, vector<16xf32>
        %select_n3A_483 = arith.select %lt3A_481, %scan3A_366, %scan3A_365 : vector<16xi1>, vector<16xi32>
        %add3A_484 = arith.constant 16 : i32
        %add3A_485 = vector.broadcast %add3A_484 : i32 to vector<16xi32>
        %add3A_486 = arith.addi %scan3A_366, %add3A_485 : vector<16xi32>
        %add3A_487 = arith.constant 16 : i32
        %add3A_488 = arith.addi %mul3A_368, %add3A_487 : i32
        %get3A_489 = arith.constant 0 : i32
        %get3A_490 = arith.index_cast %get3A_489 : i32 to index
        %get3A_491 = arith.index_cast %add3A_488 : i32 to index
        %get3A_492 = tpu.vector_load %arg8[%get3A_490, %get3A_491] {strides = array<i32>} : memref<16x1408xf32, #tpu.memory_space<vmem>>, vector<16xf32>,
        %sub3A_493 = arith.subf %get3A_492, %gather3A_12 : vector<16xf32>
        %mul3A_494 = arith.mulf %get3A_492, %sub3A_493 : vector<16xf32>
        %get3A_495 = arith.constant 1 : i32
        %get3A_496 = arith.index_cast %get3A_495 : i32 to index
        %get3A_497 = arith.index_cast %add3A_488 : i32 to index
        %get3A_498 = tpu.vector_load %arg8[%get3A_496, %get3A_497] {strides = array<i32>} : memref<16x1408xf32, #tpu.memory_space<vmem>>, vector<16xf32>,
        %sub3A_499 = arith.subf %get3A_498, %gather3A_24 : vector<16xf32>
        %mul3A_500 = arith.mulf %get3A_498, %sub3A_499 : vector<16xf32>
        %get3A_501 = arith.constant 2 : i32
        %get3A_502 = arith.index_cast %get3A_501 : i32 to index
        %get3A_503 = arith.index_cast %add3A_488 : i32 to index
        %get3A_504 = tpu.vector_load %arg8[%get3A_502, %get3A_503] {strides = array<i32>} : memref<16x1408xf32, #tpu.memory_space<vmem>>, vector<16xf32>,
        %sub3A_505 = arith.subf %get3A_504, %gather3A_36 : vector<16xf32>
        %mul3A_506 = arith.mulf %get3A_504, %sub3A_505 : vector<16xf32>
        %get3A_507 = arith.constant 3 : i32
        %get3A_508 = arith.index_cast %get3A_507 : i32 to index
        %get3A_509 = arith.index_cast %add3A_488 : i32 to index
        %get3A_510 = tpu.vector_load %arg8[%get3A_508, %get3A_509] {strides = array<i32>} : memref<16x1408xf32, #tpu.memory_space<vmem>>, vector<16xf32>,
        %sub3A_511 = arith.subf %get3A_510, %gather3A_48 : vector<16xf32>
        %mul3A_512 = arith.mulf %get3A_510, %sub3A_511 : vector<16xf32>
        %get3A_513 = arith.constant 4 : i32
        %get3A_514 = arith.index_cast %get3A_513 : i32 to index
        %get3A_515 = arith.index_cast %add3A_488 : i32 to index
        %get3A_516 = tpu.vector_load %arg8[%get3A_514, %get3A_515] {strides = array<i32>} : memref<16x1408xf32, #tpu.memory_space<vmem>>, vector<16xf32>,
        %sub3A_517 = arith.subf %get3A_516, %gather3A_60 : vector<16xf32>
        %mul3A_518 = arith.mulf %get3A_516, %sub3A_517 : vector<16xf32>
        %get3A_519 = arith.constant 5 : i32
        %get3A_520 = arith.index_cast %get3A_519 : i32 to index
        %get3A_521 = arith.index_cast %add3A_488 : i32 to index
        %get3A_522 = tpu.vector_load %arg8[%get3A_520, %get3A_521] {strides = array<i32>} : memref<16x1408xf32, #tpu.memory_space<vmem>>, vector<16xf32>,
        %sub3A_523 = arith.subf %get3A_522, %gather3A_72 : vector<16xf32>
        %mul3A_524 = arith.mulf %get3A_522, %sub3A_523 : vector<16xf32>
        %get3A_525 = arith.constant 6 : i32
        %get3A_526 = arith.index_cast %get3A_525 : i32 to index
        %get3A_527 = arith.index_cast %add3A_488 : i32 to index
        %get3A_528 = tpu.vector_load %arg8[%get3A_526, %get3A_527] {strides = array<i32>} : memref<16x1408xf32, #tpu.memory_space<vmem>>, vector<16xf32>,
        %sub3A_529 = arith.subf %get3A_528, %gather3A_84 : vector<16xf32>
        %mul3A_530 = arith.mulf %get3A_528, %sub3A_529 : vector<16xf32>
        %get3A_531 = arith.constant 7 : i32
        %get3A_532 = arith.index_cast %get3A_531 : i32 to index
        %get3A_533 = arith.index_cast %add3A_488 : i32 to index
        %get3A_534 = tpu.vector_load %arg8[%get3A_532, %get3A_533] {strides = array<i32>} : memref<16x1408xf32, #tpu.memory_space<vmem>>, vector<16xf32>,
        %sub3A_535 = arith.subf %get3A_534, %gather3A_96 : vector<16xf32>
        %mul3A_536 = arith.mulf %get3A_534, %sub3A_535 : vector<16xf32>
        %get3A_537 = arith.constant 8 : i32
        %get3A_538 = arith.index_cast %get3A_537 : i32 to index
        %get3A_539 = arith.index_cast %add3A_488 : i32 to index
        %get3A_540 = tpu.vector_load %arg8[%get3A_538, %get3A_539] {strides = array<i32>} : memref<16x1408xf32, #tpu.memory_space<vmem>>, vector<16xf32>,
        %sub3A_541 = arith.subf %get3A_540, %gather3A_108 : vector<16xf32>
        %mul3A_542 = arith.mulf %get3A_540, %sub3A_541 : vector<16xf32>
        %get3A_543 = arith.constant 9 : i32
        %get3A_544 = arith.index_cast %get3A_543 : i32 to index
        %get3A_545 = arith.index_cast %add3A_488 : i32 to index
        %get3A_546 = tpu.vector_load %arg8[%get3A_544, %get3A_545] {strides = array<i32>} : memref<16x1408xf32, #tpu.memory_space<vmem>>, vector<16xf32>,
        %sub3A_547 = arith.subf %get3A_546, %gather3A_120 : vector<16xf32>
        %mul3A_548 = arith.mulf %get3A_546, %sub3A_547 : vector<16xf32>
        %get3A_549 = arith.constant 10 : i32
        %get3A_550 = arith.index_cast %get3A_549 : i32 to index
        %get3A_551 = arith.index_cast %add3A_488 : i32 to index
        %get3A_552 = tpu.vector_load %arg8[%get3A_550, %get3A_551] {strides = array<i32>} : memref<16x1408xf32, #tpu.memory_space<vmem>>, vector<16xf32>,
        %sub3A_553 = arith.subf %get3A_552, %gather3A_132 : vector<16xf32>
        %mul3A_554 = arith.mulf %get3A_552, %sub3A_553 : vector<16xf32>
        %get3A_555 = arith.constant 11 : i32
        %get3A_556 = arith.index_cast %get3A_555 : i32 to index
        %get3A_557 = arith.index_cast %add3A_488 : i32 to index
        %get3A_558 = tpu.vector_load %arg8[%get3A_556, %get3A_557] {strides = array<i32>} : memref<16x1408xf32, #tpu.memory_space<vmem>>, vector<16xf32>,
        %sub3A_559 = arith.subf %get3A_558, %gather3A_144 : vector<16xf32>
        %mul3A_560 = arith.mulf %get3A_558, %sub3A_559 : vector<16xf32>
        %get3A_561 = arith.constant 12 : i32
        %get3A_562 = arith.index_cast %get3A_561 : i32 to index
        %get3A_563 = arith.index_cast %add3A_488 : i32 to index
        %get3A_564 = tpu.vector_load %arg8[%get3A_562, %get3A_563] {strides = array<i32>} : memref<16x1408xf32, #tpu.memory_space<vmem>>, vector<16xf32>,
        %sub3A_565 = arith.subf %get3A_564, %gather3A_156 : vector<16xf32>
        %mul3A_566 = arith.mulf %get3A_564, %sub3A_565 : vector<16xf32>
        %get3A_567 = arith.constant 13 : i32
        %get3A_568 = arith.index_cast %get3A_567 : i32 to index
        %get3A_569 = arith.index_cast %add3A_488 : i32 to index
        %get3A_570 = tpu.vector_load %arg8[%get3A_568, %get3A_569] {strides = array<i32>} : memref<16x1408xf32, #tpu.memory_space<vmem>>, vector<16xf32>,
        %sub3A_571 = arith.subf %get3A_570, %gather3A_168 : vector<16xf32>
        %mul3A_572 = arith.mulf %get3A_570, %sub3A_571 : vector<16xf32>
        %get3A_573 = arith.constant 14 : i32
        %get3A_574 = arith.index_cast %get3A_573 : i32 to index
        %get3A_575 = arith.index_cast %add3A_488 : i32 to index
        %get3A_576 = tpu.vector_load %arg8[%get3A_574, %get3A_575] {strides = array<i32>} : memref<16x1408xf32, #tpu.memory_space<vmem>>, vector<16xf32>,
        %sub3A_577 = arith.subf %get3A_576, %gather3A_180 : vector<16xf32>
        %mul3A_578 = arith.mulf %get3A_576, %sub3A_577 : vector<16xf32>
        %get3A_579 = arith.constant 15 : i32
        %get3A_580 = arith.index_cast %get3A_579 : i32 to index
        %get3A_581 = arith.index_cast %add3A_488 : i32 to index
        %get3A_582 = tpu.vector_load %arg8[%get3A_580, %get3A_581] {strides = array<i32>} : memref<16x1408xf32, #tpu.memory_space<vmem>>, vector<16xf32>,
        %sub3A_583 = arith.subf %get3A_582, %gather3A_192 : vector<16xf32>
        %mul3A_584 = arith.mulf %get3A_582, %sub3A_583 : vector<16xf32>
        %add3A_585 = arith.addf %mul3A_494, %mul3A_500 : vector<16xf32>
        %add3A_586 = arith.addf %mul3A_506, %mul3A_512 : vector<16xf32>
        %add3A_587 = arith.addf %mul3A_518, %mul3A_524 : vector<16xf32>
        %add3A_588 = arith.addf %mul3A_530, %mul3A_536 : vector<16xf32>
        %add3A_589 = arith.addf %mul3A_542, %mul3A_548 : vector<16xf32>
        %add3A_590 = arith.addf %mul3A_554, %mul3A_560 : vector<16xf32>
        %add3A_591 = arith.addf %mul3A_566, %mul3A_572 : vector<16xf32>
        %add3A_592 = arith.addf %mul3A_578, %mul3A_584 : vector<16xf32>
        %add3A_593 = arith.addf %add3A_585, %add3A_586 : vector<16xf32>
        %add3A_594 = arith.addf %add3A_587, %add3A_588 : vector<16xf32>
        %add3A_595 = arith.addf %add3A_589, %add3A_590 : vector<16xf32>
        %add3A_596 = arith.addf %add3A_591, %add3A_592 : vector<16xf32>
        %add3A_597 = arith.addf %add3A_593, %add3A_594 : vector<16xf32>
        %add3A_598 = arith.addf %add3A_595, %add3A_596 : vector<16xf32>
        %add3A_599 = arith.addf %add3A_597, %add3A_598 : vector<16xf32>
        %lt3A_600 = arith.cmpf olt, %add3A_599, %select_n3A_482 : vector<16xf32>
        %select_n3A_601 = arith.select %lt3A_600, %add3A_599, %select_n3A_482 : vector<16xi1>, vector<16xf32>
        %select_n3A_602 = arith.select %lt3A_600, %add3A_486, %select_n3A_483 : vector<16xi1>, vector<16xi32>
        %add3A_603 = arith.constant 16 : i32
        %add3A_604 = vector.broadcast %add3A_603 : i32 to vector<16xi32>
        %add3A_605 = arith.addi %add3A_486, %add3A_604 : vector<16xi32>
        scf.yield %select_n3A_601, %select_n3A_602, %add3A_605 : vector<16xf32>, vector<16xi32>, vector<16xi32>
      }
      %scan3A_327 = arith.constant 44 : i32
      %lt3A_328 = arith.constant 5 : i32
      %lt3A_329 = arith.cmpi slt, %scan3A_243, %lt3A_328 : i32
      %convert_element_type3A_330 = arith.extui %lt3A_329 : i1 to i32
      %cond3A_331 = arith.constant 0 : i32
      %cond3A_332 = arith.cmpi ne, %convert_element_type3A_330, %cond3A_331 : i32
      scf.if %cond3A_332 {
        %add3A_363 = arith.constant 4 : i32
        %add3A_364 = arith.addi %add3A_306, %add3A_363 : i32
        %mul3A_365 = arith.constant 31232 : i32
        %mul3A_366 = arith.muli %add3A, %mul3A_365 : i32
        %mul3A_367 = arith.constant 1408 : i32
        %mul3A_368 = arith.muli %add3A_364, %mul3A_367 : i32
        %add3A_369 = arith.addi %mul3A_366, %mul3A_368 : i32
        %min3A_370 = arith.constant 998528 : i32
        %min3A_371 = arith.minsi %add3A_369, %min3A_370 : i32
        %dma_start3A_372 = arith.constant 0 : i32
        %dma_start3A_373 = tpu.memref_slice %arg3[%dma_start3A_372, %min3A_371] : memref<16x1000000xf32, #tpu.memory_space<hbm>> -> memref<16x1408xf32, #tpu.memory_space<hbm>>
        %dma_start3A_374 = arith.constant 0 : i32
        %dma_start3A_375 = tpu.memref_slice %arg3[%dma_start3A_374, %min3A_371] : memref<16x1000000xf32, #tpu.memory_space<hbm>> -> memref<16x1408xf32, #tpu.memory_space<hbm>>
        tpu.enqueue_dma source(%dma_start3A_375 : memref<16x1408xf32, #tpu.memory_space<hbm>>) target(%arg8 : memref<16x1408xf32, #tpu.memory_space<vmem>>) target_semaphore(%arg15 : memref<!tpu.dma_semaphore, #tpu.memory_space<semaphore_mem>>)
      } else {
      }
      %mul3A_333 = arith.constant 4 : i32
      %mul3A_334 = arith.muli %scan3A_243, %mul3A_333 : i32
      %add3A_335 = arith.constant 3 : i32
      %add3A_336 = arith.addi %mul3A_334, %add3A_335 : i32
      %dma_wait3A_337 = arith.constant 0 : i32
      %dma_wait3A_338 = arith.constant 0 : i32
      %dma_wait3A_339 = tpu.memref_slice %arg3[%dma_wait3A_337, %dma_wait3A_338] : memref<16x1000000xf32, #tpu.memory_space<hbm>> -> memref<16x1408xf32, #tpu.memory_space<hbm>>
      %dma_wait3A_340 = arith.constant 0 : i32
      %dma_wait3A_341 = arith.constant 0 : i32
      %dma_wait3A_342 = tpu.memref_slice %arg3[%dma_wait3A_340, %dma_wait3A_341] : memref<16x1000000xf32, #tpu.memory_space<hbm>> -> memref<16x1408xf32, #tpu.memory_space<hbm>>
      tpu.wait_dma2 semaphore(%arg16 : memref<!tpu.dma_semaphore, #tpu.memory_space<semaphore_mem>>) src(%dma_wait3A_342 : memref<16x1408xf32, #tpu.memory_space<hbm>>) dst(%arg9 : memref<16x1408xf32, #tpu.memory_space<vmem>>)
      %mul3A_343 = arith.constant 31232 : i32
      %mul3A_344 = arith.muli %add3A, %mul3A_343 : i32
      %mul3A_345 = arith.constant 1408 : i32
      %mul3A_346 = arith.muli %add3A_336, %mul3A_345 : i32
      %add3A_347 = arith.addi %mul3A_344, %mul3A_346 : i32
      %min3A_348 = arith.constant 998528 : i32
      %min3A_349 = arith.minsi %add3A_347, %min3A_348 : i32
      %add3A_350 = vector.broadcast %min3A_349 : i32 to vector<16xi32>
      %add3A_351 = arith.addi %iota3A, %add3A_350 : vector<16xi32>
      %scan3A_352 = arith.constant 0 : i32
      %scan3A_353 = arith.constant 44 : i32
      %scan3A_354 = arith.addi %scan3A_352, %scan3A_353 : i32
      %scan3A_355 = arith.constant 1 : i32
      %scan3A_356:3 = scf.for %scan3A_363 = %scan3A_352 to %scan3A_354 step %scan3A_355 iter_args(%scan3A_364 = %scan3A_326#0, %scan3A_365 = %scan3A_326#1, %scan3A_366 = %add3A_351) -> (vector<16xf32>, vector<16xi32>, vector<16xi32>)  : i32 {
        %mul3A_367 = arith.constant 32 : i32
        %mul3A_368 = arith.muli %scan3A_363, %mul3A_367 : i32
        %add3A_369 = arith.constant 0 : i32
        %add3A_370 = arith.addi %mul3A_368, %add3A_369 : i32
        %get3A_371 = arith.constant 0 : i32
        %get3A_372 = arith.index_cast %get3A_371 : i32 to index
        %get3A_373 = arith.index_cast %add3A_370 : i32 to index
        %get3A_374 = tpu.vector_load %arg9[%get3A_372, %get3A_373] {strides = array<i32>} : memref<16x1408xf32, #tpu.memory_space<vmem>>, vector<16xf32>,
        %sub3A = arith.subf %get3A_374, %gather3A_12 : vector<16xf32>
        %mul3A_375 = arith.mulf %get3A_374, %sub3A : vector<16xf32>
        %get3A_376 = arith.constant 1 : i32
        %get3A_377 = arith.index_cast %get3A_376 : i32 to index
        %get3A_378 = arith.index_cast %add3A_370 : i32 to index
        %get3A_379 = tpu.vector_load %arg9[%get3A_377, %get3A_378] {strides = array<i32>} : memref<16x1408xf32, #tpu.memory_space<vmem>>, vector<16xf32>,
        %sub3A_380 = arith.subf %get3A_379, %gather3A_24 : vector<16xf32>
        %mul3A_381 = arith.mulf %get3A_379, %sub3A_380 : vector<16xf32>
        %get3A_382 = arith.constant 2 : i32
        %get3A_383 = arith.index_cast %get3A_382 : i32 to index
        %get3A_384 = arith.index_cast %add3A_370 : i32 to index
        %get3A_385 = tpu.vector_load %arg9[%get3A_383, %get3A_384] {strides = array<i32>} : memref<16x1408xf32, #tpu.memory_space<vmem>>, vector<16xf32>,
        %sub3A_386 = arith.subf %get3A_385, %gather3A_36 : vector<16xf32>
        %mul3A_387 = arith.mulf %get3A_385, %sub3A_386 : vector<16xf32>
        %get3A_388 = arith.constant 3 : i32
        %get3A_389 = arith.index_cast %get3A_388 : i32 to index
        %get3A_390 = arith.index_cast %add3A_370 : i32 to index
        %get3A_391 = tpu.vector_load %arg9[%get3A_389, %get3A_390] {strides = array<i32>} : memref<16x1408xf32, #tpu.memory_space<vmem>>, vector<16xf32>,
        %sub3A_392 = arith.subf %get3A_391, %gather3A_48 : vector<16xf32>
        %mul3A_393 = arith.mulf %get3A_391, %sub3A_392 : vector<16xf32>
        %get3A_394 = arith.constant 4 : i32
        %get3A_395 = arith.index_cast %get3A_394 : i32 to index
        %get3A_396 = arith.index_cast %add3A_370 : i32 to index
        %get3A_397 = tpu.vector_load %arg9[%get3A_395, %get3A_396] {strides = array<i32>} : memref<16x1408xf32, #tpu.memory_space<vmem>>, vector<16xf32>,
        %sub3A_398 = arith.subf %get3A_397, %gather3A_60 : vector<16xf32>
        %mul3A_399 = arith.mulf %get3A_397, %sub3A_398 : vector<16xf32>
        %get3A_400 = arith.constant 5 : i32
        %get3A_401 = arith.index_cast %get3A_400 : i32 to index
        %get3A_402 = arith.index_cast %add3A_370 : i32 to index
        %get3A_403 = tpu.vector_load %arg9[%get3A_401, %get3A_402] {strides = array<i32>} : memref<16x1408xf32, #tpu.memory_space<vmem>>, vector<16xf32>,
        %sub3A_404 = arith.subf %get3A_403, %gather3A_72 : vector<16xf32>
        %mul3A_405 = arith.mulf %get3A_403, %sub3A_404 : vector<16xf32>
        %get3A_406 = arith.constant 6 : i32
        %get3A_407 = arith.index_cast %get3A_406 : i32 to index
        %get3A_408 = arith.index_cast %add3A_370 : i32 to index
        %get3A_409 = tpu.vector_load %arg9[%get3A_407, %get3A_408] {strides = array<i32>} : memref<16x1408xf32, #tpu.memory_space<vmem>>, vector<16xf32>,
        %sub3A_410 = arith.subf %get3A_409, %gather3A_84 : vector<16xf32>
        %mul3A_411 = arith.mulf %get3A_409, %sub3A_410 : vector<16xf32>
        %get3A_412 = arith.constant 7 : i32
        %get3A_413 = arith.index_cast %get3A_412 : i32 to index
        %get3A_414 = arith.index_cast %add3A_370 : i32 to index
        %get3A_415 = tpu.vector_load %arg9[%get3A_413, %get3A_414] {strides = array<i32>} : memref<16x1408xf32, #tpu.memory_space<vmem>>, vector<16xf32>,
        %sub3A_416 = arith.subf %get3A_415, %gather3A_96 : vector<16xf32>
        %mul3A_417 = arith.mulf %get3A_415, %sub3A_416 : vector<16xf32>
        %get3A_418 = arith.constant 8 : i32
        %get3A_419 = arith.index_cast %get3A_418 : i32 to index
        %get3A_420 = arith.index_cast %add3A_370 : i32 to index
        %get3A_421 = tpu.vector_load %arg9[%get3A_419, %get3A_420] {strides = array<i32>} : memref<16x1408xf32, #tpu.memory_space<vmem>>, vector<16xf32>,
        %sub3A_422 = arith.subf %get3A_421, %gather3A_108 : vector<16xf32>
        %mul3A_423 = arith.mulf %get3A_421, %sub3A_422 : vector<16xf32>
        %get3A_424 = arith.constant 9 : i32
        %get3A_425 = arith.index_cast %get3A_424 : i32 to index
        %get3A_426 = arith.index_cast %add3A_370 : i32 to index
        %get3A_427 = tpu.vector_load %arg9[%get3A_425, %get3A_426] {strides = array<i32>} : memref<16x1408xf32, #tpu.memory_space<vmem>>, vector<16xf32>,
        %sub3A_428 = arith.subf %get3A_427, %gather3A_120 : vector<16xf32>
        %mul3A_429 = arith.mulf %get3A_427, %sub3A_428 : vector<16xf32>
        %get3A_430 = arith.constant 10 : i32
        %get3A_431 = arith.index_cast %get3A_430 : i32 to index
        %get3A_432 = arith.index_cast %add3A_370 : i32 to index
        %get3A_433 = tpu.vector_load %arg9[%get3A_431, %get3A_432] {strides = array<i32>} : memref<16x1408xf32, #tpu.memory_space<vmem>>, vector<16xf32>,
        %sub3A_434 = arith.subf %get3A_433, %gather3A_132 : vector<16xf32>
        %mul3A_435 = arith.mulf %get3A_433, %sub3A_434 : vector<16xf32>
        %get3A_436 = arith.constant 11 : i32
        %get3A_437 = arith.index_cast %get3A_436 : i32 to index
        %get3A_438 = arith.index_cast %add3A_370 : i32 to index
        %get3A_439 = tpu.vector_load %arg9[%get3A_437, %get3A_438] {strides = array<i32>} : memref<16x1408xf32, #tpu.memory_space<vmem>>, vector<16xf32>,
        %sub3A_440 = arith.subf %get3A_439, %gather3A_144 : vector<16xf32>
        %mul3A_441 = arith.mulf %get3A_439, %sub3A_440 : vector<16xf32>
        %get3A_442 = arith.constant 12 : i32
        %get3A_443 = arith.index_cast %get3A_442 : i32 to index
        %get3A_444 = arith.index_cast %add3A_370 : i32 to index
        %get3A_445 = tpu.vector_load %arg9[%get3A_443, %get3A_444] {strides = array<i32>} : memref<16x1408xf32, #tpu.memory_space<vmem>>, vector<16xf32>,
        %sub3A_446 = arith.subf %get3A_445, %gather3A_156 : vector<16xf32>
        %mul3A_447 = arith.mulf %get3A_445, %sub3A_446 : vector<16xf32>
        %get3A_448 = arith.constant 13 : i32
        %get3A_449 = arith.index_cast %get3A_448 : i32 to index
        %get3A_450 = arith.index_cast %add3A_370 : i32 to index
        %get3A_451 = tpu.vector_load %arg9[%get3A_449, %get3A_450] {strides = array<i32>} : memref<16x1408xf32, #tpu.memory_space<vmem>>, vector<16xf32>,
        %sub3A_452 = arith.subf %get3A_451, %gather3A_168 : vector<16xf32>
        %mul3A_453 = arith.mulf %get3A_451, %sub3A_452 : vector<16xf32>
        %get3A_454 = arith.constant 14 : i32
        %get3A_455 = arith.index_cast %get3A_454 : i32 to index
        %get3A_456 = arith.index_cast %add3A_370 : i32 to index
        %get3A_457 = tpu.vector_load %arg9[%get3A_455, %get3A_456] {strides = array<i32>} : memref<16x1408xf32, #tpu.memory_space<vmem>>, vector<16xf32>,
        %sub3A_458 = arith.subf %get3A_457, %gather3A_180 : vector<16xf32>
        %mul3A_459 = arith.mulf %get3A_457, %sub3A_458 : vector<16xf32>
        %get3A_460 = arith.constant 15 : i32
        %get3A_461 = arith.index_cast %get3A_460 : i32 to index
        %get3A_462 = arith.index_cast %add3A_370 : i32 to index
        %get3A_463 = tpu.vector_load %arg9[%get3A_461, %get3A_462] {strides = array<i32>} : memref<16x1408xf32, #tpu.memory_space<vmem>>, vector<16xf32>,
        %sub3A_464 = arith.subf %get3A_463, %gather3A_192 : vector<16xf32>
        %mul3A_465 = arith.mulf %get3A_463, %sub3A_464 : vector<16xf32>
        %add3A_466 = arith.addf %mul3A_375, %mul3A_381 : vector<16xf32>
        %add3A_467 = arith.addf %mul3A_387, %mul3A_393 : vector<16xf32>
        %add3A_468 = arith.addf %mul3A_399, %mul3A_405 : vector<16xf32>
        %add3A_469 = arith.addf %mul3A_411, %mul3A_417 : vector<16xf32>
        %add3A_470 = arith.addf %mul3A_423, %mul3A_429 : vector<16xf32>
        %add3A_471 = arith.addf %mul3A_435, %mul3A_441 : vector<16xf32>
        %add3A_472 = arith.addf %mul3A_447, %mul3A_453 : vector<16xf32>
        %add3A_473 = arith.addf %mul3A_459, %mul3A_465 : vector<16xf32>
        %add3A_474 = arith.addf %add3A_466, %add3A_467 : vector<16xf32>
        %add3A_475 = arith.addf %add3A_468, %add3A_469 : vector<16xf32>
        %add3A_476 = arith.addf %add3A_470, %add3A_471 : vector<16xf32>
        %add3A_477 = arith.addf %add3A_472, %add3A_473 : vector<16xf32>
        %add3A_478 = arith.addf %add3A_474, %add3A_475 : vector<16xf32>
        %add3A_479 = arith.addf %add3A_476, %add3A_477 : vector<16xf32>
        %add3A_480 = arith.addf %add3A_478, %add3A_479 : vector<16xf32>
        %lt3A_481 = arith.cmpf olt, %add3A_480, %scan3A_364 : vector<16xf32>
        %select_n3A_482 = arith.select %lt3A_481, %add3A_480, %scan3A_364 : vector<16xi1>, vector<16xf32>
        %select_n3A_483 = arith.select %lt3A_481, %scan3A_366, %scan3A_365 : vector<16xi1>, vector<16xi32>
        %add3A_484 = arith.constant 16 : i32
        %add3A_485 = vector.broadcast %add3A_484 : i32 to vector<16xi32>
        %add3A_486 = arith.addi %scan3A_366, %add3A_485 : vector<16xi32>
        %add3A_487 = arith.constant 16 : i32
        %add3A_488 = arith.addi %mul3A_368, %add3A_487 : i32
        %get3A_489 = arith.constant 0 : i32
        %get3A_490 = arith.index_cast %get3A_489 : i32 to index
        %get3A_491 = arith.index_cast %add3A_488 : i32 to index
        %get3A_492 = tpu.vector_load %arg9[%get3A_490, %get3A_491] {strides = array<i32>} : memref<16x1408xf32, #tpu.memory_space<vmem>>, vector<16xf32>,
        %sub3A_493 = arith.subf %get3A_492, %gather3A_12 : vector<16xf32>
        %mul3A_494 = arith.mulf %get3A_492, %sub3A_493 : vector<16xf32>
        %get3A_495 = arith.constant 1 : i32
        %get3A_496 = arith.index_cast %get3A_495 : i32 to index
        %get3A_497 = arith.index_cast %add3A_488 : i32 to index
        %get3A_498 = tpu.vector_load %arg9[%get3A_496, %get3A_497] {strides = array<i32>} : memref<16x1408xf32, #tpu.memory_space<vmem>>, vector<16xf32>,
        %sub3A_499 = arith.subf %get3A_498, %gather3A_24 : vector<16xf32>
        %mul3A_500 = arith.mulf %get3A_498, %sub3A_499 : vector<16xf32>
        %get3A_501 = arith.constant 2 : i32
        %get3A_502 = arith.index_cast %get3A_501 : i32 to index
        %get3A_503 = arith.index_cast %add3A_488 : i32 to index
        %get3A_504 = tpu.vector_load %arg9[%get3A_502, %get3A_503] {strides = array<i32>} : memref<16x1408xf32, #tpu.memory_space<vmem>>, vector<16xf32>,
        %sub3A_505 = arith.subf %get3A_504, %gather3A_36 : vector<16xf32>
        %mul3A_506 = arith.mulf %get3A_504, %sub3A_505 : vector<16xf32>
        %get3A_507 = arith.constant 3 : i32
        %get3A_508 = arith.index_cast %get3A_507 : i32 to index
        %get3A_509 = arith.index_cast %add3A_488 : i32 to index
        %get3A_510 = tpu.vector_load %arg9[%get3A_508, %get3A_509] {strides = array<i32>} : memref<16x1408xf32, #tpu.memory_space<vmem>>, vector<16xf32>,
        %sub3A_511 = arith.subf %get3A_510, %gather3A_48 : vector<16xf32>
        %mul3A_512 = arith.mulf %get3A_510, %sub3A_511 : vector<16xf32>
        %get3A_513 = arith.constant 4 : i32
        %get3A_514 = arith.index_cast %get3A_513 : i32 to index
        %get3A_515 = arith.index_cast %add3A_488 : i32 to index
        %get3A_516 = tpu.vector_load %arg9[%get3A_514, %get3A_515] {strides = array<i32>} : memref<16x1408xf32, #tpu.memory_space<vmem>>, vector<16xf32>,
        %sub3A_517 = arith.subf %get3A_516, %gather3A_60 : vector<16xf32>
        %mul3A_518 = arith.mulf %get3A_516, %sub3A_517 : vector<16xf32>
        %get3A_519 = arith.constant 5 : i32
        %get3A_520 = arith.index_cast %get3A_519 : i32 to index
        %get3A_521 = arith.index_cast %add3A_488 : i32 to index
        %get3A_522 = tpu.vector_load %arg9[%get3A_520, %get3A_521] {strides = array<i32>} : memref<16x1408xf32, #tpu.memory_space<vmem>>, vector<16xf32>,
        %sub3A_523 = arith.subf %get3A_522, %gather3A_72 : vector<16xf32>
        %mul3A_524 = arith.mulf %get3A_522, %sub3A_523 : vector<16xf32>
        %get3A_525 = arith.constant 6 : i32
        %get3A_526 = arith.index_cast %get3A_525 : i32 to index
        %get3A_527 = arith.index_cast %add3A_488 : i32 to index
        %get3A_528 = tpu.vector_load %arg9[%get3A_526, %get3A_527] {strides = array<i32>} : memref<16x1408xf32, #tpu.memory_space<vmem>>, vector<16xf32>,
        %sub3A_529 = arith.subf %get3A_528, %gather3A_84 : vector<16xf32>
        %mul3A_530 = arith.mulf %get3A_528, %sub3A_529 : vector<16xf32>
        %get3A_531 = arith.constant 7 : i32
        %get3A_532 = arith.index_cast %get3A_531 : i32 to index
        %get3A_533 = arith.index_cast %add3A_488 : i32 to index
        %get3A_534 = tpu.vector_load %arg9[%get3A_532, %get3A_533] {strides = array<i32>} : memref<16x1408xf32, #tpu.memory_space<vmem>>, vector<16xf32>,
        %sub3A_535 = arith.subf %get3A_534, %gather3A_96 : vector<16xf32>
        %mul3A_536 = arith.mulf %get3A_534, %sub3A_535 : vector<16xf32>
        %get3A_537 = arith.constant 8 : i32
        %get3A_538 = arith.index_cast %get3A_537 : i32 to index
        %get3A_539 = arith.index_cast %add3A_488 : i32 to index
        %get3A_540 = tpu.vector_load %arg9[%get3A_538, %get3A_539] {strides = array<i32>} : memref<16x1408xf32, #tpu.memory_space<vmem>>, vector<16xf32>,
        %sub3A_541 = arith.subf %get3A_540, %gather3A_108 : vector<16xf32>
        %mul3A_542 = arith.mulf %get3A_540, %sub3A_541 : vector<16xf32>
        %get3A_543 = arith.constant 9 : i32
        %get3A_544 = arith.index_cast %get3A_543 : i32 to index
        %get3A_545 = arith.index_cast %add3A_488 : i32 to index
        %get3A_546 = tpu.vector_load %arg9[%get3A_544, %get3A_545] {strides = array<i32>} : memref<16x1408xf32, #tpu.memory_space<vmem>>, vector<16xf32>,
        %sub3A_547 = arith.subf %get3A_546, %gather3A_120 : vector<16xf32>
        %mul3A_548 = arith.mulf %get3A_546, %sub3A_547 : vector<16xf32>
        %get3A_549 = arith.constant 10 : i32
        %get3A_550 = arith.index_cast %get3A_549 : i32 to index
        %get3A_551 = arith.index_cast %add3A_488 : i32 to index
        %get3A_552 = tpu.vector_load %arg9[%get3A_550, %get3A_551] {strides = array<i32>} : memref<16x1408xf32, #tpu.memory_space<vmem>>, vector<16xf32>,
        %sub3A_553 = arith.subf %get3A_552, %gather3A_132 : vector<16xf32>
        %mul3A_554 = arith.mulf %get3A_552, %sub3A_553 : vector<16xf32>
        %get3A_555 = arith.constant 11 : i32
        %get3A_556 = arith.index_cast %get3A_555 : i32 to index
        %get3A_557 = arith.index_cast %add3A_488 : i32 to index
        %get3A_558 = tpu.vector_load %arg9[%get3A_556, %get3A_557] {strides = array<i32>} : memref<16x1408xf32, #tpu.memory_space<vmem>>, vector<16xf32>,
        %sub3A_559 = arith.subf %get3A_558, %gather3A_144 : vector<16xf32>
        %mul3A_560 = arith.mulf %get3A_558, %sub3A_559 : vector<16xf32>
        %get3A_561 = arith.constant 12 : i32
        %get3A_562 = arith.index_cast %get3A_561 : i32 to index
        %get3A_563 = arith.index_cast %add3A_488 : i32 to index
        %get3A_564 = tpu.vector_load %arg9[%get3A_562, %get3A_563] {strides = array<i32>} : memref<16x1408xf32, #tpu.memory_space<vmem>>, vector<16xf32>,
        %sub3A_565 = arith.subf %get3A_564, %gather3A_156 : vector<16xf32>
        %mul3A_566 = arith.mulf %get3A_564, %sub3A_565 : vector<16xf32>
        %get3A_567 = arith.constant 13 : i32
        %get3A_568 = arith.index_cast %get3A_567 : i32 to index
        %get3A_569 = arith.index_cast %add3A_488 : i32 to index
        %get3A_570 = tpu.vector_load %arg9[%get3A_568, %get3A_569] {strides = array<i32>} : memref<16x1408xf32, #tpu.memory_space<vmem>>, vector<16xf32>,
        %sub3A_571 = arith.subf %get3A_570, %gather3A_168 : vector<16xf32>
        %mul3A_572 = arith.mulf %get3A_570, %sub3A_571 : vector<16xf32>
        %get3A_573 = arith.constant 14 : i32
        %get3A_574 = arith.index_cast %get3A_573 : i32 to index
        %get3A_575 = arith.index_cast %add3A_488 : i32 to index
        %get3A_576 = tpu.vector_load %arg9[%get3A_574, %get3A_575] {strides = array<i32>} : memref<16x1408xf32, #tpu.memory_space<vmem>>, vector<16xf32>,
        %sub3A_577 = arith.subf %get3A_576, %gather3A_180 : vector<16xf32>
        %mul3A_578 = arith.mulf %get3A_576, %sub3A_577 : vector<16xf32>
        %get3A_579 = arith.constant 15 : i32
        %get3A_580 = arith.index_cast %get3A_579 : i32 to index
        %get3A_581 = arith.index_cast %add3A_488 : i32 to index
        %get3A_582 = tpu.vector_load %arg9[%get3A_580, %get3A_581] {strides = array<i32>} : memref<16x1408xf32, #tpu.memory_space<vmem>>, vector<16xf32>,
        %sub3A_583 = arith.subf %get3A_582, %gather3A_192 : vector<16xf32>
        %mul3A_584 = arith.mulf %get3A_582, %sub3A_583 : vector<16xf32>
        %add3A_585 = arith.addf %mul3A_494, %mul3A_500 : vector<16xf32>
        %add3A_586 = arith.addf %mul3A_506, %mul3A_512 : vector<16xf32>
        %add3A_587 = arith.addf %mul3A_518, %mul3A_524 : vector<16xf32>
        %add3A_588 = arith.addf %mul3A_530, %mul3A_536 : vector<16xf32>
        %add3A_589 = arith.addf %mul3A_542, %mul3A_548 : vector<16xf32>
        %add3A_590 = arith.addf %mul3A_554, %mul3A_560 : vector<16xf32>
        %add3A_591 = arith.addf %mul3A_566, %mul3A_572 : vector<16xf32>
        %add3A_592 = arith.addf %mul3A_578, %mul3A_584 : vector<16xf32>
        %add3A_593 = arith.addf %add3A_585, %add3A_586 : vector<16xf32>
        %add3A_594 = arith.addf %add3A_587, %add3A_588 : vector<16xf32>
        %add3A_595 = arith.addf %add3A_589, %add3A_590 : vector<16xf32>
        %add3A_596 = arith.addf %add3A_591, %add3A_592 : vector<16xf32>
        %add3A_597 = arith.addf %add3A_593, %add3A_594 : vector<16xf32>
        %add3A_598 = arith.addf %add3A_595, %add3A_596 : vector<16xf32>
        %add3A_599 = arith.addf %add3A_597, %add3A_598 : vector<16xf32>
        %lt3A_600 = arith.cmpf olt, %add3A_599, %select_n3A_482 : vector<16xf32>
        %select_n3A_601 = arith.select %lt3A_600, %add3A_599, %select_n3A_482 : vector<16xi1>, vector<16xf32>
        %select_n3A_602 = arith.select %lt3A_600, %add3A_486, %select_n3A_483 : vector<16xi1>, vector<16xi32>
        %add3A_603 = arith.constant 16 : i32
        %add3A_604 = vector.broadcast %add3A_603 : i32 to vector<16xi32>
        %add3A_605 = arith.addi %add3A_486, %add3A_604 : vector<16xi32>
        scf.yield %select_n3A_601, %select_n3A_602, %add3A_605 : vector<16xf32>, vector<16xi32>, vector<16xi32>
      }
      %scan3A_357 = arith.constant 44 : i32
      %lt3A_358 = arith.constant 5 : i32
      %lt3A_359 = arith.cmpi slt, %scan3A_243, %lt3A_358 : i32
      %convert_element_type3A_360 = arith.extui %lt3A_359 : i1 to i32
      %cond3A_361 = arith.constant 0 : i32
      %cond3A_362 = arith.cmpi ne, %convert_element_type3A_360, %cond3A_361 : i32
      scf.if %cond3A_362 {
        %add3A_363 = arith.constant 4 : i32
        %add3A_364 = arith.addi %add3A_336, %add3A_363 : i32
        %mul3A_365 = arith.constant 31232 : i32
        %mul3A_366 = arith.muli %add3A, %mul3A_365 : i32
        %mul3A_367 = arith.constant 1408 : i32
        %mul3A_368 = arith.muli %add3A_364, %mul3A_367 : i32
        %add3A_369 = arith.addi %mul3A_366, %mul3A_368 : i32
        %min3A_370 = arith.constant 998528 : i32
        %min3A_371 = arith.minsi %add3A_369, %min3A_370 : i32
        %dma_start3A_372 = arith.constant 0 : i32
        %dma_start3A_373 = tpu.memref_slice %arg3[%dma_start3A_372, %min3A_371] : memref<16x1000000xf32, #tpu.memory_space<hbm>> -> memref<16x1408xf32, #tpu.memory_space<hbm>>
        %dma_start3A_374 = arith.constant 0 : i32
        %dma_start3A_375 = tpu.memref_slice %arg3[%dma_start3A_374, %min3A_371] : memref<16x1000000xf32, #tpu.memory_space<hbm>> -> memref<16x1408xf32, #tpu.memory_space<hbm>>
        tpu.enqueue_dma source(%dma_start3A_375 : memref<16x1408xf32, #tpu.memory_space<hbm>>) target(%arg9 : memref<16x1408xf32, #tpu.memory_space<vmem>>) target_semaphore(%arg16 : memref<!tpu.dma_semaphore, #tpu.memory_space<semaphore_mem>>)
      } else {
      }
      scf.yield %scan3A_356#0, %scan3A_356#1 : vector<16xf32>, vector<16xi32>
    }
    %scan3A_239 = arith.constant 6 : i32
    %swap3A = arith.constant 0 : index
    %swap3A_240 = tpu.vector_load %arg11[%swap3A] {strides = array<i32>} : memref<16xf32, #tpu.memory_space<vmem>>, vector<16xf32>,
    tpu.vector_store %arg11[%swap3A], %scan3A_238#0 {strides = array<i32>} : memref<16xf32, #tpu.memory_space<vmem>>, vector<16xf32>,
    %swap3A_241 = arith.constant 0 : index
    %swap3A_242 = tpu.vector_load %arg12[%swap3A_241] {strides = array<i32>} : memref<16xi32, #tpu.memory_space<vmem>>, vector<16xi32>,
    tpu.vector_store %arg12[%swap3A_241], %scan3A_238#1 {strides = array<i32>} : memref<16xi32, #tpu.memory_space<vmem>>, vector<16xi32>,
    "tpu.region"() ({
      %run_scoped3A = tpu.sem_alloc : memref<!tpu.dma_semaphore, #tpu.memory_space<semaphore_mem>>
      %dma_start3A_243 = arith.constant 0 : i32
      %dma_start3A_244 = tpu.memref_slice %arg4[%add3A, %dma_start3A_243] : memref<32x16xf32, #tpu.memory_space<hbm>> -> memref<1x16xf32, #tpu.memory_space<hbm>>
      %dma_start3A_245 = tpu.memref_squeeze %dma_start3A_244 : memref<1x16xf32, #tpu.memory_space<hbm>> -> memref<16xf32, #tpu.memory_space<hbm>>
      %dma_start3A_246 = arith.constant 0 : i32
      %dma_start3A_247 = tpu.memref_slice %arg4[%add3A, %dma_start3A_246] : memref<32x16xf32, #tpu.memory_space<hbm>> -> memref<1x16xf32, #tpu.memory_space<hbm>>
      %dma_start3A_248 = tpu.memref_squeeze %dma_start3A_247 : memref<1x16xf32, #tpu.memory_space<hbm>> -> memref<16xf32, #tpu.memory_space<hbm>>
      tpu.enqueue_dma source(%arg11 : memref<16xf32, #tpu.memory_space<vmem>>) target(%dma_start3A_248 : memref<16xf32, #tpu.memory_space<hbm>>) target_semaphore(%run_scoped3A : memref<!tpu.dma_semaphore, #tpu.memory_space<semaphore_mem>>)
      %dma_wait3A = arith.constant 0 : i32
      %dma_wait3A_249 = tpu.memref_slice %arg4[%add3A, %dma_wait3A] : memref<32x16xf32, #tpu.memory_space<hbm>> -> memref<1x16xf32, #tpu.memory_space<hbm>>
      %dma_wait3A_250 = tpu.memref_squeeze %dma_wait3A_249 : memref<1x16xf32, #tpu.memory_space<hbm>> -> memref<16xf32, #tpu.memory_space<hbm>>
      %dma_wait3A_251 = arith.constant 0 : i32
      %dma_wait3A_252 = tpu.memref_slice %arg4[%add3A, %dma_wait3A_251] : memref<32x16xf32, #tpu.memory_space<hbm>> -> memref<1x16xf32, #tpu.memory_space<hbm>>
      %dma_wait3A_253 = tpu.memref_squeeze %dma_wait3A_252 : memref<1x16xf32, #tpu.memory_space<hbm>> -> memref<16xf32, #tpu.memory_space<hbm>>
      tpu.wait_dma2 semaphore(%run_scoped3A : memref<!tpu.dma_semaphore, #tpu.memory_space<semaphore_mem>>) src(%arg11 : memref<16xf32, #tpu.memory_space<vmem>>) dst(%dma_wait3A_253 : memref<16xf32, #tpu.memory_space<hbm>>)
      tpu.yield
    }) : () -> ()
    "tpu.region"() ({
      %run_scoped3A = tpu.sem_alloc : memref<!tpu.dma_semaphore, #tpu.memory_space<semaphore_mem>>
      %dma_start3A_243 = arith.constant 0 : i32
      %dma_start3A_244 = tpu.memref_slice %arg5[%add3A, %dma_start3A_243] : memref<32x16xi32, #tpu.memory_space<hbm>> -> memref<1x16xi32, #tpu.memory_space<hbm>>
      %dma_start3A_245 = tpu.memref_squeeze %dma_start3A_244 : memref<1x16xi32, #tpu.memory_space<hbm>> -> memref<16xi32, #tpu.memory_space<hbm>>
      %dma_start3A_246 = arith.constant 0 : i32
      %dma_start3A_247 = tpu.memref_slice %arg5[%add3A, %dma_start3A_246] : memref<32x16xi32, #tpu.memory_space<hbm>> -> memref<1x16xi32, #tpu.memory_space<hbm>>
      %dma_start3A_248 = tpu.memref_squeeze %dma_start3A_247 : memref<1x16xi32, #tpu.memory_space<hbm>> -> memref<16xi32, #tpu.memory_space<hbm>>
      tpu.enqueue_dma source(%arg12 : memref<16xi32, #tpu.memory_space<vmem>>) target(%dma_start3A_248 : memref<16xi32, #tpu.memory_space<hbm>>) target_semaphore(%run_scoped3A : memref<!tpu.dma_semaphore, #tpu.memory_space<semaphore_mem>>)
      %dma_wait3A = arith.constant 0 : i32
      %dma_wait3A_249 = tpu.memref_slice %arg5[%add3A, %dma_wait3A] : memref<32x16xi32, #tpu.memory_space<hbm>> -> memref<1x16xi32, #tpu.memory_space<hbm>>
      %dma_wait3A_250 = tpu.memref_squeeze %dma_wait3A_249 : memref<1x16xi32, #tpu.memory_space<hbm>> -> memref<16xi32, #tpu.memory_space<hbm>>
      %dma_wait3A_251 = arith.constant 0 : i32
      %dma_wait3A_252 = tpu.memref_slice %arg5[%add3A, %dma_wait3A_251] : memref<32x16xi32, #tpu.memory_space<hbm>> -> memref<1x16xi32, #tpu.memory_space<hbm>>
      %dma_wait3A_253 = tpu.memref_squeeze %dma_wait3A_252 : memref<1x16xi32, #tpu.memory_space<hbm>> -> memref<16xi32, #tpu.memory_space<hbm>>
      tpu.wait_dma2 semaphore(%run_scoped3A : memref<!tpu.dma_semaphore, #tpu.memory_space<semaphore_mem>>) src(%arg12 : memref<16xi32, #tpu.memory_space<vmem>>) dst(%dma_wait3A_253 : memref<16xi32, #tpu.memory_space<hbm>>)
      tpu.yield
    }) : () -> ()
    return
  }
}

module attributes {stable_mosaic.version = 14 : i64} {
  func.func @_merge_tc_body(%arg0: memref<32x16xf32, #tpu.memory_space<vmem>>, %arg1: memref<32x16xi32, #tpu.memory_space<vmem>>, %arg2: memref<1x16xf32, #tpu.memory_space<vmem>>, %arg3: memref<16x128xf32, #tpu.memory_space<vmem>>, %arg4: memref<16x1000000xf32, #tpu.memory_space<hbm>>, %arg5: memref<1x1xf32, #tpu.memory_space<smem>>, %arg6: memref<16x128xf32, #tpu.memory_space<vmem>>, %arg7: memref<!tpu.dma_semaphore, #tpu.memory_space<semaphore_mem>>) attributes {dimension_semantics = [], scalar_prefetch = 0 : i64, scratch_operands = 2 : i64, tpu.core_type = #tpu.core_type<tc>} {
    %get3A = arith.constant 0 : index
    %get3A_0 = arith.constant 0 : index
    %get3A_1 = vector.load %arg0[%get3A, %get3A_0] : memref<32x16xf32, #tpu.memory_space<vmem>>, vector<32x16xf32>
    %get3A_2 = arith.constant 0 : index
    %get3A_3 = arith.constant 0 : index
    %get3A_4 = vector.load %arg1[%get3A_2, %get3A_3] : memref<32x16xi32, #tpu.memory_space<vmem>>, vector<32x16xi32>
    %reduce_min3A = vector.shape_cast %get3A_1 : vector<32x16xf32> to vector<1x32x16xf32>
    %reduce_min3A_5 = arith.constant dense<0x7F800000> : vector<1xf32>
    %reduce_min3A_6 = vector.multi_reduction <minimumf>, %reduce_min3A, %reduce_min3A_5 [1, 2] : vector<1x32x16xf32> to vector<1xf32>
    %reduce_min3A_7 = vector.shape_cast %reduce_min3A_6 : vector<1xf32> to vector<1x1x1xf32>
    %reduce_min3A_8 = vector.extract %reduce_min3A_7[0, 0, 0] : f32 from vector<1x1x1xf32>
    %eq3A = vector.broadcast %reduce_min3A_8 : f32 to vector<32x16xf32>
    %eq3A_9 = arith.cmpf oeq, %get3A_1, %eq3A : vector<32x16xf32>
    %jit3A = arith.constant 2147483647 : i32
    %broadcast_in_dim3A = vector.broadcast %jit3A : i32 to vector<32x16xi32>
    %select_n3A = arith.select %eq3A_9, %get3A_4, %broadcast_in_dim3A : vector<32x16xi1>, vector<32x16xi32>
    %reduce_min3A_10 = vector.shape_cast %select_n3A : vector<32x16xi32> to vector<1x32x16xi32>
    %reduce_min3A_11 = arith.constant dense<2147483647> : vector<1xi32>
    %reduce_min3A_12 = vector.multi_reduction <minsi>, %reduce_min3A_10, %reduce_min3A_11 [1, 2] : vector<1x32x16xi32> to vector<1xi32>
    %reduce_min3A_13 = vector.shape_cast %reduce_min3A_12 : vector<1xi32> to vector<1x1x1xi32>
    %reduce_min3A_14 = vector.extract %reduce_min3A_13[0, 0, 0] : i32 from vector<1x1x1xi32>
    %get3A_15 = arith.constant 0 : index
    %get3A_16 = arith.constant 0 : index
    %get3A_17 = vector.load %arg2[%get3A_15, %get3A_16] : memref<1x16xf32, #tpu.memory_space<vmem>>, vector<1x16xf32>
    %get3A_18 = vector.shape_cast %get3A_17 : vector<1x16xf32> to vector<16xf32>
    %reshape3A = vector.shape_cast %get3A_18 : vector<16xf32> to vector<16x1xf32>
    %get3A_19 = arith.constant 0 : index
    %get3A_20 = arith.constant 0 : index
    %get3A_21 = vector.load %arg3[%get3A_19, %get3A_20] : memref<16x128xf32, #tpu.memory_space<vmem>>, vector<16x128xf32>
    %mul3A = arith.constant 2.000000e+00 : f32
    %mul3A_22 = vector.broadcast %mul3A : f32 to vector<16x1xf32>
    %mul3A_23 = arith.mulf %mul3A_22, %reshape3A : vector<16x1xf32>
    %sub3A = vector.broadcast %mul3A_23 : vector<16x1xf32> to vector<16x128xf32>
    %sub3A_24 = arith.subf %get3A_21, %sub3A : vector<16x128xf32>
    %mul3A_25 = arith.mulf %get3A_21, %sub3A_24 : vector<16x128xf32>
    %reduce_sum3A = arith.constant dense<0.000000e+00> : vector<128xf32>
    %reduce_sum3A_26 = vector.multi_reduction <add>, %mul3A_25, %reduce_sum3A [0] : vector<16x128xf32> to vector<128xf32>
    %broadcast_in_dim3A_27 = vector.shape_cast %reduce_sum3A_26 : vector<128xf32> to vector<1x128xf32>
    %reduce_min3A_28 = vector.shape_cast %broadcast_in_dim3A_27 : vector<1x128xf32> to vector<1x1x128xf32>
    %reduce_min3A_29 = arith.constant dense<0x7F800000> : vector<1xf32>
    %reduce_min3A_30 = vector.multi_reduction <minimumf>, %reduce_min3A_28, %reduce_min3A_29 [1, 2] : vector<1x1x128xf32> to vector<1xf32>
    %reduce_min3A_31 = vector.shape_cast %reduce_min3A_30 : vector<1xf32> to vector<1x1x1xf32>
    %reduce_min3A_32 = vector.extract %reduce_min3A_31[0, 0, 0] : f32 from vector<1x1x1xf32>
    %iota3A = tpu.iota {dimensions = array<i32: 1>} : vector<1x128xi32>
    %add3A = arith.constant 999872 : i32
    %add3A_33 = vector.broadcast %add3A : i32 to vector<1x128xi32>
    %add3A_34 = arith.addi %iota3A, %add3A_33 : vector<1x128xi32>
    %eq3A_35 = vector.broadcast %reduce_min3A_32 : f32 to vector<1x128xf32>
    %eq3A_36 = arith.cmpf oeq, %broadcast_in_dim3A_27, %eq3A_35 : vector<1x128xf32>
    %jit3A_37 = arith.constant 2147483647 : i32
    %broadcast_in_dim3A_38 = vector.broadcast %jit3A_37 : i32 to vector<1x128xi32>
    %select_n3A_39 = arith.select %eq3A_36, %add3A_34, %broadcast_in_dim3A_38 : vector<1x128xi1>, vector<1x128xi32>
    %reduce_min3A_40 = vector.shape_cast %select_n3A_39 : vector<1x128xi32> to vector<1x1x128xi32>
    %reduce_min3A_41 = arith.constant dense<2147483647> : vector<1xi32>
    %reduce_min3A_42 = vector.multi_reduction <minsi>, %reduce_min3A_40, %reduce_min3A_41 [1, 2] : vector<1x1x128xi32> to vector<1xi32>
    %reduce_min3A_43 = vector.shape_cast %reduce_min3A_42 : vector<1xi32> to vector<1x1x1xi32>
    %reduce_min3A_44 = vector.extract %reduce_min3A_43[0, 0, 0] : i32 from vector<1x1x1xi32>
    %lt3A = arith.cmpf olt, %reduce_min3A_32, %reduce_min3A_8 : f32
    %eq3A_45 = arith.cmpf oeq, %reduce_min3A_32, %reduce_min3A_8 : f32
    %lt3A_46 = arith.cmpi slt, %reduce_min3A_44, %reduce_min3A_14 : i32
    %and3A = arith.andi %eq3A_45, %lt3A_46 : i1
    %or3A = arith.ori %lt3A, %and3A : i1
    %select_n3A_47 = arith.select %or3A, %reduce_min3A_44, %reduce_min3A_14 : i32
    %jit3A_48 = arith.constant 128 : i32
    %div3A = arith.divsi %select_n3A_47, %jit3A_48 : i32
    %sign3A = arith.constant 0 : i32
    %sign3A_49 = arith.cmpi sgt, %select_n3A_47, %sign3A : i32
    %sign3A_50 = arith.extui %sign3A_49 : i1 to i32
    %sign3A_51 = arith.constant 0 : i32
    %sign3A_52 = arith.cmpi slt, %select_n3A_47, %sign3A_51 : i32
    %sign3A_53 = arith.extui %sign3A_52 : i1 to i32
    %sign3A_54 = arith.subi %sign3A_50, %sign3A_53 : i32
    %sign3A_55 = arith.constant 0 : i32
    %sign3A_56 = arith.cmpi sgt, %jit3A_48, %sign3A_55 : i32
    %sign3A_57 = arith.extui %sign3A_56 : i1 to i32
    %sign3A_58 = arith.constant 0 : i32
    %sign3A_59 = arith.cmpi slt, %jit3A_48, %sign3A_58 : i32
    %sign3A_60 = arith.extui %sign3A_59 : i1 to i32
    %sign3A_61 = arith.subi %sign3A_57, %sign3A_60 : i32
    %ne3A = arith.cmpi ne, %sign3A_54, %sign3A_61 : i32
    %rem3A = arith.remsi %select_n3A_47, %jit3A_48 : i32
    %ne3A_62 = arith.constant 0 : i32
    %ne3A_63 = arith.cmpi ne, %rem3A, %ne3A_62 : i32
    %and3A_64 = arith.andi %ne3A, %ne3A_63 : i1
    %sub3A_65 = arith.constant 1 : i32
    %sub3A_66 = arith.subi %div3A, %sub3A_65 : i32
    %select_n3A_67 = arith.select %and3A_64, %sub3A_66, %div3A : i32
    %mul3A_68 = arith.constant 128 : i32
    %mul3A_69 = arith.muli %select_n3A_67, %mul3A_68 : i32
    %min3A = arith.constant 999872 : i32
    %min3A_70 = arith.minsi %mul3A_69, %min3A : i32
    %multiple_of3A = tpu.assume_multiple %min3A_70, 128 : i32
    %dma_start3A = arith.constant 0 : i32
    %dma_start3A_71 = tpu.memref_slice %arg4[%dma_start3A, %multiple_of3A] : memref<16x1000000xf32, #tpu.memory_space<hbm>> -> memref<16x128xf32, #tpu.memory_space<hbm>>
    tpu.enqueue_dma source(%dma_start3A_71 : memref<16x128xf32, #tpu.memory_space<hbm>>) target(%arg6 : memref<16x128xf32, #tpu.memory_space<vmem>>) target_semaphore(%arg7 : memref<!tpu.dma_semaphore, #tpu.memory_space<semaphore_mem>>)
    %dma_wait3A = arith.constant 0 : i32
    %dma_wait3A_72 = tpu.memref_slice %arg4[%dma_wait3A, %multiple_of3A] : memref<16x1000000xf32, #tpu.memory_space<hbm>> -> memref<16x128xf32, #tpu.memory_space<hbm>>
    tpu.wait_dma2 semaphore(%arg7 : memref<!tpu.dma_semaphore, #tpu.memory_space<semaphore_mem>>) src(%dma_wait3A_72 : memref<16x128xf32, #tpu.memory_space<hbm>>) dst(%arg6 : memref<16x128xf32, #tpu.memory_space<vmem>>)
    %iota3A_73 = tpu.iota {dimensions = array<i32: 1>} : vector<1x128xi32>
    %sub3A_74 = arith.subi %select_n3A_47, %multiple_of3A : i32
    %eq3A_75 = vector.broadcast %sub3A_74 : i32 to vector<1x128xi32>
    %eq3A_76 = arith.cmpi eq, %iota3A_73, %eq3A_75 : vector<1x128xi32>
    %get3A_77 = arith.constant 0 : index
    %get3A_78 = arith.constant 0 : index
    %get3A_79 = vector.load %arg6[%get3A_77, %get3A_78] : memref<16x128xf32, #tpu.memory_space<vmem>>, vector<16x128xf32>
    %jit3A_80 = arith.constant 0.000000e+00 : f32
    %broadcast_in_dim3A_81 = vector.shape_cast %eq3A_76 : vector<1x128xi1> to vector<1x128xi1>
    %broadcast_in_dim3A_82 = vector.broadcast %broadcast_in_dim3A_81 : vector<1x128xi1> to vector<16x128xi1>
    %broadcast_in_dim3A_83 = vector.broadcast %jit3A_80 : f32 to vector<16x128xf32>
    %select_n3A_84 = arith.select %broadcast_in_dim3A_82, %get3A_79, %broadcast_in_dim3A_83 : vector<16x128xi1>, vector<16x128xf32>
    %reduce_sum3A_85 = arith.constant dense<0.000000e+00> : vector<16xf32>
    %reduce_sum3A_86 = vector.multi_reduction <add>, %select_n3A_84, %reduce_sum3A_85 [1] : vector<16x128xf32> to vector<16xf32>
    %get3A_87 = arith.constant 0 : index
    %get3A_88 = arith.constant 0 : index
    %get3A_89 = vector.load %arg2[%get3A_87, %get3A_88] : memref<1x16xf32, #tpu.memory_space<vmem>>, vector<1x16xf32>
    %get3A_90 = vector.shape_cast %get3A_89 : vector<1x16xf32> to vector<16xf32>
    %mul3A_91 = arith.mulf %reduce_sum3A_86, %get3A_90 : vector<16xf32>
    %reduce_sum3A_92 = vector.shape_cast %mul3A_91 : vector<16xf32> to vector<1x16xf32>
    %reduce_sum3A_93 = arith.constant dense<0.000000e+00> : vector<1xf32>
    %reduce_sum3A_94 = vector.multi_reduction <add>, %reduce_sum3A_92, %reduce_sum3A_93 [1] : vector<1x16xf32> to vector<1xf32>
    %reduce_sum3A_95 = vector.shape_cast %reduce_sum3A_94 : vector<1xf32> to vector<1x1xf32>
    %reduce_sum3A_96 = vector.extract %reduce_sum3A_95[0, 0] : f32 from vector<1x1xf32>
    %swap3A = arith.constant 0 : index
    %swap3A_97 = arith.constant 0 : index
    %swap3A_98 = memref.load %arg5[%swap3A, %swap3A_97] : memref<1x1xf32, #tpu.memory_space<smem>>
    memref.store %reduce_sum3A_96, %arg5[%swap3A, %swap3A_97] : memref<1x1xf32, #tpu.memory_space<smem>>
    return
  }
}

</mosaic_0001>

<sc_bundles>
// kernel: kernel.4.cloned.1.call-start
scs
__scs_entry_jumppad:
0x0: {  	(pc) =	sbr.rel $0x88, $3  }
0x1: {  	(tag) =	ssettag $0x0;
	lr =	simm.s32 $0x1  }
0x2: {  	[smem:$0x3F9E] =	sst lr;
	_ =	strace $0xD0000000  }
0x3: {  	_ = 	snop  }
0x4: {  	_ = 	snop  }
0x5: {  	_ = 	snop  }
0x6: {  	_ = 	snop  }
0x7: {  	_ = 	snop  }
__scs_overlays_trampoline_lowered:
0x8: {  	[smem:$0x3FAD] =	sst s0  }
0x9: {  	[smem:$0x3FAE] =	sst s1  }
0xa: {  	[smem:$0x3FAF] =	sst s2  }
0xb: {  	[smem:$0x3FB0] =	sst s3  }
0xc: {  	[smem:$0x3FB1] =	sst s4  }
0xd: {  	[smem:$0x3FB2] =	sst s5  }
0xe: {  	[smem:$0x3FB3] =	sst s6  }
0xf: {  	[smem:$0x3FB4] =	sst s7  }
0x10: {  	[smem:$0x3FB5] =	sst s8  }
0x11: {  	[smem:$0x3FB6] =	sst s9;
	s0 =	simm.s32 @!p0 $0x0  }
0x12: {  	s1 =	sld [smem:$0x3F9C];
	s0 =	simm.s32 @p0 $0x1  }
0x13: {  	[smem:$0x3FB7] =	sst s0;
	s0 =	simm.s32 @!p1 $0x0  }
0x14: {  	s2 =	sld [smem:$0x3F9B];
	s0 =	simm.s32 @p1 $0x1  }
0x15: {  	[smem:$0x3FB8] =	sst s0;
	s0 =	simm.s32 @!p2 $0x0  }
0x16: {  	s3 =	sld [smem:$0x3FDB];
	s0 =	simm.s32 @p2 $0x1  }
0x17: {  	s4 =	simm.s32 $0x1BF5;
	[smem:$0x3FBA] =	sst s0  }
0x18: {  	s0 =	sld [smem:$0x3F9D];
	_ =	swait.ge [sflag:s4], $0x0  }
0x19: {  	s7 =	sld [smem:$0x3F9E]  }
0x1a: {  	s8 =	sadd.s32 $0xFFFFE003, lr  }
0x1b: {  	s9 =	sadd.s32 $0xFFFFFEF7, lr;
	s5 =	simm.s32 $0xFFFFFFFF;
	p2 =	slt.u32 s8, $0xFFFFF086  }
0x1c: {  	p1 =	slt.u32 s9, $0xF7A;
	s5 =	simm.s32 @!p2 $0x0  }
0x1d: {  	s5 =	simm.s32 @p1 $0x1;
	p0 =	seq.s32 s7, s2  }
0x1e: {  	s7 =	smul.u32 @!p0 $0xF7A, s2;
	p2 =	seq.s32 @!p0 s5, $0x0  }
0x1f: {  	s9 =	smul.u32 $0xF7A, s1;
	s8 =	simm.s32 @!p0 $0x1BF5;
	p2 =	por !p2, p0  }
0x20: {  	[sflag:s8] =	ssyncset.s32 @!p0 $0xFFFFF086;
	s6 =	sadd.s32 @!p0 s3, s7;
	s7 =	simm.s32 @!p0 $0x108  }
0x21: {  	s3 =	sadd.s32 s3, s9;
	s6 =	sadd.s32 @!p0 $0x88, s6;
	s7 =	simm.s32 @p2 $0x1082  }
0x22: {  	[simem:s7], [sflag:s8] =	dma.local @!p0 [hbm:s6], $0xF7A  }
0x23: {  	s9 =	sor.u32 $0xD0000000, s2;
	s6 =	simm.s32 $0x108;
	_ =	swait.ge @!p0 [sflag:s8], $0x0  }
0x24: {  	s3 =	sadd.s32 $0x88, s3;
	s6 =	simm.s32 @!p1 $0x1082;
	[sflag:s4] =	ssyncset.s32 $0xFFFFF086  }
0x25: {  	[simem:s6], [sflag:s4] =	dma.local [hbm:s3], $0xF7A  }
0x26: {  	[smem:$0x3F9E] =	sst s1;
	(tag) =	ssettag s2;
	_ =	strace s9  }
0x27: {  	s1 =	sld [smem:$0x3FAE]  }
0x28: {  	s2 =	sld [smem:$0x3FAF]  }
0x29: {  	s4 =	sld [smem:$0x3FB1]  }
0x2a: {  	p0 =	seq.s32 s5, $0x0;
	s5 =	sld [smem:$0x3FB2]  }
0x2b: {  	s6 =	sld [smem:$0x3FB3]  }
0x2c: {  	s7 =	sld [smem:$0x3FB4]  }
0x2d: {  	s3 =	simm.s32 $0x108;
	s8 =	sld [smem:$0x3FB5]  }
0x2e: {  	s3 =	simm.s32 @!p0 $0x1082;
	s9 =	sld [smem:$0x3FB6]  }
0x2f: {  	lr =	sadd.s32 s0, s3;
	s0 =	sld [smem:$0x3FAD]  }
0x30: {  	s3 =	sld [smem:$0x3FB0]  }
0x31: {  	[smem:$0x3FB9] =	sst s10  }
0x32: {  	s10 =	sld [smem:$0x3FB7];
	_ =	sdelay $0x3  }
0x33: {  	p0 =	seq.s32 s10, $0x1;
	s10 =	sld [smem:$0x3FB9];
	_ =	sdelay $0x3  }
0x34: {  	[smem:$0x3FB9] =	sst s10  }
0x35: {  	s10 =	sld [smem:$0x3FB8];
	_ =	sdelay $0x3  }
0x36: {  	p1 =	seq.s32 s10, $0x1;
	s10 =	sld [smem:$0x3FB9];
	_ =	sdelay $0x3  }
0x37: {  	[smem:$0x3FB9] =	sst s10  }
0x38: {  	s10 =	sld [smem:$0x3FBA]  }
0x39: {  	_ = 	snop;
	(pc) =	sbr.ind lr, $3  }
0x3a: {  	_ = 	snop  }
0x3b: {  	_ = 	snop  }
0x3c: {  	p2 =	seq.s32 s10, $0x1;
	s10 =	sld [smem:$0x3FB9]  }
0x3d: {  	_ =	shalt  }
0x3e: {  	_ =	shalt  }
0x3f: {  	_ =	shalt  }
0x40: {  	_ =	shalt  }
0x41: {  	_ =	shalt  }
0x42: {  	_ =	shalt  }
0x43: {  	_ =	shalt  }
0x44: {  	_ =	shalt  }
0x45: {  	_ =	shalt  }
0x46: {  	_ =	shalt  }
0x47: {  	_ =	shalt  }
0x48: {  	_ =	shalt  }
0x49: {  	_ =	shalt  }
0x4a: {  	_ =	shalt  }
0x4b: {  	_ =	shalt  }
0x4c: {  	_ =	shalt  }
0x4d: {  	_ =	shalt  }
0x4e: {  	_ =	shalt  }
0x4f: {  	_ =	shalt  }
0x50: {  	_ =	shalt  }
0x51: {  	_ =	shalt  }
0x52: {  	_ =	shalt  }
0x53: {  	_ =	shalt  }
0x54: {  	_ =	shalt  }
0x55: {  	_ =	shalt  }
0x56: {  	_ =	shalt  }
0x57: {  	_ =	shalt  }
0x58: {  	_ =	shalt  }
0x59: {  	_ =	shalt  }
0x5a: {  	_ =	shalt  }
0x5b: {  	_ =	shalt  }
0x5c: {  	_ =	shalt  }
0x5d: {  	_ =	shalt  }
0x5e: {  	_ =	shalt  }
0x5f: {  	_ =	shalt  }
0x60: {  	_ =	shalt  }
0x61: {  	_ =	shalt  }
0x62: {  	_ =	shalt  }
0x63: {  	_ =	shalt  }
0x64: {  	_ =	shalt  }
0x65: {  	_ =	shalt  }
0x66: {  	_ =	shalt  }
0x67: {  	_ =	shalt  }
0x68: {  	_ =	shalt  }
0x69: {  	_ =	shalt  }
0x6a: {  	_ =	shalt  }
0x6b: {  	_ =	shalt  }
0x6c: {  	_ =	shalt  }
0x6d: {  	_ =	shalt  }
0x6e: {  	_ =	shalt  }
0x6f: {  	_ =	shalt  }
0x70: {  	_ =	shalt  }
0x71: {  	_ =	shalt  }
0x72: {  	_ =	shalt  }
0x73: {  	_ =	shalt  }
0x74: {  	_ =	shalt  }
0x75: {  	_ =	shalt  }
0x76: {  	_ =	shalt  }
0x77: {  	_ =	shalt  }
0x78: {  	_ =	shalt  }
0x79: {  	_ =	shalt  }
0x7a: {  	_ =	shalt  }
0x7b: {  	_ =	shalt  }
0x7c: {  	_ =	shalt  }
0x7d: {  	_ =	shalt  }
0x7e: {  	_ =	shalt  }
0x7f: {  	_ =	shalt  }
0x80: {  	_ =	shalt  }
0x81: {  	_ =	shalt  }
0x82: {  	_ =	shalt  }
0x83: {  	_ =	shalt  }
0x84: {  	_ =	shalt  }
0x85: {  	_ =	shalt  }
0x86: {  	_ =	shalt  }
0x87: {  	_ =	shalt  }
.Lfunc_end0:
.L_simem_size_0:
called_computation_lowered:
.L_overlay_start_0:
0x88: {  	s2 =	sld [smem:$0x3FD9]  }
0x89: {  	s3 =	sld [smem:$0x3FFE];
	_ =	sdelay $0x1  }
0x8a: {  	s1 =	srdreg.scid  }
0x8b: {  	s0 =	sand.u32 $0x1, s1  }
0x8c: {  	s17 =	sshll.u32 s0, $0xA;
	s2 =	sadd.s32 s3, s2  }
0x8d: {  	s2 =	sadd.s32 s2, s17  }
0x8e: {  	[smem:$0x3FC5] =	sst s2  }
0x8f: {  	_ = 	snop  }
0x90: {  	s2 =	sld [smem:$0x3FC9]  }
0x91: {  	s18 =	sld [smem:$0x3FC8];
	(tm) =	ssettm $0x1  }
0x92: {  	s4 =	sld [smem:$0x3FFB];
	_ =	sdelay $0x3  }
0x93: {  	_ =	strace s4  }
0x94: {  	s4 =	sld [smem:$0x3FFC];
	_ =	sdelay $0x3  }
0x95: {  	_ =	strace s4  }
0x96: {  	s4 =	sld [smem:$0x3FFD];
	_ =	sdelay $0x3  }
0x97: {  	_ =	strace s4  }
0x98: {  	_ =	strace $0x8FFFFFFF  }
0x99: {  	s19 =	sld [smem:$0x3FDB];
	_ =	sdelay $0x1  }
0x9a: {  	s5 =	simm.s32 $_scs_section_size  }
0x9b: {  	s6 =	simm.s32 $_size__tile_overlayer_lowered;
	s7 =	simm.s32 $_tile_overlayer_lowered  }
0x9c: {  	s22 =	simm.s32 $0x1BFF;
	s21 =	sshll.u32 s7, $0x1;
	s4 =	sadd.s32 s5, s19  }
0x9d: {  	s8 =	simm.s32 $0x0;
	s20 =	sshll.u32 s6, $0x1;
	s6 =	sadd.s32 s21, s4  }
0x9e: {  	[timem:s8], [sflag:s22] =	dma.local [hbm:s6], s20  }
0x9f: {  	_ =	swait.ge [sflag:s22], s20  }
0xa0: {  	s5 =	ssub.s32 $0x0, s20;
	[sflag:s22] =	ssyncset.done $0x0  }
0xa1: {  	[sflag:s22] =	ssyncadd.s32 s5;
	_ =	sdelay $0x1  }
0xa2: {  	s23 =	simm.s32 $0x1B8B  }
0xa3: {  	_ =	swait.ge [sflag:s23], $0x1  }
0xa4: {  	[sflag:s23] =	ssyncset.done $0x0  }
0xa5: {  	s25 =	simm.s32 $0x1B8E;
	s24 =	sld [smem:$0x3FFE];
	[sflag:s23] =	ssyncadd.s32 $0xFFFFFFFF  }
0xa6: {  	s26 =	simm.s32 $execute0_lowered;
	[smem:$0x3FD2] =	sst s25  }
0xa7: {  	s6 =	sshll.u32 s26, $0x1;
	_ =	strace $0x80000046;
	[dreg:$0x1] =	wrdreg $0xFFFFFFFF  }
0xa8: {  	s28 =	simm.s32 $_size_execute0_lowered;
	s4 =	sadd.s32 s4, s6;
	[dreg:$0x0] =	wrdreg $0x0  }
0xa9: {  	s6 =	sshll.u32 s28, $0x1;
	[dreg:$0x2] =	wrdreg s4  }
0xaa: {  	[dreg:$0x3] =	wrdreg s6  }
0xab: {  	[dreg:$0x4] =	wrdreg $0xC0  }
0xac: {  	_ =	task [dreg:s8], $0x5FFFF  }
0xad: {  	[dreg:$0x1] =	wrdreg $0xFFFFFFFF  }
0xae: {  	[dreg:$0x0] =	wrdreg $0x60  }
0xaf: {  	[dreg:$0x2] =	wrdreg s2  }
0xb0: {  	[dreg:$0x3] =	wrdreg s18  }
0xb1: {  	[dreg:$0x4] =	wrdreg s24  }
0xb2: {  	[dreg:$0x5] =	wrdreg $0x9  }
0xb3: {  	_ =	task.clear_ibuf [dreg:s8], $0x6FFFF;
	_ =	strace $0x90000046  }
0xb4: {  	s29 =	simm.s32 $0x9;
	_ =	strace $0x80000048  }
0xb5: {  	_ =	swait.ge [sflag:s29], $0x1  }
0xb6: {  	[sflag:s29] =	ssyncadd.s32 $0xFFFFFFFF  }
0xb7: {  	_ =	strace $0x90000048  }
0xb8: {  	_ =	sfence  }
0xb9: {  	s30 =	sld [smem:$0x0];
	_ =	sdelay $0x2  }
0xba: {  	s31 =	sshll.u32 s1, $0xD;
	s1 =	sshrl.u32 s1, $0x2  }
0xbb: {  	s3 =	sand.u32 $0x4000, s31;
	s1 =	sadd.s32 s1, s30  }
0xbc: {  	s0 =	sor.u32 s3, s0;
	s1 =	sshll.u32 s1, $0x11  }
0xbd: {  	s0 =	sor.u32 s1, s0  }
0xbe: {  	s0 =	sadd.s32 $0x8F2B, s0  }
0xbf: {  	[sflag:s0] =	ssyncadd.remote.s32 $0x1  }
0xc0: {  	_ =	sfence.sel $0xFFFF  }
0xc1: {  	[dreg:$0x0] =	wrdreg $0xFFFFFFFF;
	(pc) =	sbr.abs _section_cstart, $3  }
0xc2: {  	[dreg:$0x1] =	wrdreg $0xFFFFFFFF  }
0xc3: {  	_ =	task.clear_ibuf [dreg:s8], $0x2FFFF;
	_ =	strace $0x9FFFFFFF  }
0xc4: {  	(tm) =	ssettm $0x7FFFFFFF  }
0xc5: {  	_ =	shalt  }
tec
execute0_lowered:
.L_overlay_start_1:
0x0: {  	(tag) =	ssettag $0x1  }
0x1: {  	s0 =	srdreg.scid  }
0x2: {  	s0 =	sand.u32 $0x1, s0  }
0x3: {  	s3 =	rddreg [dreg:$0x1];
	s5 =	stileid.u32;
	s1 =	sshll.u32 s0, $0x4  }
0x4: {  	s2 =	rddreg [dreg:$0x2];
	s0 =	ssub.s32 $0x2, s0;
	s1 =	sor.u32 s5, s1  }
0x5: {  	s7 =	simm.s32 $0x0;
	s17 =	sshrl.u32 s0, $0x1;
	s15 =	smul.u32 $0x7A00, s1  }
0x6: {  	[smem:$0x7FF] =	sst s7;
	s0 =	ssub.s32 s0, s17  }
0x7: {  	_ =	strace $0x80000047;
	s0 =	smax.u32 s0, $0x1;
	[dreg:$0x4] =	wrdreg s15  }
0x8: {  	s18 =	sadd.s32 s3, s15;
	[dreg:$0x12] =	wrdreg s0  }
0x9: {  	s19 =	sadd.s32 $0x580, s15;
	[dreg:$0x5] =	wrdreg s18  }
0xa: {  	s20 =	sadd.s32 $0xB00, s15;
	[dreg:$0x6] =	wrdreg s19  }
0xb: {  	s5 =	sshll.u32 s5, $0x4;
	s21 =	sadd.s32 $0x1080, s15;
	[dreg:$0x7] =	wrdreg s20  }
0xc: {  	s4 =	sshll.u32 s1, $0x4;
	s24 =	sadd.s32 $0x1600, s15;
	[dreg:$0x8] =	wrdreg s21  }
0xd: {  	s6 =	sand.u32 $0x70, s5;
	s25 =	sadd.s32 $0x1B80, s15;
	[dreg:$0xc] =	wrdreg s24  }
0xe: {  	s4 =	sand.u32 $0x180, s4;
	s26 =	sadd.s32 $0x2100, s15;
	[dreg:$0xd] =	wrdreg s25  }
0xf: {  	s16 =	sor.u32 s6, s4;
	s28 =	sadd.s32 $0x2680, s15;
	[dreg:$0xe] =	wrdreg s26  }
0x10: {  	s1 =	sadd.s32 s16, s2;
	s2 =	sadd.s32 s3, s19;
	[dreg:$0xf] =	wrdreg s28  }
.Ltmp0:
0x11: {  	s22 =	sadd.s32 s3, s20;
	[dreg:$0x9] =	wrdreg s2;
	(pc) =	sbr.rel .LBB2_1-.Ltmp0, $4  }
0x12: {  	s23 =	sadd.s32 s3, s21;
	[dreg:$0xa] =	wrdreg s22  }
0x13: {  	s30 =	simm.s32 $0x3;
	[dreg:$0xb] =	wrdreg s23;
	s29 =	sadd.s32 $0xE00, s1  }
0x14: {  	s31 =	simm.s32 $0x4;
	s1 =	sadd.s32 $0x1000, s1;
	[dreg:$0x10] =	wrdreg s29  }
0x15: {  	v16 =	vlaneseq.u32;
	s2 =	simm.s32 $0x5;
	[dreg:$0x11] =	wrdreg s1;
	s1 =	simm.s32 $0x0  }
.LBB2_12:
0x16: {  	[tilespmem:$0x16080] =	vst v33;
	s7 =	simm.s32 $0x0  }
0x17: {  	[tilespmem:$0x16100] =	vst v34;
	s0 =	rddreg [dreg:$0x10];
	s1 =	simm.s32 $0x16080;
	s2 =	simm.s32 $0x5  }
0x18: {  	[hbm4b:s0+s7] =	stream.linear.scatter [tilespmem:s1], [sflag:$0x5], $0x80, $0x38;
	[tilespmem:$0x16180] =	vst v63  }
0x19: {  	_ =	swait.ge [sflag:s2], $0x80  }
0x1a: {  	[sflag:s2] =	ssyncset.done $0x0  }
0x1b: {  	s26 =	simm.s32 $0x16100;
	s25 =	rddreg [dreg:$0x11];
	[sflag:s2] =	ssyncadd.s32 $0xFFFFFF80  }
0x1c: {  	[hbm4b:s25+s7] =	stream.linear.scatter [tilespmem:s26], [sflag:$0x5], $0x80, $0x38;
	[tilespmem:$0x16180] =	vst v63  }
0x1d: {  	_ =	swait.ge [sflag:s2], $0x80  }
0x1e: {  	s28 =	rddreg [dreg:$0x13]  }
0x1f: {  	s29 =	rddreg [dreg:$0x12];
	s1 =	sadd.s32 $0x1, s28  }
0x20: {  	p0 =	sne.s32 s1, s29  }
.Ltmp1:
0x21: {  	_ = 	snop;
	(pc) =	sbr.rel @!p0 .LBB2_13-.Ltmp1, $3  }
0x22: {  	_ =	sdelay $0x1  }
0x23: {  	[sflag:s2] =	ssyncset.done $0x0  }
0x24: {  	v16 =	vlaneseq.u32;
	[sflag:s2] =	ssyncadd.s32 $0xFFFFFF80  }
.LBB2_1:
0x25: {  	[dreg:$0x13] =	wrdreg s1  }
0x26: {  	s0 =	rddreg [dreg:$0x0];
	s20 =	simm.s32 $0x16000  }
0x27: {  	[tilespmem:s20], [sflag:$0x5] =	stream.linear.gather [hbm4b:s0+s7], $0x80, $0x38;
	[tilespmem:$0x16180] =	vst v63  }
0x28: {  	_ =	swait.ge [sflag:s2], $0x80  }
0x29: {  	[sflag:s2] =	ssyncset.done $0x0  }
0x2a: {  	[sflag:s2] =	ssyncadd.s32 $0xFFFFFF80  }
0x2b: {  	v0 =	vld [tilespmem:$0x16000];
	_ =	sdelay $0x2  }
0x2c: {  	v1 =	vimm.s32 $0x0;
	v49 =	vimm.s32 $0x1  }
0x2d: {  	v50 =	vimm.s32 $0x2;
	v51 =	vimm.s32 $0x3;
	v52 =	vimm.s32 $0x4  }
0x2e: {  	v53 =	vimm.s32 $0x5;
	v54 =	vimm.s32 $0x6;
	v0 =	vadd.f32 v0, v0  }
0x2f: {  	v55 =	vimm.s32 $0x7;
	v56 =	vimm.s32 $0x8;
	v57 =	vimm.s32 $0x9  }
0x30: {  	s22 =	simm.s32 $0x2C00;
	s23 =	simm.s32 $0x7A1400;
	v58 =	vimm.s32 $0xA;
	s21 =	rddreg [dreg:$0x5];
	v17 =	vperm.xlane v0, v1;
	v18 =	vperm.xlane v0, v49  }
0x31: {  	v59 =	vimm.s32 $0xB;
	[tilespmem:s7], [sflag:$0x1] =	stream.strided.gather [hbm4b:s21+s22], $0x5800, s23, s22, $0x38;
	v19 =	vperm.xlane v0, v50;
	v20 =	vperm.xlane v0, v51;
	[tilespmem:$0x16180] =	vst v63  }
0x32: {  	s4 =	simm.s32 $0x5800;
	v60 =	vimm.s32 $0xC;
	s24 =	rddreg [dreg:$0x9];
	v21 =	vperm.xlane v0, v52;
	v22 =	vperm.xlane v0, v53  }
0x33: {  	v61 =	vimm.s32 $0xD;
	[tilespmem:s4], [sflag:$0x2] =	stream.strided.gather [hbm4b:s24+s22], $0x5800, s23, s22, $0x38;
	v23 =	vperm.xlane v0, v54;
	v24 =	vperm.xlane v0, v55;
	[tilespmem:$0x16180] =	vst v63  }
0x34: {  	s26 =	simm.s32 $0xB000;
	v62 =	vimm.s32 $0xE;
	s25 =	rddreg [dreg:$0xa];
	v25 =	vperm.xlane v0, v56;
	v26 =	vperm.xlane v0, v57  }
0x35: {  	v63 =	vimm.s32 $0xF;
	[tilespmem:s26], [sflag:$0x3] =	stream.strided.gather [hbm4b:s25+s22], $0x5800, s23, s22, $0x38;
	v27 =	vperm.xlane v0, v58;
	v28 =	vperm.xlane v0, v59;
	[tilespmem:$0x16180] =	vst v63  }
0x36: {  	s29 =	simm.s32 $0x10800;
	v33 =	vimm.f32 $+Inf;
	s20 =	simm.s32 $0x0;
	s28 =	rddreg [dreg:$0xb];
	v29 =	vperm.xlane v0, v60;
	v30 =	vperm.xlane v0, v61  }
0x37: {  	v34 =	vimm.s32 $0x7FFFFFFF;
	[tilespmem:s29], [sflag:$0x4] =	stream.strided.gather [hbm4b:s28+s22], $0x5800, s23, s22, $0x38;
	v31 =	vperm.xlane v0, v62;
	v32 =	vperm.xlane v0, v63;
	[tilespmem:$0x16180] =	vst v63  }
.LBB2_2:
0x38: {  	s5 =	simm.s32 $0x1;
	s0 =	simm.s32 $0x0  }
0x39: {  	_ =	swait.ge [sflag:s5], $0x5800;
	s1 =	sand.u32 $0x3C00, s0  }
0x3a: {  	s4 =	sand.u32 $0x60, s0;
	[sflag:s5] =	ssyncset.done $0x0;
	s6 =	sadd.s32 $0x2E80, s1  }
0x3b: {  	[sflag:s5] =	ssyncadd.s32 $0xFFFFA800;
	s28 =	sor.u32 s4, s6  }
0x3c: {  	s7 =	sor.u32 s4, s1;
	v0 =	vld [tilespmem:s28+$0x0]  }
0x3d: {  	s8 =	sadd.s32 $0x2F00, s1;
	v1 =	vld [tilespmem:s7+$0x200]  }
0x3e: {  	s10 =	sadd.s32 $0x2F80, s1;
	s5 =	sor.u32 s4, s8;
	v3 =	vld [tilespmem:s7+$0x180]  }
0x3f: {  	s11 =	sadd.s32 $0x2C00, s1;
	s9 =	sor.u32 $0x10, s4;
	s12 =	sor.u32 s4, s10;
	v4 =	vld [tilespmem:s5+$0x0]  }
0x40: {  	s13 =	sor.u32 s9, s11;
	v5 =	vld [tilespmem:s12+$0x0]  }
0x41: {  	s10 =	sor.u32 s9, s10;
	v6 =	vld [tilespmem:s13+$0x0]  }
0x42: {  	s8 =	sor.u32 s9, s8;
	v36 =	vld [tilespmem:s10+$0x0]  }
0x43: {  	s14 =	sadd.s32 $0x2E00, s1;
	s6 =	sor.u32 s9, s6;
	v37 =	vld [tilespmem:s8+$0x0]  }
0x44: {  	s16 =	sadd.s32 $0x2D00, s1;
	s15 =	sor.u32 s9, s14;
	v38 =	vld [tilespmem:s6+$0x0]  }
0x45: {  	s17 =	sadd.s32 $0x2C80, s1;
	s18 =	sor.u32 s4, s16;
	v42 =	vld [tilespmem:s15+$0x0]  }
0x46: {  	s19 =	sor.u32 s4, s17;
	v40 =	vld [tilespmem:s18+$0x0]  }
0x47: {  	s21 =	sadd.s32 $0x2D80, s1;
	v48 =	vld [tilespmem:s19+$0x0]  }
0x48: {  	s2 =	sand.u32 $0x3, s0;
	s22 =	sor.u32 s4, s21;
	v47 =	vld [tilespmem:s7+$0x100]  }
0x49: {  	s26 =	sshll.u32 s2, $0x5;
	v49 =	vld [tilespmem:s22+$0x0]  }
0x4a: {  	s0 =	sadd.s32 $0x0, s26;
	s10 =	sor.u32 s4, s14;
	v57 =	vld [tilespmem:s7+$0x280];
	v35 =	vsub.f32 v0, v30  }
0x4b: {  	s29 =	sor.u32 $0x300, s0;
	v39 =	vld [tilespmem:s10+$0x0];
	v41 =	vsub.f32 v1, v21;
	v60 =	vsub.f32 v5, v32  }
0x4c: {  	v2 =	vld [tilespmem:s29+$0x0];
	v43 =	vsub.f32 v4, v31;
	v44 =	vsub.f32 v3, v20  }
0x4d: {  	v51 =	vld [tilespmem:s7+$0x80];
	s6 =	sor.u32 s9, s16;
	v61 =	vsub.f32 v37, v31;
	v45 =	vmul.f32 v41, v1;
	v1 =	vsub.f32 v36, v32  }
0x4e: {  	v55 =	vld [tilespmem:s6+$0x0];
	v62 =	vsub.f32 v40, v27;
	v5 =	vmul.f32 v60, v5;
	v4 =	vmul.f32 v43, v4  }
0x4f: {  	s24 =	smul.u32 $0x1600, s20;
	s26 =	sor.u32 s9, s17;
	v46 =	vld [tilespmem:s7+$0x0];
	v63 =	vsub.f32 v48, v26;
	v43 =	vmul.f32 v44, v3;
	v1 =	vmul.f32 v1, v36  }
0x50: {  	s23 =	rddreg [dreg:$0x4];
	s1 =	sor.u32 s9, s1;
	v58 =	vld [tilespmem:s26+$0x0];
	v3 =	vadd.f32 v5, v4;
	v4 =	vmul.f32 v61, v37;
	v5 =	vsub.f32 v39, v29  }
0x51: {  	s25 =	sadd.s32 s23, s24;
	v52 =	vld [tilespmem:s1+$0x0];
	v54 =	vsub.f32 v49, v28;
	v50 =	vsub.f32 v2, v23;
	v0 =	vmul.f32 v35, v0  }
0x52: {  	s28 =	sor.u32 $0x380, s0;
	v56 =	vld [tilespmem:s1+$0x180];
	v35 =	vor.u32 s25, v16;
	v41 =	vadd.f32 v1, v4;
	v4 =	vmul.f32 v5, v39  }
0x53: {  	s4 =	sor.u32 s4, s11;
	v60 =	vsub.f32 v55, v27;
	v59 =	vmul.f32 v50, v2;
	v2 =	vsub.f32 v38, v30;
	v5 =	vld [tilespmem:s28+$0x0]  }
0x54: {  	s2 =	sor.u32 s9, s21;
	v44 =	vld [tilespmem:s4+$0x0];
	v53 =	vmul.f32 v62, v40;
	v61 =	vsub.f32 v57, v22;
	v0 =	vadd.f32 v0, v4  }
0x55: {  	v40 =	vld [tilespmem:s2+$0x0];
	v50 =	vmul.f32 v63, v48;
	v1 =	vsub.f32 v42, v29;
	v4 =	vsub.f32 v6, v25  }
0x56: {  	v48 =	vld [tilespmem:s1+$0x280];
	v37 =	vadd.s32 $0x20, v35;
	v36 =	vadd.f32 v3, v0;
	v3 =	vsub.f32 v58, v26  }
0x57: {  	v38 =	vmul.f32 v2, v38;
	v2 =	vsub.f32 v51, v18;
	v39 =	vld [tilespmem:s1+$0x80];
	v1 =	vmul.f32 v1, v42  }
0x58: {  	s0 =	sadd.s32 $0x10, s0;
	v6 =	vmul.f32 v4, v6;
	v0 =	vld [tilespmem:s1+$0x200];
	v62 =	vsub.f32 v5, v24;
	v63 =	vmul.f32 v3, v58  }
0x59: {  	s29 =	sor.u32 $0x300, s0;
	s25 =	simm.s32 $0x20;
	v42 =	vld [tilespmem:s1+$0x100];
	v4 =	vmul.f32 v61, v57;
	v3 =	vsub.f32 v47, v19;
	v58 =	vadd.f32 v38, v1  }
0x5a: {  	s2 =	simm.s32 $0x1;
	v57 =	vld [tilespmem:s29+$0x0];
	s1 =	sor.u32 $0x380, s0;
	s0 =	simm.s32 $0x100;
	v1 =	vsub.f32 v44, v25;
	v5 =	vmul.f32 v62, v5;
	v38 =	vadd.f32 v63, v6  }
.LBB2_3:
0x5b: {  	s4 =	sand.u32 $0x3, s2;
	s7 =	sand.u32 $0x60, s25;
	s6 =	sand.u32 $0x3C00, s0;
	v3 =	vmul.f32 v3, v47;
	v6 =	vmul.f32 v54, v49;
	v4 =	vadd.f32 v4, v45;
	v45 =	vld [tilespmem:s1+$0x0];
	v54 =	vmovc v37  }
0x5c: {  	v47 =	vsub.f32 v46, v17;
	v2 =	vmul.f32 v2, v51;
	s1 =	sshll.u32 s4, $0x5;
	s11 =	sadd.s32 $0x2D80, s6;
	s8 =	sadd.s32 $0x2E80, s6;
	v5 =	vadd.f32 v5, v59  }
0x5d: {  	v51 =	vmul.f32 v60, v55;
	s21 =	sadd.s32 s1, s0;
	s17 =	sor.u32 s7, s11;
	s1 =	sor.u32 s7, s8;
	v3 =	vadd.f32 v43, v3;
	v43 =	vsub.f32 v0, v21  }
0x5e: {  	s12 =	sor.u32 s7, s6;
	v46 =	vmul.f32 v47, v46;
	s4 =	sor.u32 $0x300, s21;
	v49 =	vld [tilespmem:s1+$0x0];
	s1 =	sadd.s32 $0x2F00, s6;
	v4 =	vadd.f32 v5, v4;
	v5 =	vsub.f32 v40, v28  }
0x5f: {  	s16 =	sadd.s32 $0x2C00, s6;
	s19 =	sadd.s32 $0x2F80, s6;
	v6 =	vadd.f32 v6, v53;
	v53 =	vsub.f32 v52, v17;
	s10 =	sor.u32 $0x380, s21;
	v47 =	vld [tilespmem:s12+$0x200];
	v0 =	vmul.f32 v43, v0  }
0x60: {  	s23 =	sadd.s32 $0x2C80, s6;
	v1 =	vmul.f32 v1, v44;
	s18 =	sor.u32 s7, s16;
	s26 =	sor.u32 s7, s19;
	v43 =	vsub.f32 v56, v20;
	v44 =	vsub.f32 v57, v23;
	v59 =	vld [tilespmem:s4+$0x0]  }
0x61: {  	s9 =	sadd.s32 $0x2E00, s6;
	s22 =	sor.u32 s7, s23;
	v2 =	vadd.f32 v2, v46;
	v46 =	vmul.f32 v53, v52;
	s4 =	sor.u32 s7, s1;
	v52 =	vsub.f32 v45, v24;
	v55 =	vld [tilespmem:s12+$0x180]  }
0x62: {  	s13 =	sadd.s32 $0x2D00, s6;
	s14 =	sor.u32 s7, s9;
	v1 =	vadd.f32 v50, v1;
	v50 =	vadd.f32 v41, v58;
	v43 =	vmul.f32 v43, v56;
	v53 =	vld [tilespmem:s4+$0x0];
	s4 =	sor.u32 $0x10, s7  }
0x63: {  	v58 =	vsub.f32 v42, v19;
	v44 =	vmul.f32 v44, v57;
	s7 =	sor.u32 s7, s13;
	v41 =	vsub.f32 v49, v30;
	v56 =	vld [tilespmem:s26+$0x0];
	s16 =	sor.u32 s4, s16;
	s9 =	sor.u32 s4, s9  }
0x64: {  	v2 =	vadd.f32 v3, v2;
	v3 =	vsub.f32 v48, v22;
	v45 =	vmul.f32 v52, v45;
	s8 =	sor.u32 s4, s8;
	s15 =	sor.u32 s4, s19;
	v57 =	vld [tilespmem:s16+$0x0];
	s16 =	sor.u32 s4, s1  }
0x65: {  	v1 =	vadd.f32 v6, v1;
	v6 =	vsub.f32 v39, v18;
	s26 =	sor.u32 s4, s13;
	s19 =	sor.u32 s4, s11;
	s1 =	sor.u32 s4, s23;
	v52 =	vmul.f32 v41, v49;
	v41 =	vld [tilespmem:s15+$0x0]  }
0x66: {  	p0 =	sne.s32 s25, $0x560;
	s25 =	sadd.s32 $0x20, s25;
	s11 =	sadd.s32 $0x10, s21;
	v2 =	vadd.f32 v4, v2;
	v4 =	vmul.f32 v58, v42;
	v3 =	vmul.f32 v3, v48;
	v60 =	vld [tilespmem:s16+$0x0]  }
0x67: {  	v6 =	vmul.f32 v6, v39;
	v42 =	vsub.f32 v47, v21;
	v39 =	vadd.f32 v45, v44;
	v48 =	vld [tilespmem:s8+$0x0]  }
0x68: {  	v5 =	vmul.f32 v5, v40;
	v4 =	vadd.f32 v43, v4;
	v44 =	vsub.f32 v55, v20;
	v58 =	vld [tilespmem:s9+$0x0]  }
0x69: {  	v0 =	vadd.f32 v3, v0;
	v45 =	vmul.f32 v42, v47;
	v42 =	vsub.f32 v56, v32;
	v40 =	vld [tilespmem:s14+$0x0]  }
0x6a: {  	v6 =	vadd.f32 v6, v46;
	v43 =	vmul.f32 v44, v55;
	v44 =	vsub.f32 v53, v31;
	v3 =	vld [tilespmem:s7+$0x0]  }
0x6b: {  	v0 =	vadd.f32 v39, v0;
	v42 =	vmul.f32 v42, v56;
	v46 =	vsub.f32 v41, v32;
	v61 =	vld [tilespmem:s22+$0x0]  }
0x6c: {  	v4 =	vadd.f32 v4, v6;
	v39 =	vmul.f32 v44, v53;
	v44 =	vsub.f32 v60, v31;
	v47 =	vld [tilespmem:s12+$0x100]  }
0x6d: {  	v1 =	vadd.f32 v36, v1;
	v5 =	vadd.f32 v5, v51;
	v6 =	vmul.f32 v46, v41;
	v49 =	vld [tilespmem:s17+$0x0]  }
0x6e: {  	v0 =	vadd.f32 v0, v4;
	v36 =	vadd.f32 v42, v39;
	v39 =	vmul.f32 v44, v60;
	v62 =	vld [tilespmem:s12+$0x280]  }
0x6f: {  	v63 =	vadd.s32 $0x10, v35;
	v5 =	vadd.f32 v5, v38;
	v51 =	vld [tilespmem:s12+$0x80];
	v4 =	vsub.f32 v3, v27  }
0x70: {  	v37 =	vadd.s32 $0x20, v37;
	v1 =	vadd.f32 v1, v2;
	v38 =	vsub.f32 v40, v29;
	v46 =	vld [tilespmem:s12+$0x0]  }
0x71: {  	v2 =	vsub.f32 v59, v23;
	v41 =	vadd.f32 v6, v39;
	v44 =	vld [tilespmem:s18+$0x0];
	v53 =	vmul.f32 v4, v3  }
0x72: {  	vm0 =	vlt.f32 v1, v33;
	v3 =	vsub.f32 v58, v29;
	v4 =	vadd.f32 v50, v5;
	v55 =	vld [tilespmem:s26+$0x0]  }
0x73: {  	v6 =	vsub.f32 v61, v26;
	v38 =	vmul.f32 v38, v40;
	v5 =	vsub.f32 v62, v22;
	v7 =	vld [tilespmem:s1+$0x0]  }
0x74: {  	v59 =	vmul.f32 v2, v59;
	v9 =	vsub.f32 v48, v30;
	s1 =	sor.u32 s4, s6;
	v4 =	vadd.f32 v4, v0;
	v8 =	vld [tilespmem:s10+$0x0]  }
0x75: {  	v50 =	vmul.f32 v6, v61;
	v6 =	vsel vm0, v35, v34;
	v35 =	vmovc v54;
	v0 =	vadd.f32 v52, v38;
	v52 =	vld [tilespmem:s1+$0x0]  }
0x76: {  	v1 =	vsel vm0, v1, v33;
	v2 =	vsub.f32 v57, v25;
	v54 =	vsub.f32 v49, v28;
	v39 =	vld [tilespmem:s1+$0x80]  }
0x77: {  	v34 =	vmul.f32 v3, v58;
	v36 =	vadd.f32 v36, v0;
	v60 =	vsub.f32 v55, v27;
	v40 =	vld [tilespmem:s19+$0x0]  }
.Ltmp2:
0x78: {  	v38 =	vmul.f32 v2, v57;
	vm0 =	vlt.f32 v4, v1;
	v42 =	vld [tilespmem:s1+$0x100];
	v33 =	vsub.f32 v7, v26;
	(pc) =	sbr.rel @p0 .LBB2_3-.Ltmp2, $4  }
0x79: {  	v9 =	vmul.f32 v9, v48;
	v3 =	vsub.f32 v47, v19;
	v2 =	vsub.f32 v51, v18;
	v56 =	vld [tilespmem:s1+$0x180]  }
0x7a: {  	v57 =	vsub.f32 v8, v24;
	v0 =	vld [tilespmem:s1+$0x200];
	v7 =	vmul.f32 v33, v7;
	v33 =	vsel vm0, v4, v1  }
0x7b: {  	v58 =	vadd.f32 v9, v34;
	v34 =	vsel vm0, v63, v6;
	v4 =	vmul.f32 v5, v62;
	v48 =	vld [tilespmem:s1+$0x280];
	s1 =	sor.u32 $0x300, s11  }
0x7c: {  	s2 =	sadd.s32 $0x1, s2;
	s0 =	sadd.s32 $0x100, s0;
	v1 =	vsub.f32 v44, v25;
	v5 =	vmul.f32 v57, v8;
	v57 =	vld [tilespmem:s1+$0x0];
	s1 =	sor.u32 $0x380, s11;
	v38 =	vadd.f32 v7, v38  }
0x7d: {  	p0 =	seq.s32 s20, $0x5;
	s0 =	rddreg [dreg:$0xc]  }
0x7e: {  	s0 =	sadd.s32 @!p0 s24, s0  }
0x7f: {  	p1 =	slt.s32 @!p0 s0, $0xF3C80  }
0x80: {  	v3 =	vmul.f32 v3, v47;
	v4 =	vadd.f32 v4, v45;
	s13 =	simm.s32 $0x0;
	p1 =	por !p1, p0  }
0x81: {  	v7 =	vld [tilespmem:s1+$0x0];
	v8 =	vsub.f32 v46, v17;
	v2 =	vmul.f32 v2, v51;
	v51 =	vsub.f32 v52, v17;
	s14 =	simm.s32 $0x2;
	s1 =	simm.s32 @!p0 $0x2C00;
	s0 =	simm.s32 @p1 $0xF3C80  }
0x82: {  	v6 =	vmul.f32 v54, v49;
	v41 =	vadd.f32 v41, v58;
	v58 =	vsub.f32 v42, v19;
	s2 =	simm.s32 @!p0 $0x7A1400;
	s4 =	simm.s32 @!p0 $0x0;
	s0 =	sadd.s32 @!p0 s3, s0  }
0x83: {  	v37 =	vmul.f32 v60, v55;
	v60 =	vsub.f32 v39, v18;
	v5 =	vadd.f32 v5, v59;
	[tilespmem:s4], [sflag:$0x1] =	stream.strided.gather @!p0 [hbm4b:s0+s1], $0x5800, s2, s1, $0x38;
	[tilespmem:$0x16180] =	vst v63  }
0x84: {  	v1 =	vmul.f32 v1, v44;
	s12 =	sand.u32 $0x3C00, s13;
	v3 =	vadd.f32 v43, v3;
	v9 =	vsub.f32 v0, v21;
	_ =	swait.ge [sflag:s14], $0x5800  }
0x85: {  	s15 =	sand.u32 $0x60, s13;
	v6 =	vadd.f32 v6, v53;
	v53 =	vsub.f32 v56, v20;
	s16 =	sadd.s32 $0x5800, s12;
	v39 =	vmul.f32 v60, v39;
	[sflag:s14] =	ssyncset.done $0x0  }
0x86: {  	v4 =	vadd.f32 v5, v4;
	v5 =	vmul.f32 v8, v46;
	v8 =	vsub.f32 v40, v28;
	s17 =	sor.u32 s15, s16;
	s0 =	sadd.s32 $0x8780, s12;
	[sflag:s14] =	ssyncadd.s32 $0xFFFFA800  }
0x87: {  	v1 =	vadd.f32 v50, v1;
	v59 =	vsub.f32 v48, v22;
	v0 =	vmul.f32 v9, v0;
	s4 =	sand.u32 $0x3, s13;
	s6 =	sor.u32 s15, s0;
	v61 =	vld [tilespmem:s17+$0x180]  }
0x88: {  	v54 =	vsub.f32 v57, v23;
	v44 =	vmul.f32 v53, v56;
	v2 =	vadd.f32 v2, v5;
	s4 =	sshll.u32 s4, $0x5;
	v62 =	vld [tilespmem:s6+$0x0]  }
0x89: {  	v55 =	vsub.f32 v7, v24;
	v1 =	vadd.f32 v6, v1;
	v6 =	vmul.f32 v59, v48;
	s7 =	sadd.s32 $0x0, s4;
	v63 =	vld [tilespmem:s17+$0x200]  }
0x8a: {  	s23 =	sadd.s32 $0x8480, s12;
	v5 =	vmul.f32 v51, v52;
	v9 =	vmul.f32 v54, v57;
	v2 =	vadd.f32 v3, v2;
	s4 =	sor.u32 $0x300, s7;
	v12 =	vld [tilespmem:s17+$0x280]  }
0x8b: {  	s25 =	sor.u32 s15, s23;
	v3 =	vmul.f32 v55, v7;
	v7 =	vmul.f32 v58, v42;
	v0 =	vadd.f32 v6, v0;
	v6 =	vld [tilespmem:s4+$0x5800]  }
0x8c: {  	s26 =	sadd.s32 $0x8580, s12;
	v8 =	vmul.f32 v8, v40;
	v5 =	vadd.f32 v39, v5;
	v13 =	vld [tilespmem:s25+$0x0]  }
0x8d: {  	s8 =	sadd.s32 $0x8500, s12;
	s11 =	sadd.s32 $0x8700, s12;
	s29 =	sor.u32 s15, s26;
	v3 =	vadd.f32 v3, v9;
	v7 =	vadd.f32 v44, v7;
	v14 =	vld [tilespmem:s17+$0x100]  }
0x8e: {  	s10 =	sadd.s32 $0x8680, s12;
	s28 =	sadd.s32 $0x8400, s12;
	s12 =	sadd.s32 $0x8600, s12;
	v2 =	vadd.f32 v4, v2;
	v4 =	vadd.f32 v8, v37;
	v40 =	vld [tilespmem:s29+$0x0]  }
0x8f: {  	v1 =	vadd.f32 v36, v1;
	s1 =	sor.u32 s15, s12;
	s18 =	sadd.s32 $0x10, s7;
	v44 =	vld [tilespmem:s17+$0x80];
	v0 =	vadd.f32 v3, v0  }
0x90: {  	s19 =	sor.u32 $0x380, s18;
	v57 =	vld [tilespmem:s1+$0x0];
	v3 =	vadd.f32 v7, v5;
	v4 =	vadd.f32 v4, v38  }
0x91: {  	s21 =	sor.u32 s15, s11;
	s5 =	rddreg [dreg:$0x6];
	v8 =	vld [tilespmem:s19+$0x5800];
	v1 =	vadd.f32 v1, v2  }
0x92: {  	s22 =	sor.u32 $0x10, s15;
	s9 =	sor.u32 s15, s8;
	s5 =	sadd.s32 s24, s5;
	v7 =	vld [tilespmem:s21+$0x0];
	v0 =	vadd.f32 v0, v3;
	v2 =	vadd.f32 v41, v4  }
0x93: {  	v53 =	vadd.s32 $0x10, v35;
	v47 =	vor.u32 s5, v16;
	v5 =	vld [tilespmem:s9+$0x0];
	s9 =	sor.u32 s22, s16;
	vm0 =	vlt.f32 v1, v33  }
0x94: {  	s13 =	sor.u32 s15, s10;
	v49 =	vld [tilespmem:s9+$0x100];
	v1 =	vsel vm0, v1, v33;
	v0 =	vadd.f32 v2, v0;
	v55 =	vsub.f32 v63, v21  }
0x95: {  	s8 =	sor.u32 s22, s8;
	v3 =	vld [tilespmem:s13+$0x0];
	v34 =	vsel vm0, v35, v34;
	v58 =	vsub.f32 v13, v26;
	v60 =	vsub.f32 v14, v19  }
0x96: {  	s14 =	sor.u32 s15, s28;
	v4 =	vld [tilespmem:s8+$0x0];
	v33 =	vadd.s32 $0x20, v47;
	v45 =	vsub.f32 v40, v28;
	v10 =	vsub.f32 v44, v18  }
0x97: {  	v41 =	vld [tilespmem:s14+$0x0];
	s8 =	sor.u32 s22, s26;
	v54 =	vsub.f32 v8, v24;
	v56 =	vsub.f32 v7, v31;
	vm0 =	vlt.f32 v0, v1  }
0x98: {  	s7 =	sor.u32 $0x380, s7;
	v46 =	vld [tilespmem:s8+$0x0];
	v9 =	vmul.f32 v55, v63;
	v38 =	vmul.f32 v60, v14;
	v63 =	vsub.f32 v57, v29  }
0x99: {  	s8 =	sor.u32 s22, s23;
	v2 =	vld [tilespmem:s7+$0x5800];
	v37 =	vmul.f32 v58, v13;
	v36 =	vsel vm0, v0, v1;
	v0 =	vsub.f32 v62, v32  }
0x9a: {  	v52 =	vld [tilespmem:s8+$0x0];
	v1 =	vsub.f32 v12, v22;
	v39 =	vsel vm0, v53, v34;
	v35 =	vmul.f32 v54, v8  }
0x9b: {  	v43 =	vld [tilespmem:s9+$0x80];
	s7 =	sor.u32 s22, s28;
	v8 =	vsub.f32 v61, v20;
	v59 =	vsub.f32 v3, v30;
	v7 =	vmul.f32 v56, v7  }
0x9c: {  	v50 =	vld [tilespmem:s7+$0x0];
	v53 =	vsub.f32 v4, v27;
	v42 =	vmul.f32 v63, v57;
	v0 =	vmul.f32 v0, v62  }
0x9d: {  	v55 =	vld [tilespmem:s9+$0x180];
	v13 =	vsub.f32 v41, v25;
	v1 =	vmul.f32 v1, v12;
	v8 =	vmul.f32 v8, v61  }
0x9e: {  	s12 =	sor.u32 s22, s12;
	s15 =	simm.s32 $0x100;
	s13 =	sor.u32 $0x300, s18;
	v34 =	vld [tilespmem:s17+$0x0];
	v61 =	vsub.f32 v2, v24;
	v62 =	vsub.f32 v6, v23;
	v3 =	vmul.f32 v59, v3  }
0x9f: {  	s14 =	sor.u32 s22, s11;
	s18 =	simm.s32 $0x20;
	v54 =	vld [tilespmem:s12+$0x0];
	s17 =	sand.u32 $0x3C00, s15;
	v12 =	vsub.f32 v5, v27;
	v14 =	vsub.f32 v52, v26;
	v41 =	vmul.f32 v13, v41  }
0xa0: {  	s16 =	sor.u32 s22, s10;
	s4 =	sand.u32 $0x60, s18;
	s6 =	sadd.s32 $0x5800, s17;
	v59 =	vld [tilespmem:s14+$0x0];
	v1 =	vadd.f32 v1, v9;
	v2 =	vmul.f32 v61, v2;
	v8 =	vadd.f32 v8, v38  }
0xa1: {  	v13 =	vld [tilespmem:s16+$0x0];
	s18 =	sor.u32 s4, s6;
	v6 =	vmul.f32 v62, v6;
	v61 =	vsub.f32 v46, v28;
	v62 =	vsub.f32 v49, v19  }
0xa2: {  	v40 =	vmul.f32 v45, v40;
	v56 =	vld [tilespmem:s18+$0x180];
	v37 =	vadd.f32 v37, v41;
	v0 =	vadd.f32 v0, v7  }
0xa3: {  	v9 =	vld [tilespmem:s9+$0x0];
	v5 =	vmul.f32 v12, v5;
	v3 =	vadd.f32 v3, v42;
	v11 =	vsub.f32 v55, v20  }
0xa4: {  	s19 =	simm.s32 $0x1;
	v38 =	vld [tilespmem:s9+$0x200];
	v48 =	vmul.f32 v14, v52;
	v7 =	vsub.f32 v54, v29;
	v14 =	vsub.f32 v34, v17  }
0xa5: {  	s0 =	sor.u32 s22, s0;
	s1 =	sand.u32 $0x3, s19;
	v4 =	vmul.f32 v53, v4;
	v12 =	vld [tilespmem:s13+$0x5800];
	v2 =	vadd.f32 v2, v6;
	v6 =	vsub.f32 v50, v25  }
0xa6: {  	s1 =	sshll.u32 s1, $0x5;
	s10 =	sadd.s32 $0x8700, s17;
	v52 =	vld [tilespmem:s0+$0x0];
	v46 =	vmul.f32 v61, v46;
	v45 =	vmul.f32 v62, v49;
	v5 =	vadd.f32 v40, v5  }
0xa7: {  	s11 =	sor.u32 $0x10, s4;
	s28 =	sor.u32 s4, s10;
	v51 =	vld [tilespmem:s18+$0x200];
	s0 =	sadd.s32 $0x8780, s17;
	v62 =	vsub.f32 v43, v18;
	v0 =	vadd.f32 v0, v3;
	v3 =	vmul.f32 v11, v55  }
0xa8: {  	v44 =	vmul.f32 v10, v44;
	s23 =	sadd.s32 $0x8500, s17;
	s5 =	sadd.s32 $0x8480, s17;
	v58 =	vld [tilespmem:s28+$0x0];
	s21 =	sor.u32 s4, s0;
	v1 =	vadd.f32 v2, v1;
	v4 =	vadd.f32 v46, v4  }
0xa9: {  	s26 =	sor.u32 s4, s23;
	s7 =	sor.u32 s11, s23;
	s23 =	sor.u32 s11, s5;
	v49 =	vld [tilespmem:s21+$0x0];
	v6 =	vmul.f32 v6, v50;
	v5 =	vadd.f32 v5, v37;
	v3 =	vadd.f32 v3, v45  }
0xaa: {  	s1 =	sadd.s32 $0x100, s1;
	v11 =	vld [tilespmem:s23+$0x0];
	v50 =	vmul.f32 v14, v34;
	v60 =	vsub.f32 v9, v17;
	v63 =	vsub.f32 v38, v21  }
0xab: {  	s22 =	sor.u32 $0x300, s1;
	s16 =	sadd.s32 $0x8400, s17;
	v7 =	vmul.f32 v7, v54;
	v2 =	vld [tilespmem:s9+$0x280];
	v61 =	vsub.f32 v12, v23;
	v14 =	vsub.f32 v52, v32  }
0xac: {  	s21 =	sor.u32 s4, s16;
	v54 =	vld [tilespmem:s22+$0x5800];
	v34 =	vadd.s32 $0x10, v47;
	v6 =	vadd.f32 v48, v6;
	v50 =	vadd.f32 v44, v50  }
0xad: {  	v10 =	vld [tilespmem:s21+$0x0];
	v40 =	vmul.f32 v62, v43;
	v0 =	vadd.f32 v0, v5;
	v5 =	vsub.f32 v56, v20  }
0xae: {  	s2 =	sadd.s32 $0x10, s1;
	v48 =	vld [tilespmem:s18+$0x280];
	v9 =	vmul.f32 v60, v9;
	v60 =	vmul.f32 v63, v38;
	v63 =	vsub.f32 v13, v30  }
0xaf: {  	s25 =	sor.u32 $0x380, s2;
	s15 =	sadd.s32 $0x8580, s17;
	v43 =	vld [tilespmem:s7+$0x0];
	v37 =	vmul.f32 v61, v12;
	v12 =	vsub.f32 v59, v31;
	v8 =	vadd.f32 v8, v50  }
0xb0: {  	s19 =	sor.u32 s4, s15;
	v38 =	vld [tilespmem:s25+$0x5800];
	v5 =	vmul.f32 v5, v56;
	v4 =	vadd.f32 v4, v6;
	v57 =	vsub.f32 v2, v22  }
0xb1: {  	v46 =	vld [tilespmem:s19+$0x0];
	s25 =	sor.u32 s11, s6;
	v41 =	vmul.f32 v63, v13;
	v13 =	vsub.f32 v49, v32;
	v9 =	vadd.f32 v40, v9  }
0xb2: {  	v45 =	vld [tilespmem:s25+$0x80];
	v53 =	vmul.f32 v12, v59;
	v62 =	vadd.f32 v35, v37;
	v1 =	vadd.f32 v1, v8  }
0xb3: {  	s1 =	sor.u32 $0x380, s1;
	s12 =	sadd.s32 $0x8680, s17;
	s22 =	sadd.s32 $0x8600, s17;
	v59 =	vld [tilespmem:s18+$0x100];
	v2 =	vmul.f32 v57, v2;
	v7 =	vadd.f32 v41, v7;
	v55 =	vsub.f32 v48, v22  }
0xb4: {  	s29 =	sor.u32 s4, s12;
	s14 =	sor.u32 s4, s5;
	s4 =	sor.u32 s4, s22;
	v40 =	vld [tilespmem:s1+$0x5800];
	v44 =	vmul.f32 v13, v49;
	v13 =	vmul.f32 v14, v52;
	v14 =	vsub.f32 v58, v31  }
0xb5: {  	v37 =	vadd.s32 $0x20, v33;
	v8 =	vld [tilespmem:s4+$0x0];
	v3 =	vadd.f32 v3, v9;
	v12 =	vsub.f32 v38, v24  }
0xb6: {  	s1 =	sor.u32 s11, s16;
	v41 =	vld [tilespmem:s29+$0x0];
	v0 =	vadd.f32 v0, v1;
	v2 =	vadd.f32 v2, v60;
	v61 =	vmul.f32 v55, v48  }
0xb7: {  	v49 =	vld [tilespmem:s1+$0x0];
	v55 =	vsub.f32 v51, v21;
	v50 =	vadd.f32 v13, v53;
	v52 =	vmul.f32 v14, v58  }
0xb8: {  	v60 =	vld [tilespmem:s14+$0x0];
	v53 =	vsub.f32 v43, v27;
	v35 =	vmul.f32 v12, v38;
	v14 =	vsub.f32 v59, v19  }
0xb9: {  	v57 =	vld [tilespmem:s26+$0x0];
	v1 =	vsub.f32 v40, v24;
	vm0 =	vlt.f32 v0, v36;
	v7 =	vadd.f32 v50, v7  }
0xba: {  	v48 =	vld [tilespmem:s18+$0x0];
	v63 =	vmul.f32 v55, v51;
	v2 =	vadd.f32 v62, v2;
	v6 =	vsub.f32 v8, v29  }
0xbb: {  	s7 =	sor.u32 s11, s15;
	v38 =	vld [tilespmem:s18+$0x80];
	v47 =	vsel vm0, v47, v39;
	v36 =	vsel vm0, v0, v36;
	v13 =	vsub.f32 v41, v30  }
0xbc: {  	v55 =	vld [tilespmem:s7+$0x0];
	v56 =	vmul.f32 v14, v59;
	v59 =	vsub.f32 v54, v23;
	v14 =	vsub.f32 v49, v25  }
0xbd: {  	s2 =	sor.u32 $0x300, s2;
	v62 =	vld [tilespmem:s25+$0x200];
	v1 =	vmul.f32 v1, v40;
	v2 =	vadd.f32 v2, v3;
	v12 =	vsub.f32 v60, v26  }
0xbe: {  	v0 =	vld [tilespmem:s2+$0x5800];
	v50 =	vmul.f32 v6, v8;
	v4 =	vadd.f32 v7, v4;
	v7 =	vsub.f32 v11, v26  }
0xbf: {  	v42 =	vmul.f32 v13, v41;
	v13 =	vsub.f32 v57, v27;
	v58 =	vmul.f32 v12, v60;
	v60 =	vld [tilespmem:s25+$0x0]  }
0xc0: {  	v3 =	vmul.f32 v59, v54;
	v40 =	vadd.f32 v5, v56;
	v12 =	vadd.f32 v61, v63;
	v61 =	vld [tilespmem:s25+$0x100]  }
0xc1: {  	s26 =	sor.u32 s11, s22;
	v5 =	vsub.f32 v10, v25;
	v41 =	vld [tilespmem:s25+$0x180];
	v54 =	vmul.f32 v14, v49;
	v8 =	vadd.f32 v4, v2  }
0xc2: {  	s28 =	sor.u32 s11, s10;
	v56 =	vld [tilespmem:s26+$0x0];
	v3 =	vadd.f32 v1, v3;
	v59 =	vmul.f32 v13, v57;
	v1 =	vsub.f32 v46, v28  }
0xc3: {  	v49 =	vld [tilespmem:s28+$0x0];
	v51 =	vsub.f32 v55, v28;
	v6 =	vmul.f32 v5, v10;
	v2 =	vsub.f32 v62, v21  }
0xc4: {  	s6 =	sor.u32 s11, s0;
	s29 =	sor.u32 s11, s12;
	v63 =	vld [tilespmem:s25+$0x280];
	v5 =	vmul.f32 v7, v11;
	vm0 =	vlt.f32 v8, v36;
	v39 =	vadd.f32 v3, v12  }
0xc5: {  	s0 =	simm.s32 $0x2;
	s2 =	simm.s32 $0x200;
	v57 =	vld [tilespmem:s29+$0x0];
	s25 =	simm.s32 $0x40;
	v36 =	vsel vm0, v8, v36;
	v4 =	vsub.f32 v60, v17;
	v3 =	vsub.f32 v61, v19  }
.LBB2_5:
0xc6: {  	s1 =	sand.u32 $0x3, s0;
	s4 =	sand.u32 $0x60, s25;
	s8 =	sand.u32 $0x3C00, s2;
	v6 =	vadd.f32 v58, v6;
	v7 =	vmul.f32 v53, v43;
	v8 =	vmul.f32 v51, v55;
	v9 =	vld [tilespmem:s6+$0x0];
	v51 =	vmovc v37  }
0xc7: {  	v10 =	vadd.f32 v44, v52;
	v4 =	vmul.f32 v4, v60;
	v11 =	vsub.f32 v56, v29;
	s1 =	sshll.u32 s1, $0x5;
	s10 =	sadd.s32 $0x5800, s8;
	s6 =	sadd.s32 $0x8780, s8  }
0xc8: {  	v43 =	vsub.f32 v48, v17;
	v47 =	vsel vm0, v34, v47;
	v54 =	vadd.f32 v5, v54;
	s9 =	sadd.s32 s1, s2;
	s17 =	sor.u32 s4, s10;
	s7 =	sor.u32 s4, s6  }
0xc9: {  	v1 =	vmul.f32 v1, v46;
	v3 =	vmul.f32 v3, v61;
	s16 =	sadd.s32 $0x8700, s8;
	v34 =	vsub.f32 v63, v22;
	v5 =	vld [tilespmem:s17+$0x180];
	s11 =	sor.u32 $0x300, s9;
	s1 =	sor.u32 $0x380, s9  }
0xca: {  	s13 =	sadd.s32 $0x8400, s8;
	s14 =	sadd.s32 $0x8480, s8;
	s12 =	sor.u32 $0x10, s4;
	v2 =	vmul.f32 v2, v62;
	v46 =	vmul.f32 v43, v48;
	v44 =	vld [tilespmem:s7+$0x0];
	v43 =	vsub.f32 v0, v23  }
0xcb: {  	v52 =	vsub.f32 v45, v18;
	s15 =	sadd.s32 $0x8680, s8;
	s21 =	sor.u32 s4, s13;
	v1 =	vadd.f32 v1, v59;
	v34 =	vmul.f32 v34, v63;
	s7 =	sor.u32 s4, s14;
	v48 =	vld [tilespmem:s17+$0x200]  }
0xcc: {  	s19 =	sadd.s32 $0x8580, s8;
	s18 =	sadd.s32 $0x8600, s8;
	v11 =	vmul.f32 v11, v56;
	v7 =	vadd.f32 v8, v7;
	s9 =	sadd.s32 $0x10, s9;
	v55 =	vsub.f32 v57, v30;
	v53 =	vld [tilespmem:s17+$0x280]  }
0xcd: {  	s8 =	sadd.s32 $0x8500, s8;
	s5 =	sor.u32 s4, s19;
	v1 =	vadd.f32 v1, v6;
	v2 =	vadd.f32 v34, v2;
	v0 =	vmul.f32 v43, v0;
	v8 =	vld [tilespmem:s11+$0x5800];
	s11 =	sor.u32 $0x380, s9  }
0xce: {  	v42 =	vadd.f32 v42, v50;
	s22 =	sor.u32 s4, s8;
	s28 =	sor.u32 s4, s15;
	s29 =	sor.u32 s12, s8;
	v50 =	vmul.f32 v55, v57;
	v43 =	vsub.f32 v38, v18;
	v6 =	vld [tilespmem:s11+$0x5800]  }
0xcf: {  	s23 =	sor.u32 s4, s18;
	s18 =	sor.u32 s12, s18;
	s4 =	sor.u32 s4, s16;
	v34 =	vadd.s32 $0x10, v33;
	v55 =	vsub.f32 v41, v20;
	v57 =	vsub.f32 v49, v31;
	v56 =	vld [tilespmem:s22+$0x0]  }
0xd0: {  	s26 =	sor.u32 s12, s13;
	s8 =	sor.u32 s12, s19;
	v45 =	vmul.f32 v52, v45;
	v11 =	vadd.f32 v50, v11;
	s11 =	sor.u32 $0x300, s9;
	v38 =	vmul.f32 v43, v38;
	v58 =	vld [tilespmem:s4+$0x0]  }
0xd1: {  	s19 =	sor.u32 s12, s15;
	v49 =	vmul.f32 v57, v49;
	v57 =	vsub.f32 v9, v32;
	v52 =	vsub.f32 v44, v32;
	s22 =	sor.u32 s12, s14;
	s4 =	sor.u32 s12, s16;
	v50 =	vld [tilespmem:s28+$0x0]  }
0xd2: {  	p1 =	sne.s32 s25, $0x560;
	s25 =	sadd.s32 $0x20, s25;
	s6 =	sor.u32 s12, s6;
	v10 =	vadd.f32 v10, v42;
	v41 =	vmul.f32 v55, v41;
	v38 =	vadd.f32 v38, v46;
	v43 =	vld [tilespmem:s29+$0x0]  }
0xd3: {  	v4 =	vadd.f32 v45, v4;
	v42 =	vsub.f32 v53, v22;
	v44 =	vmul.f32 v52, v44;
	v59 =	vld [tilespmem:s7+$0x0]  }
0xd4: {  	v9 =	vmul.f32 v57, v9;
	v40 =	vadd.f32 v40, v38;
	v52 =	vsub.f32 v6, v24;
	v45 =	vld [tilespmem:s1+$0x5800]  }
0xd5: {  	v0 =	vadd.f32 v35, v0;
	v60 =	vmul.f32 v42, v53;
	v57 =	vld [tilespmem:s17+$0x100];
	v42 =	vsub.f32 v58, v31  }
0xd6: {  	v1 =	vadd.f32 v10, v1;
	v53 =	vsub.f32 v48, v21;
	v35 =	vmul.f32 v52, v6;
	v46 =	vld [tilespmem:s5+$0x0]  }
0xd7: {  	v37 =	vadd.s32 $0x20, v37;
	v3 =	vadd.f32 v41, v3;
	v6 =	vsub.f32 v5, v20;
	v10 =	vld [tilespmem:s21+$0x0]  }
0xd8: {  	v9 =	vadd.f32 v9, v49;
	v41 =	vmul.f32 v53, v48;
	v38 =	vld [tilespmem:s17+$0x80];
	v61 =	vsub.f32 v59, v26  }
0xd9: {  	v39 =	vadd.f32 v39, v40;
	v5 =	vmul.f32 v6, v5;
	v6 =	vsub.f32 v50, v30;
	v48 =	vld [tilespmem:s17+$0x0]  }
0xda: {  	v9 =	vadd.f32 v9, v11;
	v52 =	vmul.f32 v42, v58;
	v53 =	vsub.f32 v43, v27;
	v49 =	vld [tilespmem:s23+$0x0]  }
0xdb: {  	v42 =	vmul.f32 v6, v50;
	v6 =	vadd.f32 v1, v39;
	v11 =	vsub.f32 v57, v19;
	v55 =	vld [tilespmem:s8+$0x0]  }
0xdc: {  	v0 =	vadd.f32 v0, v2;
	v1 =	vsub.f32 v45, v24;
	v58 =	vmul.f32 v61, v59;
	v12 =	vld [tilespmem:s26+$0x0]  }
0xdd: {  	v3 =	vadd.f32 v3, v4;
	s1 =	sor.u32 s12, s10;
	v2 =	vmul.f32 v11, v57;
	v11 =	vsub.f32 v8, v23;
	v13 =	vld [tilespmem:s22+$0x0]  }
0xde: {  	v7 =	vadd.f32 v7, v54;
	v4 =	vadd.f32 v60, v41;
	vm0 =	vlt.f32 v6, v36;
	v60 =	vld [tilespmem:s1+$0x0]  }
0xdf: {  	v0 =	vadd.f32 v0, v3;
	v1 =	vmul.f32 v1, v45;
	v39 =	vsub.f32 v49, v29;
	v45 =	vld [tilespmem:s1+$0x80]  }
0xe0: {  	v3 =	vmul.f32 v11, v8;
	v8 =	vsub.f32 v56, v27;
	v40 =	vadd.f32 v5, v2;
	v61 =	vld [tilespmem:s1+$0x100]  }
0xe1: {  	v47 =	vsel vm0, v33, v47;
	v33 =	vmovc v51;
	v2 =	vsub.f32 v10, v25;
	v41 =	vld [tilespmem:s1+$0x180];
	v5 =	vsub.f32 v12, v25  }
0xe2: {  	v7 =	vadd.f32 v9, v7;
	v3 =	vadd.f32 v1, v3;
	v50 =	vmul.f32 v39, v49;
	v62 =	vld [tilespmem:s1+$0x200]  }
.Ltmp3:
0xe3: {  	v59 =	vmul.f32 v8, v56;
	v1 =	vsub.f32 v46, v28;
	v8 =	vsub.f32 v13, v26;
	v56 =	vld [tilespmem:s18+$0x0];
	(pc) =	sbr.rel @p1 .LBB2_5-.Ltmp3, $4  }
0xe4: {  	v7 =	vadd.f32 v7, v0;
	v39 =	vadd.f32 v3, v4;
	v54 =	vmul.f32 v5, v12;
	v63 =	vld [tilespmem:s1+$0x280]  }
0xe5: {  	v9 =	vsel vm0, v6, v36;
	v51 =	vsub.f32 v55, v28;
	v4 =	vsub.f32 v60, v17;
	v49 =	vld [tilespmem:s4+$0x0]  }
0xe6: {  	vm0 =	vlt.f32 v7, v9;
	v6 =	vmul.f32 v2, v10;
	v3 =	vsub.f32 v61, v19;
	v57 =	vld [tilespmem:s19+$0x0]  }
0xe7: {  	s0 =	sadd.s32 $0x1, s0;
	s2 =	sadd.s32 $0x100, s2;
	v36 =	vsel vm0, v7, v9;
	v5 =	vmul.f32 v8, v13;
	v2 =	vsub.f32 v62, v21;
	v0 =	vld [tilespmem:s11+$0x5800]  }
0xe8: {  	s0 =	rddreg [dreg:$0xd]  }
0xe9: {  	s0 =	sadd.s32 @!p0 s24, s0  }
0xea: {  	v6 =	vadd.f32 v58, v6;
	v7 =	vmul.f32 v53, v43;
	p1 =	slt.s32 @!p0 s0, $0xF3C80  }
0xeb: {  	v8 =	vmul.f32 v51, v55;
	v9 =	vadd.f32 v44, v52;
	v10 =	vsub.f32 v56, v29;
	p1 =	por !p1, p0  }
0xec: {  	v4 =	vmul.f32 v4, v60;
	v11 =	vsub.f32 v48, v17;
	s1 =	simm.s32 @!p0 $0x2C00;
	s2 =	simm.s32 @!p0 $0x7A1400;
	v53 =	vsub.f32 v45, v18;
	s0 =	simm.s32 @p1 $0xF3C80  }
0xed: {  	v1 =	vmul.f32 v1, v46;
	s4 =	simm.s32 @!p0 $0x5800;
	s15 =	simm.s32 $0x0;
	v55 =	vadd.f32 v42, v50;
	v58 =	vsub.f32 v41, v20;
	s0 =	sadd.s32 @!p0 s3, s0  }
0xee: {  	v3 =	vmul.f32 v3, v61;
	v12 =	vld [tilespmem:s6+$0x0];
	v5 =	vadd.f32 v5, v54;
	v13 =	vsub.f32 v63, v22;
	[tilespmem:s4], [sflag:$0x2] =	stream.strided.gather @!p0 [hbm4b:s0+s1], $0x5800, s2, s1, $0x38  }
0xef: {  	v2 =	vmul.f32 v2, v62;
	s12 =	sand.u32 $0x3C00, s15;
	v11 =	vmul.f32 v11, v48;
	v1 =	vadd.f32 v1, v59;
	_ =	swait.ge [sflag:s30], $0x5800  }
0xf0: {  	s17 =	sand.u32 $0x60, s15;
	v7 =	vadd.f32 v8, v7;
	v8 =	vmul.f32 v10, v56;
	v9 =	vadd.f32 v9, v55;
	s2 =	sadd.s32 $0xB000, s12;
	[sflag:s30] =	ssyncset.done $0x0  }
0xf1: {  	v59 =	vmul.f32 v53, v45;
	v54 =	vsub.f32 v57, v30;
	v37 =	vsub.f32 v0, v23;
	s0 =	sadd.s32 $0xDF80, s12;
	s16 =	sor.u32 s17, s2;
	[sflag:s30] =	ssyncadd.s32 $0xFFFFA800  }
0xf2: {  	v13 =	vmul.f32 v13, v63;
	v1 =	vadd.f32 v1, v6;
	v6 =	vsub.f32 v38, v18;
	s4 =	sand.u32 $0x3, s15;
	s5 =	sor.u32 s17, s0;
	v61 =	vld [tilespmem:s16+$0x180]  }
0xf3: {  	v56 =	vmul.f32 v54, v57;
	v57 =	vsub.f32 v49, v31;
	v60 =	vsub.f32 v12, v32;
	s4 =	sshll.u32 s4, $0x5;
	v63 =	vld [tilespmem:s5+$0x0]  }
0xf4: {  	v4 =	vadd.f32 v59, v4;
	v0 =	vmul.f32 v37, v0;
	v6 =	vmul.f32 v6, v38;
	s18 =	sadd.s32 $0x0, s4;
	v48 =	vld [tilespmem:s16+$0x200]  }
0xf5: {  	v2 =	vadd.f32 v13, v2;
	v62 =	vmul.f32 v57, v49;
	v46 =	vmul.f32 v60, v12;
	s4 =	sor.u32 $0x300, s18;
	v50 =	vld [tilespmem:s16+$0x280]  }
0xf6: {  	s26 =	sadd.s32 $0xDD80, s12;
	v8 =	vadd.f32 v56, v8;
	v49 =	vmul.f32 v58, v41;
	v6 =	vadd.f32 v6, v11;
	v52 =	vld [tilespmem:s4+$0xB000]  }
0xf7: {  	s29 =	sadd.s32 $0xDC00, s12;
	s13 =	sor.u32 s17, s26;
	v0 =	vadd.f32 v35, v0;
	v51 =	vadd.f32 v46, v62;
	v55 =	vld [tilespmem:s16+$0x100]  }
0xf8: {  	s11 =	sadd.s32 $0xDF00, s12;
	s14 =	sor.u32 s17, s29;
	v3 =	vadd.f32 v49, v3;
	v6 =	vadd.f32 v40, v6;
	v37 =	vld [tilespmem:s13+$0x0]  }
0xf9: {  	s23 =	sadd.s32 $0xDC80, s12;
	s8 =	sor.u32 s17, s11;
	v0 =	vadd.f32 v0, v2;
	v38 =	vld [tilespmem:s14+$0x0];
	v8 =	vadd.f32 v51, v8  }
0xfa: {  	s7 =	sadd.s32 $0xDD00, s12;
	s25 =	sor.u32 s17, s23;
	s13 =	sadd.s32 $0xDE00, s12;
	v3 =	vadd.f32 v3, v4;
	v4 =	vadd.f32 v7, v5;
	v5 =	vld [tilespmem:s8+$0x0]  }
0xfb: {  	s22 =	sadd.s32 $0xDE80, s12;
	s6 =	sor.u32 $0x10, s17;
	v1 =	vadd.f32 v9, v1;
	v7 =	vld [tilespmem:s25+$0x0];
	s12 =	sor.u32 s17, s13;
	v6 =	vadd.f32 v39, v6  }
0xfc: {  	s2 =	sor.u32 s6, s2;
	v59 =	vld [tilespmem:s12+$0x0];
	v0 =	vadd.f32 v0, v3;
	v3 =	vadd.f32 v8, v4  }
0xfd: {  	s21 =	sor.u32 s17, s7;
	v56 =	vadd.s32 $0x10, v33;
	v44 =	vld [tilespmem:s2+$0x100];
	v1 =	vadd.f32 v1, v6  }
0xfe: {  	s7 =	sor.u32 s6, s7;
	v2 =	vld [tilespmem:s21+$0x0];
	v8 =	vsel vm0, v34, v47;
	v0 =	vadd.f32 v3, v0;
	v57 =	vsub.f32 v48, v21  }
0xff: {  	s28 =	rddreg [dreg:$0x7];
	s10 =	sadd.s32 $0x10, s18;
	s5 =	sor.u32 $0x380, s18;
	v4 =	vld [tilespmem:s7+$0x0];
	v62 =	vsub.f32 v55, v19;
	v41 =	vsub.f32 v37, v28;
	vm1 =	vlt.f32 v1, v36  }
0x100: {  	s19 =	sor.u32 $0x380, s10;
	v3 =	vld [tilespmem:s5+$0xB000];
	s5 =	sadd.s32 s24, s28;
	v58 =	vsub.f32 v5, v31;
	v60 =	vsub.f32 v7, v26;
	v1 =	vsel vm1, v1, v36  }
0x101: {  	v54 =	vld [tilespmem:s19+$0xB000];
	p1 =	slt.s32 s5, $0xF3C80;
	v8 =	vsel vm1, v33, v8;
	v9 =	vmul.f32 v62, v55;
	v55 =	vsub.f32 v59, v29  }
0x102: {  	v40 =	vld [tilespmem:s16+$0x80];
	s5 =	simm.s32 @!p1 $0xF3C80;
	v11 =	vmul.f32 v57, v48;
	v57 =	vsub.f32 v38, v25;
	v62 =	vsub.f32 v44, v19  }
0x103: {  	v12 =	vld [tilespmem:s2+$0x80];
	v37 =	vmul.f32 v41, v37;
	vm0 =	vlt.f32 v0, v1;
	v47 =	vor.u32 s5, v16  }
0x104: {  	s9 =	sor.u32 s17, s22;
	v34 =	vld [tilespmem:s16+$0x0];
	v5 =	vmul.f32 v58, v5;
	v49 =	vsub.f32 v4, v27;
	v7 =	vmul.f32 v60, v7  }
0x105: {  	s16 =	sor.u32 s6, s23;
	v6 =	vld [tilespmem:s9+$0x0];
	v36 =	vsel vm0, v0, v1;
	v0 =	vsub.f32 v63, v32;
	v1 =	vsub.f32 v50, v22  }
0x106: {  	s14 =	sor.u32 s6, s26;
	v48 =	vld [tilespmem:s16+$0x0];
	v39 =	vsel vm0, v56, v8;
	v8 =	vsub.f32 v54, v24;
	v33 =	vadd.s32 $0x20, v47  }
0x107: {  	s4 =	sor.u32 s6, s22;
	v42 =	vld [tilespmem:s14+$0x0];
	v56 =	vsub.f32 v2, v27;
	v13 =	vmul.f32 v55, v59;
	v38 =	vmul.f32 v57, v38  }
0x108: {  	s18 =	sor.u32 $0x300, s10;
	s21 =	simm.s32 $0x100;
	v57 =	vld [tilespmem:s4+$0x0];
	v53 =	vsub.f32 v3, v24;
	v0 =	vmul.f32 v0, v63;
	v1 =	vmul.f32 v1, v50  }
0x109: {  	s15 =	sor.u32 s6, s29;
	s22 =	simm.s32 $0x20;
	v14 =	vld [tilespmem:s18+$0xB000];
	s23 =	sand.u32 $0x3C00, s21;
	v35 =	vmul.f32 v8, v54;
	v8 =	vsub.f32 v61, v20;
	v54 =	vsub.f32 v52, v23  }
0x10a: {  	s17 =	sor.u32 s6, s13;
	s25 =	sand.u32 $0x60, s22;
	s26 =	sadd.s32 $0xB000, s23;
	v63 =	vld [tilespmem:s15+$0x0];
	v2 =	vmul.f32 v56, v2;
	v7 =	vadd.f32 v7, v38;
	v3 =	vmul.f32 v53, v3  }
0x10b: {  	s18 =	sor.u32 s25, s26;
	v50 =	vld [tilespmem:s17+$0x0];
	v59 =	vsub.f32 v48, v26;
	v8 =	vmul.f32 v8, v61;
	v61 =	vsub.f32 v6, v30  }
0x10c: {  	v46 =	vld [tilespmem:s18+$0x280];
	v1 =	vadd.f32 v1, v11;
	v10 =	vmul.f32 v54, v52;
	v0 =	vadd.f32 v0, v5  }
0x10d: {  	v51 =	vld [tilespmem:s2+$0x180];
	v41 =	vmul.f32 v62, v44;
	v2 =	vadd.f32 v37, v2;
	v62 =	vsub.f32 v57, v30  }
0x10e: {  	s0 =	sor.u32 s6, s0;
	v11 =	vld [tilespmem:s2+$0x0];
	v43 =	vmul.f32 v59, v48;
	v8 =	vadd.f32 v8, v9;
	v3 =	vadd.f32 v3, v10  }
0x10f: {  	v48 =	vld [tilespmem:s0+$0x0];
	v6 =	vmul.f32 v61, v6;
	v61 =	vsub.f32 v42, v28;
	v2 =	vadd.f32 v2, v7  }
0x110: {  	s19 =	sor.u32 s6, s11;
	v4 =	vmul.f32 v49, v4;
	v9 =	vld [tilespmem:s2+$0x200];
	v58 =	vsub.f32 v63, v25;
	v5 =	vsub.f32 v50, v29  }
0x111: {  	v55 =	vld [tilespmem:s19+$0x0];
	v57 =	vmul.f32 v62, v57;
	v62 =	vsub.f32 v46, v22;
	v1 =	vadd.f32 v3, v1  }
0x112: {  	v49 =	vld [tilespmem:s18+$0x200];
	v42 =	vmul.f32 v61, v42;
	v61 =	vsub.f32 v12, v18;
	v6 =	vadd.f32 v6, v13  }
0x113: {  	s7 =	simm.s32 $0x1;
	v52 =	vld [tilespmem:s18+$0x180];
	s0 =	sadd.s32 $0xDF80, s23;
	v60 =	vsub.f32 v11, v17;
	v10 =	vmul.f32 v58, v63;
	v58 =	vsub.f32 v34, v17  }
0x114: {  	s1 =	sand.u32 $0x3, s7;
	s12 =	sadd.s32 $0xDF00, s23;
	s8 =	sor.u32 s25, s0;
	v3 =	vld [tilespmem:s2+$0x280];
	v4 =	vadd.f32 v42, v4;
	v12 =	vmul.f32 v61, v12;
	v61 =	vsub.f32 v48, v32  }
0x115: {  	s1 =	sshll.u32 s1, $0x5;
	v44 =	vld [tilespmem:s8+$0x0];
	s8 =	sor.u32 s25, s12;
	v5 =	vmul.f32 v5, v50;
	v0 =	vadd.f32 v0, v6;
	v63 =	vsub.f32 v9, v21  }
0x116: {  	s1 =	sadd.s32 $0x100, s1;
	v53 =	vld [tilespmem:s8+$0x0];
	v11 =	vmul.f32 v60, v11;
	v10 =	vadd.f32 v43, v10;
	v60 =	vsub.f32 v14, v23  }
0x117: {  	s29 =	sadd.s32 $0xDE80, s23;
	s9 =	sor.u32 $0x300, s1;
	v38 =	vld [tilespmem:s18+$0x80];
	v45 =	vmul.f32 v58, v34;
	v58 =	vsub.f32 v51, v20;
	v5 =	vadd.f32 v57, v5  }
0x118: {  	s10 =	sadd.s32 $0xDD00, s23;
	v50 =	vld [tilespmem:s9+$0xB000];
	s9 =	sor.u32 s25, s29;
	v56 =	vmul.f32 v62, v46;
	v0 =	vadd.f32 v0, v2;
	v2 =	vsub.f32 v52, v20  }
0x119: {  	s28 =	sor.u32 s25, s10;
	s15 =	sadd.s32 $0xDD80, s23;
	v13 =	vld [tilespmem:s9+$0x0];
	v59 =	vsub.f32 v3, v22;
	v9 =	vmul.f32 v63, v9;
	v63 =	vsub.f32 v40, v18  }
0x11a: {  	s19 =	sor.u32 s25, s15;
	v54 =	vld [tilespmem:s28+$0x0];
	v7 =	vmul.f32 v60, v14;
	v60 =	vsub.f32 v44, v32;
	v11 =	vadd.f32 v12, v11  }
0x11b: {  	s2 =	sadd.s32 $0x10, s1;
	s1 =	sor.u32 $0x380, s1;
	v46 =	vld [tilespmem:s19+$0x0];
	v6 =	vmul.f32 v58, v51;
	v58 =	vsub.f32 v53, v31;
	v4 =	vadd.f32 v4, v10  }
0x11c: {  	v12 =	vld [tilespmem:s1+$0xB000];
	v3 =	vmul.f32 v59, v3;
	v59 =	vsub.f32 v55, v31;
	v40 =	vmul.f32 v63, v40  }
0x11d: {  	v37 =	vadd.s32 $0x20, v33;
	v51 =	vld [tilespmem:s18+$0x100];
	v7 =	vadd.f32 v35, v7;
	v6 =	vadd.f32 v6, v41  }
0x11e: {  	s13 =	sadd.s32 $0xDC80, s23;
	s11 =	sor.u32 $0x380, s2;
	v14 =	vmul.f32 v61, v48;
	v48 =	vld [tilespmem:s18+$0x0];
	v62 =	vsub.f32 v13, v30;
	v40 =	vadd.f32 v40, v45  }
0x11f: {  	s14 =	sor.u32 s25, s13;
	v3 =	vadd.f32 v3, v9;
	v9 =	vld [tilespmem:s11+$0xB000];
	s11 =	sor.u32 $0x10, s25;
	v42 =	vmul.f32 v59, v55;
	v59 =	vsub.f32 v49, v21  }
0x120: {  	s16 =	sadd.s32 $0xDC00, s23;
	v44 =	vmul.f32 v60, v44;
	v45 =	vld [tilespmem:s14+$0x0];
	v6 =	vadd.f32 v6, v11;
	s5 =	sor.u32 s11, s10;
	v8 =	vadd.f32 v8, v40  }
0x121: {  	s1 =	sor.u32 s11, s16;
	v43 =	vld [tilespmem:s5+$0x0];
	v60 =	vmul.f32 v59, v49;
	v40 =	vadd.f32 v14, v42;
	v3 =	vadd.f32 v7, v3  }
0x122: {  	s22 =	sadd.s32 $0xDE00, s23;
	s23 =	sor.u32 s11, s13;
	v42 =	vmul.f32 v62, v13;
	v13 =	vld [tilespmem:s1+$0x0];
	v59 =	vsub.f32 v54, v27;
	v1 =	vadd.f32 v1, v8  }
0x123: {  	s4 =	sor.u32 s25, s22;
	v34 =	vadd.s32 $0x10, v47;
	v14 =	vld [tilespmem:s23+$0x0];
	v5 =	vadd.f32 v40, v5;
	v11 =	vadd.f32 v56, v60  }
0x124: {  	s21 =	sor.u32 s25, s16;
	v2 =	vmul.f32 v2, v52;
	s25 =	sor.u32 s11, s26;
	v8 =	vld [tilespmem:s4+$0x0];
	v3 =	vadd.f32 v3, v6;
	v63 =	vsub.f32 v9, v24  }
0x125: {  	v52 =	vmul.f32 v58, v53;
	v60 =	vld [tilespmem:s25+$0x0];
	v61 =	vsub.f32 v45, v26;
	v0 =	vadd.f32 v0, v1  }
0x126: {  	s5 =	sor.u32 s11, s15;
	v62 =	vld [tilespmem:s25+$0x200];
	v59 =	vmul.f32 v59, v54;
	v1 =	vsub.f32 v12, v24;
	v4 =	vadd.f32 v5, v4  }
0x127: {  	v55 =	vld [tilespmem:s5+$0x0];
	v35 =	vmul.f32 v63, v9;
	v53 =	vsub.f32 v43, v27;
	v63 =	vsub.f32 v51, v19  }
0x128: {  	v9 =	vld [tilespmem:s21+$0x0];
	v58 =	vmul.f32 v61, v45;
	v5 =	vsub.f32 v14, v26;
	vm0 =	vlt.f32 v0, v36  }
0x129: {  	v61 =	vld [tilespmem:s25+$0x100];
	v1 =	vmul.f32 v1, v12;
	v7 =	vmul.f32 v63, v51;
	v51 =	vsub.f32 v50, v23  }
0x12a: {  	s28 =	sor.u32 s11, s12;
	v41 =	vld [tilespmem:s25+$0x180];
	v57 =	vsub.f32 v8, v29;
	v47 =	vsel vm0, v47, v39;
	v54 =	vsub.f32 v60, v17  }
0x12b: {  	s26 =	sor.u32 s11, s22;
	v49 =	vld [tilespmem:s28+$0x0];
	v6 =	vmul.f32 v51, v50;
	v40 =	vadd.f32 v2, v7;
	v2 =	vsub.f32 v13, v25  }
0x12c: {  	v56 =	vld [tilespmem:s26+$0x0];
	v50 =	vmul.f32 v57, v8;
	v8 =	vadd.f32 v4, v3;
	v51 =	vsub.f32 v55, v28  }
0x12d: {  	v45 =	vld [tilespmem:s25+$0x80];
	v36 =	vsel vm0, v0, v36;
	v7 =	vsub.f32 v9, v25;
	v6 =	vadd.f32 v1, v6  }
0x12e: {  	s2 =	sor.u32 $0x300, s2;
	v63 =	vld [tilespmem:s25+$0x280];
	v5 =	vmul.f32 v5, v14;
	v3 =	vsub.f32 v62, v21;
	v4 =	vsub.f32 v61, v19  }
0x12f: {  	s29 =	sor.u32 s11, s29;
	s6 =	sor.u32 s11, s0;
	v0 =	vld [tilespmem:s2+$0xB000];
	vm0 =	vlt.f32 v8, v36;
	v39 =	vadd.f32 v6, v11;
	v6 =	vmul.f32 v7, v9  }
0x130: {  	s0 =	simm.s32 $0x2;
	s25 =	simm.s32 $0x40;
	s2 =	simm.s32 $0x200;
	v57 =	vld [tilespmem:s29+$0x0];
	v1 =	vsub.f32 v46, v28;
	v2 =	vmul.f32 v2, v13;
	v36 =	vsel vm0, v8, v36  }
.LBB2_7:
0x131: {  	s1 =	sand.u32 $0x3, s0;
	s4 =	sand.u32 $0x60, s25;
	s5 =	sand.u32 $0x3C00, s2;
	v6 =	vadd.f32 v58, v6;
	v7 =	vmul.f32 v53, v43;
	v8 =	vmul.f32 v51, v55;
	v9 =	vld [tilespmem:s6+$0x0];
	v51 =	vmovc v37  }
0x132: {  	v10 =	vadd.f32 v44, v52;
	v11 =	vmul.f32 v54, v60;
	v12 =	vsub.f32 v56, v29;
	s1 =	sshll.u32 s1, $0x5;
	s10 =	sadd.s32 $0xB000, s5;
	s6 =	sadd.s32 $0xDF80, s5  }
0x133: {  	v13 =	vsub.f32 v48, v17;
	v47 =	vsel vm0, v34, v47;
	v54 =	vadd.f32 v5, v2;
	s8 =	sadd.s32 s1, s2;
	s17 =	sor.u32 s4, s10;
	s7 =	sor.u32 s4, s6  }
0x134: {  	v1 =	vmul.f32 v1, v46;
	v4 =	vmul.f32 v4, v61;
	s16 =	sadd.s32 $0xDF00, s5;
	v5 =	vsub.f32 v63, v22;
	v2 =	vld [tilespmem:s17+$0x180];
	s9 =	sor.u32 $0x300, s8;
	s1 =	sor.u32 $0x380, s8  }
0x135: {  	s13 =	sadd.s32 $0xDC00, s5;
	s14 =	sadd.s32 $0xDC80, s5;
	s12 =	sor.u32 $0x10, s4;
	v3 =	vmul.f32 v3, v62;
	v13 =	vmul.f32 v13, v48;
	v14 =	vld [tilespmem:s7+$0x0];
	v34 =	vsub.f32 v0, v23  }
0x136: {  	v43 =	vsub.f32 v45, v18;
	s15 =	sadd.s32 $0xDE80, s5;
	s21 =	sor.u32 s4, s13;
	v1 =	vadd.f32 v1, v59;
	v5 =	vmul.f32 v5, v63;
	s7 =	sor.u32 s4, s14;
	v48 =	vld [tilespmem:s17+$0x200]  }
0x137: {  	s19 =	sadd.s32 $0xDD80, s5;
	s11 =	sadd.s32 $0xDE00, s5;
	v12 =	vmul.f32 v12, v56;
	v7 =	vadd.f32 v8, v7;
	s8 =	sadd.s32 $0x10, s8;
	v44 =	vsub.f32 v57, v30;
	v46 =	vld [tilespmem:s17+$0x280]  }
0x138: {  	s5 =	sadd.s32 $0xDD00, s5;
	s18 =	sor.u32 $0x380, s8;
	v1 =	vadd.f32 v1, v6;
	v3 =	vadd.f32 v5, v3;
	v0 =	vmul.f32 v34, v0;
	v8 =	vld [tilespmem:s9+$0xB000];
	s9 =	sor.u32 s4, s19  }
0x139: {  	v42 =	vadd.f32 v42, v50;
	s22 =	sor.u32 s4, s5;
	s28 =	sor.u32 s4, s15;
	s5 =	sor.u32 s12, s5;
	v6 =	vsub.f32 v38, v18;
	v44 =	vmul.f32 v44, v57;
	v5 =	vld [tilespmem:s18+$0xB000]  }
0x13a: {  	v50 =	vsub.f32 v41, v20;
	s23 =	sor.u32 s4, s11;
	v52 =	vsub.f32 v49, v31;
	v34 =	vadd.s32 $0x10, v33;
	s4 =	sor.u32 s4, s16;
	s18 =	sor.u32 s12, s11;
	v56 =	vld [tilespmem:s22+$0x0]  }
0x13b: {  	s26 =	sor.u32 s12, s13;
	v6 =	vmul.f32 v6, v38;
	v38 =	vmul.f32 v43, v45;
	v12 =	vadd.f32 v44, v12;
	s11 =	sor.u32 $0x300, s8;
	s8 =	sor.u32 s12, s19;
	v53 =	vld [tilespmem:s4+$0x0]  }
0x13c: {  	v49 =	vmul.f32 v52, v49;
	v52 =	vsub.f32 v9, v32;
	s19 =	sor.u32 s12, s15;
	v44 =	vsub.f32 v14, v32;
	s22 =	sor.u32 s12, s14;
	s4 =	sor.u32 s12, s16;
	v45 =	vld [tilespmem:s28+$0x0]  }
0x13d: {  	p1 =	sne.s32 s25, $0x560;
	s25 =	sadd.s32 $0x20, s25;
	s6 =	sor.u32 s12, s6;
	v10 =	vadd.f32 v10, v42;
	v6 =	vadd.f32 v6, v13;
	v13 =	vmul.f32 v50, v41;
	v43 =	vld [tilespmem:s5+$0x0]  }
0x13e: {  	v11 =	vadd.f32 v38, v11;
	v41 =	vsub.f32 v46, v22;
	v44 =	vmul.f32 v44, v14;
	v50 =	vld [tilespmem:s7+$0x0]  }
0x13f: {  	v9 =	vmul.f32 v52, v9;
	v6 =	vadd.f32 v40, v6;
	v38 =	vsub.f32 v5, v24;
	v14 =	vld [tilespmem:s1+$0xB000]  }
0x140: {  	v0 =	vadd.f32 v35, v0;
	v41 =	vmul.f32 v41, v46;
	v40 =	vld [tilespmem:s17+$0x100];
	v42 =	vsub.f32 v53, v31  }
0x141: {  	v1 =	vadd.f32 v10, v1;
	v52 =	vsub.f32 v48, v21;
	v35 =	vmul.f32 v38, v5;
	v46 =	vld [tilespmem:s9+$0x0]  }
0x142: {  	v37 =	vadd.s32 $0x20, v37;
	v4 =	vadd.f32 v13, v4;
	v5 =	vsub.f32 v2, v20;
	v10 =	vld [tilespmem:s21+$0x0]  }
0x143: {  	v9 =	vadd.f32 v9, v49;
	v13 =	vmul.f32 v52, v48;
	v38 =	vld [tilespmem:s17+$0x80];
	v57 =	vsub.f32 v50, v26  }
0x144: {  	v6 =	vadd.f32 v39, v6;
	v2 =	vmul.f32 v5, v2;
	v5 =	vsub.f32 v45, v30;
	v48 =	vld [tilespmem:s17+$0x0]  }
0x145: {  	v9 =	vadd.f32 v9, v12;
	v52 =	vmul.f32 v42, v53;
	v53 =	vsub.f32 v43, v27;
	v39 =	vld [tilespmem:s23+$0x0]  }
0x146: {  	v42 =	vmul.f32 v5, v45;
	v5 =	vadd.f32 v1, v6;
	v12 =	vsub.f32 v40, v19;
	v55 =	vld [tilespmem:s8+$0x0]  }
0x147: {  	v0 =	vadd.f32 v0, v3;
	v1 =	vsub.f32 v14, v24;
	v58 =	vmul.f32 v57, v50;
	v6 =	vld [tilespmem:s26+$0x0]  }
0x148: {  	v4 =	vadd.f32 v4, v11;
	s1 =	sor.u32 s12, s10;
	v3 =	vmul.f32 v12, v40;
	v12 =	vsub.f32 v8, v23;
	v15 =	vld [tilespmem:s22+$0x0]  }
0x149: {  	v7 =	vadd.f32 v7, v54;
	v11 =	vadd.f32 v41, v13;
	vm0 =	vlt.f32 v5, v36;
	v60 =	vld [tilespmem:s1+$0x0]  }
0x14a: {  	v0 =	vadd.f32 v0, v4;
	v1 =	vmul.f32 v1, v14;
	v13 =	vsub.f32 v39, v29;
	v45 =	vld [tilespmem:s1+$0x80]  }
0x14b: {  	v4 =	vmul.f32 v12, v8;
	v8 =	vsub.f32 v56, v27;
	v40 =	vadd.f32 v2, v3;
	v61 =	vld [tilespmem:s1+$0x100]  }
0x14c: {  	v47 =	vsel vm0, v33, v47;
	v33 =	vmovc v51;
	v3 =	vsub.f32 v10, v25;
	v41 =	vld [tilespmem:s1+$0x180];
	v2 =	vsub.f32 v6, v25  }
0x14d: {  	v7 =	vadd.f32 v9, v7;
	v4 =	vadd.f32 v1, v4;
	v50 =	vmul.f32 v13, v39;
	v62 =	vld [tilespmem:s1+$0x200]  }
.Ltmp4:
0x14e: {  	v59 =	vmul.f32 v8, v56;
	v1 =	vsub.f32 v46, v28;
	v8 =	vsub.f32 v15, v26;
	v56 =	vld [tilespmem:s18+$0x0];
	(pc) =	sbr.rel @p1 .LBB2_7-.Ltmp4, $4  }
0x14f: {  	v7 =	vadd.f32 v7, v0;
	v39 =	vadd.f32 v4, v11;
	v2 =	vmul.f32 v2, v6;
	v63 =	vld [tilespmem:s1+$0x280]  }
0x150: {  	v9 =	vsel vm0, v5, v36;
	v51 =	vsub.f32 v55, v28;
	v54 =	vsub.f32 v60, v17;
	v49 =	vld [tilespmem:s4+$0x0]  }
0x151: {  	vm0 =	vlt.f32 v7, v9;
	v6 =	vmul.f32 v3, v10;
	v4 =	vsub.f32 v61, v19;
	v57 =	vld [tilespmem:s19+$0x0]  }
0x152: {  	s0 =	sadd.s32 $0x1, s0;
	s2 =	sadd.s32 $0x100, s2;
	v36 =	vsel vm0, v7, v9;
	v5 =	vmul.f32 v8, v15;
	v3 =	vsub.f32 v62, v21;
	v0 =	vld [tilespmem:s11+$0xB000]  }
0x153: {  	s0 =	rddreg [dreg:$0xe]  }
0x154: {  	s0 =	sadd.s32 @!p0 s24, s0  }
0x155: {  	v6 =	vadd.f32 v58, v6;
	p1 =	slt.s32 @!p0 s0, $0xF3C80  }
0x156: {  	v7 =	vmul.f32 v53, v43;
	v8 =	vmul.f32 v51, v55;
	v9 =	vadd.f32 v44, v52;
	p1 =	por !p1, p0  }
0x157: {  	v10 =	vmul.f32 v54, v60;
	v11 =	vsub.f32 v56, v29;
	v12 =	vsub.f32 v48, v17;
	s1 =	simm.s32 @!p0 $0x2C00;
	s2 =	simm.s32 @!p0 $0x7A1400;
	s0 =	simm.s32 @p1 $0xF3C80  }
0x158: {  	v1 =	vmul.f32 v1, v46;
	s4 =	simm.s32 @!p0 $0xB000;
	v15 =	vsub.f32 v45, v18;
	s15 =	simm.s32 $0x0;
	v51 =	vadd.f32 v42, v50;
	s0 =	sadd.s32 @!p0 s3, s0  }
0x159: {  	v4 =	vmul.f32 v4, v61;
	v54 =	vsub.f32 v41, v20;
	v2 =	vadd.f32 v5, v2;
	v5 =	vld [tilespmem:s6+$0x0];
	[tilespmem:s4], [sflag:$0x3] =	stream.strided.gather @!p0 [hbm4b:s0+s1], $0x5800, s2, s1, $0x38  }
0x15a: {  	v13 =	vsub.f32 v63, v22;
	v3 =	vmul.f32 v3, v62;
	s12 =	sand.u32 $0x3C00, s15;
	v12 =	vmul.f32 v12, v48;
	_ =	swait.ge [sflag:s31], $0x5800  }
0x15b: {  	s17 =	sand.u32 $0x60, s15;
	v1 =	vadd.f32 v1, v59;
	v7 =	vadd.f32 v8, v7;
	v8 =	vmul.f32 v11, v56;
	s2 =	sadd.s32 $0x10800, s12;
	[sflag:s31] =	ssyncset.done $0x0  }
0x15c: {  	v53 =	vsub.f32 v49, v31;
	v15 =	vmul.f32 v15, v45;
	v14 =	vsub.f32 v0, v23;
	s0 =	sadd.s32 $0x13780, s12;
	s16 =	sor.u32 s17, s2;
	[sflag:s31] =	ssyncadd.s32 $0xFFFFA800  }
0x15d: {  	v9 =	vadd.f32 v9, v51;
	v13 =	vmul.f32 v13, v63;
	v37 =	vsub.f32 v57, v30;
	s4 =	sand.u32 $0x3, s15;
	s5 =	sor.u32 s17, s0;
	v56 =	vld [tilespmem:s16+$0x180]  }
0x15e: {  	v1 =	vadd.f32 v1, v6;
	v6 =	vsub.f32 v38, v18;
	v0 =	vmul.f32 v14, v0;
	s4 =	sshll.u32 s4, $0x5;
	v58 =	vld [tilespmem:s5+$0x0]  }
0x15f: {  	v60 =	vmul.f32 v54, v41;
	v10 =	vadd.f32 v15, v10;
	v3 =	vadd.f32 v13, v3;
	s18 =	sadd.s32 $0x0, s4;
	v59 =	vld [tilespmem:s16+$0x200]  }
0x160: {  	s7 =	sadd.s32 $0x13500, s12;
	v6 =	vmul.f32 v6, v38;
	v55 =	vsub.f32 v5, v32;
	v0 =	vadd.f32 v35, v0;
	s4 =	sor.u32 $0x300, s18;
	v15 =	vld [tilespmem:s16+$0x280]  }
0x161: {  	s11 =	sadd.s32 $0x13700, s12;
	s21 =	sor.u32 s17, s7;
	v4 =	vadd.f32 v60, v4;
	v52 =	vmul.f32 v37, v57;
	v57 =	vmul.f32 v53, v49;
	v61 =	vld [tilespmem:s4+$0x10800]  }
0x162: {  	s8 =	sor.u32 s17, s11;
	v6 =	vadd.f32 v6, v12;
	v5 =	vmul.f32 v55, v5;
	v0 =	vadd.f32 v0, v3;
	v3 =	vld [tilespmem:s21+$0x0]  }
0x163: {  	s6 =	sor.u32 $0x10, s17;
	s29 =	sadd.s32 $0x13400, s12;
	v2 =	vadd.f32 v7, v2;
	v8 =	vadd.f32 v52, v8;
	v7 =	vld [tilespmem:s8+$0x0]  }
0x164: {  	s15 =	sor.u32 s6, s29;
	s10 =	sadd.s32 $0x10, s18;
	v6 =	vadd.f32 v40, v6;
	v5 =	vadd.f32 v5, v57;
	v63 =	vld [tilespmem:s16+$0x100]  }
0x165: {  	v1 =	vadd.f32 v9, v1;
	v4 =	vadd.f32 v4, v10;
	s19 =	sor.u32 $0x380, s10;
	v54 =	vld [tilespmem:s15+$0x0]  }
0x166: {  	s26 =	sadd.s32 $0x13580, s12;
	s7 =	sor.u32 s6, s7;
	v62 =	vld [tilespmem:s19+$0x10800];
	v6 =	vadd.f32 v39, v6;
	v5 =	vadd.f32 v5, v8  }
0x167: {  	s22 =	sadd.s32 $0x13680, s12;
	s13 =	sor.u32 s17, s26;
	v0 =	vadd.f32 v0, v4;
	v4 =	vld [tilespmem:s7+$0x0]  }
0x168: {  	s23 =	sadd.s32 $0x13480, s12;
	s9 =	sor.u32 s17, s22;
	v8 =	vsel vm0, v34, v47;
	v34 =	vld [tilespmem:s13+$0x0];
	v1 =	vadd.f32 v1, v6;
	v2 =	vadd.f32 v5, v2  }
0x169: {  	s25 =	sor.u32 s17, s23;
	v47 =	vadd.s32 $0x10, v33;
	s13 =	sadd.s32 $0x13600, s12;
	v6 =	vld [tilespmem:s9+$0x0];
	v48 =	vsub.f32 v59, v21;
	v49 =	vsub.f32 v7, v31  }
0x16a: {  	s12 =	sor.u32 s17, s13;
	v5 =	vld [tilespmem:s25+$0x0];
	v53 =	vsub.f32 v63, v19;
	vm1 =	vlt.f32 v1, v36;
	v0 =	vadd.f32 v2, v0  }
0x16b: {  	s28 =	rddreg [dreg:$0x8];
	s5 =	sor.u32 $0x380, s18;
	v50 =	vld [tilespmem:s12+$0x0];
	v60 =	vsub.f32 v54, v25;
	v1 =	vsel vm1, v1, v36;
	v8 =	vsel vm1, v33, v8  }
0x16c: {  	v2 =	vld [tilespmem:s5+$0x10800];
	s5 =	sadd.s32 s24, s28;
	v11 =	vmul.f32 v48, v59;
	v7 =	vmul.f32 v49, v7;
	vm0 =	vlt.f32 v0, v1  }
0x16d: {  	s2 =	sor.u32 s6, s2;
	v14 =	vld [tilespmem:s16+$0x80];
	p1 =	slt.s32 s5, $0xF3C80;
	v10 =	vmul.f32 v53, v63;
	v37 =	vsub.f32 v34, v28;
	v38 =	vsel vm0, v0, v1  }
0x16e: {  	s14 =	sor.u32 s17, s29;
	v42 =	vld [tilespmem:s2+$0x100];
	s5 =	simm.s32 @!p1 $0xF3C80;
	v0 =	vsub.f32 v58, v32;
	v1 =	vsub.f32 v15, v22;
	v41 =	vsel vm0, v47, v8  }
0x16f: {  	v36 =	vld [tilespmem:s14+$0x0];
	v46 =	vor.u32 s5, v16;
	v8 =	vsub.f32 v62, v24;
	v51 =	vsub.f32 v5, v26  }
0x170: {  	v12 =	vld [tilespmem:s2+$0x80];
	s14 =	sor.u32 s6, s26;
	v52 =	vsub.f32 v6, v30;
	v47 =	vsub.f32 v4, v27;
	v34 =	vmul.f32 v37, v34  }
0x171: {  	s17 =	sor.u32 s6, s13;
	v39 =	vld [tilespmem:s14+$0x0];
	v57 =	vsub.f32 v50, v29;
	v0 =	vmul.f32 v0, v58;
	v1 =	vmul.f32 v1, v15  }
0x172: {  	v48 =	vld [tilespmem:s17+$0x0];
	v35 =	vmul.f32 v8, v62;
	v8 =	vsub.f32 v56, v20;
	v55 =	vsub.f32 v2, v24  }
0x173: {  	s19 =	sor.u32 s6, s11;
	v49 =	vld [tilespmem:s2+$0x180];
	v6 =	vmul.f32 v52, v6;
	v58 =	vsub.f32 v3, v27;
	v5 =	vmul.f32 v51, v5  }
0x174: {  	v53 =	vld [tilespmem:s19+$0x0];
	v13 =	vmul.f32 v57, v50;
	v4 =	vmul.f32 v47, v4;
	v59 =	vsub.f32 v36, v25  }
0x175: {  	v15 =	vld [tilespmem:s16+$0x0];
	s16 =	sor.u32 s6, s23;
	v8 =	vmul.f32 v8, v56;
	v56 =	vsub.f32 v61, v23;
	v1 =	vadd.f32 v1, v11  }
0x176: {  	s18 =	sor.u32 $0x300, s10;
	s21 =	simm.s32 $0x100;
	v45 =	vld [tilespmem:s16+$0x0];
	v2 =	vmul.f32 v55, v2;
	v63 =	vsub.f32 v39, v28;
	v0 =	vadd.f32 v0, v7  }
0x177: {  	s4 =	sor.u32 s6, s22;
	s22 =	simm.s32 $0x20;
	s23 =	sand.u32 $0x3C00, s21;
	v11 =	vld [tilespmem:s2+$0x0];
	v3 =	vmul.f32 v58, v3;
	v7 =	vsub.f32 v48, v29;
	v6 =	vadd.f32 v6, v13  }
0x178: {  	s25 =	sand.u32 $0x60, s22;
	s26 =	sadd.s32 $0x10800, s23;
	v58 =	vld [tilespmem:s18+$0x10800];
	v36 =	vmul.f32 v59, v36;
	v9 =	vmul.f32 v56, v61;
	v8 =	vadd.f32 v8, v10  }
0x179: {  	s7 =	simm.s32 $0x1;
	s18 =	sor.u32 s25, s26;
	v59 =	vld [tilespmem:s4+$0x0];
	v56 =	vsub.f32 v42, v19;
	v39 =	vmul.f32 v63, v39;
	v3 =	vadd.f32 v34, v3  }
0x17a: {  	s1 =	sand.u32 $0x3, s7;
	v47 =	vld [tilespmem:s18+$0x200];
	v63 =	vsub.f32 v12, v18;
	v7 =	vmul.f32 v7, v48;
	v48 =	vsub.f32 v14, v18  }
0x17b: {  	s1 =	sshll.u32 s1, $0x5;
	v33 =	vadd.s32 $0x20, v46;
	s15 =	sadd.s32 $0x13580, s23;
	v10 =	vld [tilespmem:s2+$0x200];
	v0 =	vadd.f32 v0, v6;
	v5 =	vadd.f32 v5, v36  }
0x17c: {  	s1 =	sadd.s32 $0x100, s1;
	s19 =	sor.u32 s25, s15;
	v51 =	vld [tilespmem:s18+$0x280];
	v2 =	vadd.f32 v2, v9;
	v61 =	vsub.f32 v45, v26;
	v9 =	vmul.f32 v60, v54  }
0x17d: {  	s9 =	sor.u32 $0x300, s1;
	v44 =	vld [tilespmem:s19+$0x0];
	v60 =	vsub.f32 v15, v17;
	v37 =	vmul.f32 v56, v42;
	v4 =	vadd.f32 v39, v4  }
0x17e: {  	s29 =	sadd.s32 $0x13680, s23;
	v54 =	vld [tilespmem:s9+$0x10800];
	v14 =	vmul.f32 v48, v14;
	v12 =	vmul.f32 v63, v12;
	v62 =	vsub.f32 v11, v17  }
0x17f: {  	s9 =	sor.u32 s25, s29;
	v48 =	vld [tilespmem:s18+$0x0];
	v3 =	vadd.f32 v3, v5;
	v1 =	vadd.f32 v2, v1;
	v40 =	vmul.f32 v61, v45  }
0x180: {  	v13 =	vld [tilespmem:s9+$0x0];
	v15 =	vmul.f32 v60, v15;
	v42 =	vsub.f32 v59, v30;
	v57 =	vsub.f32 v10, v21  }
0x181: {  	s0 =	sor.u32 s6, s0;
	v2 =	vld [tilespmem:s2+$0x280];
	v11 =	vmul.f32 v62, v11;
	v62 =	vsub.f32 v58, v23;
	v0 =	vadd.f32 v0, v3  }
0x182: {  	v45 =	vld [tilespmem:s0+$0x0];
	s0 =	sadd.s32 $0x13780, s23;
	v9 =	vadd.f32 v40, v9;
	v60 =	vmul.f32 v42, v59;
	v14 =	vadd.f32 v14, v15  }
0x183: {  	s10 =	sadd.s32 $0x13500, s23;
	s8 =	sor.u32 s25, s0;
	v40 =	vld [tilespmem:s18+$0x180];
	v15 =	vsub.f32 v51, v22;
	v5 =	vmul.f32 v62, v58;
	v62 =	vsub.f32 v53, v31  }
0x184: {  	s12 =	sadd.s32 $0x13700, s23;
	s28 =	sor.u32 s25, s10;
	v34 =	vadd.s32 $0x10, v46;
	v43 =	vld [tilespmem:s8+$0x0];
	v11 =	vadd.f32 v12, v11;
	v7 =	vadd.f32 v60, v7  }
0x185: {  	s8 =	sor.u32 s25, s12;
	v10 =	vmul.f32 v57, v10;
	v57 =	vld [tilespmem:s28+$0x0];
	v8 =	vadd.f32 v8, v14;
	v60 =	vsub.f32 v47, v21  }
0x186: {  	s22 =	sadd.s32 $0x13600, s23;
	v36 =	vadd.s32 $0x20, v33;
	s2 =	sadd.s32 $0x10, s1;
	s1 =	sor.u32 $0x380, s1;
	v52 =	vld [tilespmem:s8+$0x0];
	v4 =	vadd.f32 v4, v9;
	v61 =	vsub.f32 v2, v22  }
0x187: {  	s4 =	sor.u32 s25, s22;
	v12 =	vld [tilespmem:s1+$0x10800];
	v53 =	vmul.f32 v62, v53;
	v55 =	vsub.f32 v45, v32;
	v5 =	vadd.f32 v35, v5  }
0x188: {  	v62 =	vsub.f32 v13, v30;
	v1 =	vadd.f32 v1, v8;
	v8 =	vld [tilespmem:s4+$0x0];
	v2 =	vmul.f32 v61, v2  }
0x189: {  	s13 =	sadd.s32 $0x13480, s23;
	s11 =	sor.u32 $0x380, s2;
	v61 =	vsub.f32 v49, v20;
	v63 =	vsub.f32 v43, v32;
	v58 =	vmul.f32 v55, v45;
	v45 =	vld [tilespmem:s18+$0x100]  }
0x18a: {  	s14 =	sor.u32 s25, s13;
	v15 =	vmul.f32 v15, v51;
	v3 =	vsub.f32 v40, v20;
	v2 =	vadd.f32 v2, v10;
	v10 =	vld [tilespmem:s11+$0x10800];
	s11 =	sor.u32 $0x10, s25  }
0x18b: {  	v59 =	vsub.f32 v52, v31;
	v6 =	vmul.f32 v61, v49;
	v49 =	vld [tilespmem:s14+$0x0];
	v42 =	vmul.f32 v63, v43;
	s5 =	sor.u32 s11, s10  }
0x18c: {  	s16 =	sadd.s32 $0x13400, s23;
	v14 =	vadd.f32 v58, v53;
	v43 =	vmul.f32 v62, v13;
	v13 =	vadd.f32 v0, v1;
	v39 =	vld [tilespmem:s5+$0x0]  }
0x18d: {  	v47 =	vmul.f32 v60, v47;
	v0 =	vsub.f32 v12, v24;
	s1 =	sor.u32 s11, s16;
	v6 =	vadd.f32 v6, v37;
	v37 =	vld [tilespmem:s18+$0x80]  }
0x18e: {  	v3 =	vmul.f32 v3, v40;
	s23 =	sor.u32 s11, s13;
	v7 =	vadd.f32 v14, v7;
	v50 =	vld [tilespmem:s1+$0x0];
	v1 =	vadd.f32 v5, v2  }
0x18f: {  	s21 =	sor.u32 s25, s16;
	s25 =	sor.u32 s11, s26;
	v5 =	vsub.f32 v54, v23;
	v14 =	vld [tilespmem:s23+$0x0];
	v0 =	vmul.f32 v0, v12;
	v12 =	vsub.f32 v8, v29  }
0x190: {  	v51 =	vmul.f32 v59, v52;
	v58 =	vld [tilespmem:s25+$0x0];
	v63 =	vsub.f32 v45, v19;
	v6 =	vadd.f32 v6, v11  }
0x191: {  	vm0 =	vlt.f32 v13, v38;
	v59 =	vld [tilespmem:s25+$0x100];
	v11 =	vadd.f32 v15, v47;
	v56 =	vsub.f32 v10, v24  }
0x192: {  	v62 =	vld [tilespmem:s25+$0x200];
	v52 =	vsel vm0, v46, v41;
	v4 =	vadd.f32 v7, v4;
	v61 =	vsub.f32 v49, v26  }
0x193: {  	s5 =	sor.u32 s11, s15;
	v2 =	vmul.f32 v63, v45;
	v6 =	vadd.f32 v1, v6;
	v35 =	vmul.f32 v56, v10;
	v10 =	vld [tilespmem:s21+$0x0]  }
0x194: {  	s29 =	sor.u32 s11, s29;
	v55 =	vld [tilespmem:s5+$0x0];
	v1 =	vmul.f32 v5, v54;
	v5 =	vsub.f32 v57, v27;
	v53 =	vsub.f32 v39, v27  }
0x195: {  	v60 =	vld [tilespmem:s29+$0x0];
	v38 =	vsel vm0, v13, v38;
	v40 =	vadd.f32 v3, v2;
	v2 =	vsub.f32 v50, v25  }
0x196: {  	v47 =	vld [tilespmem:s25+$0x80];
	v56 =	vmul.f32 v61, v49;
	v7 =	vsub.f32 v14, v26;
	v54 =	vsub.f32 v58, v17  }
0x197: {  	s26 =	sor.u32 s11, s22;
	v45 =	vld [tilespmem:s25+$0x180];
	v49 =	vmul.f32 v12, v8;
	v0 =	vadd.f32 v0, v1;
	v1 =	vsub.f32 v44, v28  }
0x198: {  	s2 =	sor.u32 $0x300, s2;
	v61 =	vmul.f32 v5, v57;
	v57 =	vld [tilespmem:s26+$0x0];
	v8 =	vadd.f32 v4, v6;
	v3 =	vsub.f32 v10, v25  }
0x199: {  	v63 =	vld [tilespmem:s2+$0x10800];
	v5 =	vsub.f32 v55, v28;
	v4 =	vsub.f32 v59, v19;
	v2 =	vmul.f32 v2, v50  }
0x19a: {  	s28 =	sor.u32 s11, s12;
	s6 =	sor.u32 s11, s0;
	v41 =	vadd.f32 v0, v11;
	v0 =	vld [tilespmem:s25+$0x280];
	vm0 =	vlt.f32 v8, v38;
	v46 =	vmul.f32 v3, v10  }
0x19b: {  	s0 =	simm.s32 $0x2;
	s2 =	simm.s32 $0x200;
	v50 =	vld [tilespmem:s28+$0x0];
	v6 =	vmul.f32 v7, v14;
	s25 =	simm.s32 $0x40;
	v38 =	vsel vm0, v8, v38;
	v3 =	vsub.f32 v62, v21  }
.LBB2_9:
0x19c: {  	s1 =	sand.u32 $0x3, s0;
	s4 =	sand.u32 $0x60, s25;
	s5 =	sand.u32 $0x3C00, s2;
	v7 =	vadd.f32 v56, v46;
	v8 =	vmul.f32 v53, v39;
	v5 =	vmul.f32 v5, v55;
	v9 =	vld [tilespmem:s6+$0x0];
	v46 =	vmovc v36  }
0x19d: {  	v10 =	vadd.f32 v42, v51;
	v11 =	vmul.f32 v54, v58;
	v12 =	vsub.f32 v57, v29;
	s1 =	sshll.u32 s1, $0x5;
	s10 =	sadd.s32 $0x10800, s5;
	s6 =	sadd.s32 $0x13780, s5  }
0x19e: {  	v13 =	vsub.f32 v48, v17;
	v52 =	vsel vm0, v34, v52;
	v54 =	vadd.f32 v6, v2;
	s8 =	sadd.s32 s1, s2;
	s17 =	sor.u32 s4, s10;
	s7 =	sor.u32 s4, s6  }
0x19f: {  	v1 =	vmul.f32 v1, v44;
	v4 =	vmul.f32 v4, v59;
	s16 =	sadd.s32 $0x13700, s5;
	v6 =	vsub.f32 v0, v22;
	v2 =	vld [tilespmem:s17+$0x180];
	s9 =	sor.u32 $0x300, s8;
	s1 =	sor.u32 $0x380, s8  }
0x1a0: {  	s13 =	sadd.s32 $0x13400, s5;
	s14 =	sadd.s32 $0x13480, s5;
	s12 =	sor.u32 $0x10, s4;
	v3 =	vmul.f32 v3, v62;
	v13 =	vmul.f32 v13, v48;
	v14 =	vld [tilespmem:s7+$0x0];
	v15 =	vsub.f32 v63, v23  }
0x1a1: {  	v39 =	vsub.f32 v47, v18;
	s15 =	sadd.s32 $0x13680, s5;
	s21 =	sor.u32 s4, s13;
	v1 =	vadd.f32 v1, v61;
	v0 =	vmul.f32 v6, v0;
	s7 =	sor.u32 s4, s14;
	v48 =	vld [tilespmem:s17+$0x200]  }
0x1a2: {  	s19 =	sadd.s32 $0x13580, s5;
	s11 =	sadd.s32 $0x13600, s5;
	v12 =	vmul.f32 v12, v57;
	v5 =	vadd.f32 v5, v8;
	s8 =	sadd.s32 $0x10, s8;
	v34 =	vsub.f32 v60, v30;
	v6 =	vld [tilespmem:s17+$0x280]  }
0x1a3: {  	s5 =	sadd.s32 $0x13500, s5;
	s18 =	sor.u32 $0x380, s8;
	v1 =	vadd.f32 v1, v7;
	v0 =	vadd.f32 v0, v3;
	v7 =	vmul.f32 v15, v63;
	v8 =	vld [tilespmem:s9+$0x10800];
	s9 =	sor.u32 s4, s19  }
0x1a4: {  	v42 =	vadd.f32 v43, v49;
	s22 =	sor.u32 s4, s5;
	s28 =	sor.u32 s4, s15;
	s5 =	sor.u32 s12, s5;
	v43 =	vmul.f32 v34, v60;
	v15 =	vsub.f32 v37, v18;
	v3 =	vld [tilespmem:s18+$0x10800]  }
0x1a5: {  	v44 =	vsub.f32 v45, v20;
	s23 =	sor.u32 s4, s11;
	v49 =	vsub.f32 v50, v31;
	v34 =	vadd.s32 $0x10, v33;
	s4 =	sor.u32 s4, s16;
	s18 =	sor.u32 s12, s11;
	v57 =	vld [tilespmem:s22+$0x0]  }
0x1a6: {  	s26 =	sor.u32 s12, s13;
	v12 =	vadd.f32 v43, v12;
	s11 =	sor.u32 $0x300, s8;
	s8 =	sor.u32 s12, s19;
	v15 =	vmul.f32 v15, v37;
	v37 =	vmul.f32 v39, v47;
	v51 =	vld [tilespmem:s4+$0x0]  }
0x1a7: {  	v49 =	vmul.f32 v49, v50;
	v50 =	vsub.f32 v9, v32;
	s19 =	sor.u32 s12, s15;
	v47 =	vsub.f32 v14, v32;
	s22 =	sor.u32 s12, s14;
	s4 =	sor.u32 s12, s16;
	v43 =	vld [tilespmem:s28+$0x0]  }
0x1a8: {  	p1 =	sne.s32 s25, $0x560;
	s25 =	sadd.s32 $0x20, s25;
	s6 =	sor.u32 s12, s6;
	v10 =	vadd.f32 v10, v42;
	v13 =	vadd.f32 v15, v13;
	v15 =	vmul.f32 v44, v45;
	v39 =	vld [tilespmem:s5+$0x0]  }
0x1a9: {  	v11 =	vadd.f32 v37, v11;
	v44 =	vsub.f32 v6, v22;
	v42 =	vmul.f32 v47, v14;
	v45 =	vld [tilespmem:s7+$0x0]  }
0x1aa: {  	v9 =	vmul.f32 v50, v9;
	v13 =	vadd.f32 v40, v13;
	v37 =	vsub.f32 v3, v24;
	v14 =	vld [tilespmem:s1+$0x10800]  }
0x1ab: {  	v7 =	vadd.f32 v35, v7;
	v6 =	vmul.f32 v44, v6;
	v40 =	vld [tilespmem:s17+$0x100];
	v47 =	vsub.f32 v51, v31  }
0x1ac: {  	v1 =	vadd.f32 v10, v1;
	v50 =	vsub.f32 v48, v21;
	v35 =	vmul.f32 v37, v3;
	v44 =	vld [tilespmem:s9+$0x0]  }
0x1ad: {  	v36 =	vadd.s32 $0x20, v36;
	v4 =	vadd.f32 v15, v4;
	v3 =	vsub.f32 v2, v20;
	v10 =	vld [tilespmem:s21+$0x0]  }
0x1ae: {  	v9 =	vadd.f32 v9, v49;
	v15 =	vmul.f32 v50, v48;
	v37 =	vld [tilespmem:s17+$0x80];
	v50 =	vsub.f32 v45, v26  }
0x1af: {  	v13 =	vadd.f32 v41, v13;
	v2 =	vmul.f32 v3, v2;
	v3 =	vsub.f32 v43, v30;
	v48 =	vld [tilespmem:s17+$0x0]  }
0x1b0: {  	v9 =	vadd.f32 v9, v12;
	v51 =	vmul.f32 v47, v51;
	v53 =	vsub.f32 v39, v27;
	v41 =	vld [tilespmem:s23+$0x0]  }
0x1b1: {  	v43 =	vmul.f32 v3, v43;
	v3 =	vadd.f32 v1, v13;
	v12 =	vsub.f32 v40, v19;
	v55 =	vld [tilespmem:s8+$0x0]  }
0x1b2: {  	v0 =	vadd.f32 v7, v0;
	v1 =	vsub.f32 v14, v24;
	v56 =	vmul.f32 v50, v45;
	v13 =	vld [tilespmem:s26+$0x0]  }
0x1b3: {  	s1 =	sor.u32 s12, s10;
	v4 =	vadd.f32 v4, v11;
	v7 =	vmul.f32 v12, v40;
	v12 =	vsub.f32 v8, v23;
	v16 =	vld [tilespmem:s22+$0x0]  }
0x1b4: {  	v5 =	vadd.f32 v5, v54;
	v6 =	vadd.f32 v6, v15;
	vm0 =	vlt.f32 v3, v38;
	v58 =	vld [tilespmem:s1+$0x0]  }
0x1b5: {  	v4 =	vadd.f32 v0, v4;
	v1 =	vmul.f32 v1, v14;
	v11 =	vsub.f32 v41, v29;
	v47 =	vld [tilespmem:s1+$0x80]  }
0x1b6: {  	v0 =	vmul.f32 v12, v8;
	v8 =	vsub.f32 v57, v27;
	v40 =	vadd.f32 v2, v7;
	v59 =	vld [tilespmem:s1+$0x100]  }
0x1b7: {  	v52 =	vsel vm0, v33, v52;
	v33 =	vmovc v46;
	v7 =	vsub.f32 v10, v25;
	v45 =	vld [tilespmem:s1+$0x180];
	v2 =	vsub.f32 v13, v25  }
0x1b8: {  	v5 =	vadd.f32 v9, v5;
	v0 =	vadd.f32 v1, v0;
	v49 =	vmul.f32 v11, v41;
	v62 =	vld [tilespmem:s1+$0x200]  }
.Ltmp5:
0x1b9: {  	v61 =	vmul.f32 v8, v57;
	v1 =	vsub.f32 v44, v28;
	v8 =	vsub.f32 v16, v26;
	v57 =	vld [tilespmem:s18+$0x0];
	(pc) =	sbr.rel @p1 .LBB2_9-.Ltmp5, $4  }
0x1ba: {  	v9 =	vadd.f32 v5, v4;
	v41 =	vadd.f32 v0, v6;
	v2 =	vmul.f32 v2, v13;
	v0 =	vld [tilespmem:s1+$0x280]  }
0x1bb: {  	v5 =	vsub.f32 v55, v28;
	v11 =	vsel vm0, v3, v38;
	v54 =	vsub.f32 v58, v17;
	v50 =	vld [tilespmem:s4+$0x0]  }
0x1bc: {  	v46 =	vmul.f32 v7, v10;
	vm0 =	vlt.f32 v9, v11;
	v4 =	vsub.f32 v59, v19;
	v60 =	vld [tilespmem:s19+$0x0]  }
0x1bd: {  	s0 =	sadd.s32 $0x1, s0;
	s2 =	sadd.s32 $0x100, s2;
	v38 =	vsel vm0, v9, v11;
	v6 =	vmul.f32 v8, v16;
	v3 =	vsub.f32 v62, v21;
	v63 =	vld [tilespmem:s11+$0x10800]  }
0x1be: {  	v7 =	vadd.f32 v56, v46  }
0x1bf: {  	v8 =	vmul.f32 v53, v39;
	v5 =	vmul.f32 v5, v55;
	v9 =	vadd.f32 v42, v51  }
0x1c0: {  	v10 =	vmul.f32 v54, v58;
	v11 =	vsub.f32 v57, v29;
	v12 =	vsub.f32 v48, v17  }
0x1c1: {  	v1 =	vmul.f32 v1, v44;
	v15 =	vsub.f32 v47, v18;
	v53 =	vsub.f32 v37, v18  }
0x1c2: {  	v4 =	vmul.f32 v4, v59;
	v55 =	vadd.f32 v43, v49;
	v16 =	vsub.f32 v45, v20  }
0x1c3: {  	v2 =	vadd.f32 v6, v2;
	v46 =	vsub.f32 v0, v22;
	v3 =	vmul.f32 v3, v62  }
0x1c4: {  	v14 =	vld [tilespmem:s6+$0x0];
	v12 =	vmul.f32 v12, v48;
	v1 =	vadd.f32 v1, v61;
	v5 =	vadd.f32 v5, v8  }
0x1c5: {  	v51 =	vmul.f32 v11, v57;
	v56 =	vsub.f32 v50, v31;
	v15 =	vmul.f32 v15, v47  }
0x1c6: {  	v0 =	vmul.f32 v46, v0;
	v48 =	vsub.f32 v60, v30;
	v13 =	vsub.f32 v63, v23  }
0x1c7: {  	v1 =	vadd.f32 v1, v7;
	v7 =	vmul.f32 v53, v37;
	v58 =	vadd.f32 v15, v10  }
0x1c8: {  	v57 =	vmul.f32 v56, v50;
	v2 =	vadd.f32 v5, v2;
	v0 =	vadd.f32 v0, v3  }
0x1c9: {  	v6 =	vmul.f32 v48, v60;
	v36 =	vsub.f32 v14, v32;
	v3 =	vadd.f32 v9, v55  }
0x1ca: {  	v60 =	vmul.f32 v16, v45;
	v54 =	vmul.f32 v13, v63;
	v7 =	vadd.f32 v7, v12  }
0x1cb: {  	v6 =	vadd.f32 v6, v51;
	v59 =	vmul.f32 v36, v14;
	v1 =	vadd.f32 v3, v1  }
0x1cc: {  	v4 =	vadd.f32 v60, v4;
	v7 =	vadd.f32 v40, v7  }
0x1cd: {  	v11 =	vadd.f32 v35, v54;
	v61 =	vadd.f32 v59, v57  }
0x1ce: {  	v4 =	vadd.f32 v4, v58;
	v7 =	vadd.f32 v41, v7  }
0x1cf: {  	v0 =	vadd.f32 v11, v0;
	v3 =	vadd.f32 v61, v6  }
0x1d0: {  	v1 =	vadd.f32 v1, v7  }
0x1d1: {  	v0 =	vadd.f32 v0, v4;
	v2 =	vadd.f32 v3, v2  }
.Ltmp6:
0x1d2: {  	_ = 	snop;
	(pc) =	sbr.rel @p0 .LBB2_12-.Ltmp6, $4  }
0x1d3: {  	vm1 =	vlt.f32 v1, v38;
	v0 =	vadd.f32 v2, v0  }
0x1d4: {  	v62 =	vsel vm0, v34, v52;
	v1 =	vsel vm1, v1, v38  }
0x1d5: {  	v63 =	vadd.s32 $0x10, v33;
	v2 =	vsel vm1, v33, v62;
	vm15 =	vlt.f32 v0, v1  }
0x1d6: {  	v33 =	vsel vm15, v0, v1;
	v34 =	vsel vm15, v63, v2  }
0x1d7: {  	s0 =	rddreg [dreg:$0xf]  }
.Ltmp7:
0x1d8: {  	s0 =	sadd.s32 s24, s0;
	(pc) =	sbr.rel .LBB2_2-.Ltmp7, $4  }
0x1d9: {  	p0 =	slt.s32 s0, $0xF3C80  }
0x1da: {  	s1 =	simm.s32 $0x2C00;
	s2 =	simm.s32 $0x7A1400;
	s0 =	simm.s32 @!p0 $0xF3C80  }
0x1db: {  	s4 =	simm.s32 $0x10800;
	s20 =	sadd.s32 $0x1, s20;
	s0 =	sadd.s32 s3, s0  }
0x1dc: {  	v16 =	vlaneseq.u32;
	[tilespmem:s4], [sflag:$0x4] =	stream.strided.gather [hbm4b:s0+s1], $0x5800, s2, s1, $0x38;
	[tilespmem:$0x16180] =	vst v63  }
.LBB2_13:
0x1dd: {  	_ =	sfence.sel $0x180000  }
0x1de: {  	[bflag:$0x0] =	sbarrier.arrive $0xFFFF  }
0x1df: {  	_ =	strace $0x90000047  }
0x1e0: {  	s0 =	stileid.u32;
	[bflag:$0x2] =	sbarrier.arrive $0xFFFF  }
0x1e1: {  	p0 =	sne.s32 s0, $0x0;
	s0 =	rddreg [dreg:$0x3]  }
0x1e2: {  	s0 =	sadd.s32 @!p0 $0x100000, s0  }
0x1e3: {  	[sflag:s0] =	ssyncadd.tile.s32 @!p0 $0x1;
	_ =	shalt  }
.Lfunc_end2:
_tile_overlayer_lowered:
.L_overlay_start_2:
0x1e4: {  	(tag) =	ssettag $0x2  }
0x1e5: {  	s0 =	rddreg [dreg:$0x0];
	s2 =	stileid.u32  }
0x1e6: {  	s1 =	rddreg [dreg:$0x1];
	p0 =	sne.s32 s2, $0x0  }
0x1e7: {  	s3 =	rddreg [dreg:$0x2];
	[bflag:$0x3] =	sbarrier.arrive $0xFFFF;
	s2 =	simm.s32 @!p0 $0x1C05  }
0x1e8: {  	[timem:s3], [sflag:s2] =	dma.local @!p0 [hbm:s0], s1  }
0x1e9: {  	s0 =	simm.s32 @!p0 $0x5  }
0x1ea: {  	_ =	swait.ge @!p0 [sflag:s0], s1  }
0x1eb: {  	s1 =	ssub.s32 @!p0 $0x0, s1;
	[sflag:s0] =	ssyncset.done @!p0 $0x0  }
0x1ec: {  	[sflag:s0] =	ssyncadd.s32 @!p0 s1  }
0x1ed: {  	[bflag:$0x3] =	sbarrier.arrive $0xFFFF  }
0x1ee: {  	_ =	shalt  }

</sc_bundles>
